<compile_context>
chip_gen: v7x
topology: tpu7x:2x2x1
jax: 0.10.2.dev20260603
libtpu: 0.0.44.dev20260713+nightly
codegen_flags: <defaults>
</compile_context>

<pallas_src>
import functools

import jax
import jax.numpy as jnp
from jax import lax
from jax.experimental import pallas as pl
from jax.experimental.pallas import tpu as pltpu, tpu_sc as plsc

EPS = 1e-06
MEAN_READS = 5000.0
LN2 = 0.6931471805599453
SQRT2 = 1.4142135381698608

N_ROWS = 16384
R = 3
NC, NS, L = 2, 16, 16
NW = NC * NS
CHUNK = N_ROWS // NW
VECS = CHUNK // L


def _ln(x):
    bits = lax.bitcast_convert_type(x, jnp.int32)
    e = ((bits >> 23) & 0xFF) - 127
    m = lax.bitcast_convert_type((bits & 0x7FFFFF) | (127 << 23), jnp.float32)
    big = m > SQRT2
    m = jnp.where(big, m * 0.5, m)
    e = e + big.astype(jnp.int32)
    t = (m - 1.0) / (m + 1.0)
    z = t * t
    ln_m = 2.0 * t * (1.0 + z * (1.0 / 3.0 + z * (1.0 / 5.0 + z * (1.0 / 7.0 + z * (1.0 / 9.0)))))
    out = e.astype(jnp.float32) * LN2 + ln_m
    bad = jnp.logical_not(x < jnp.inf)
    return jnp.where(bad, x, out)


def _sc_body(gene_hbm, dsr_hbm, tor_hbm, tt_hbm, out_hbm,
             idx_v, p0_v, p1_v, p2_v, dsr_v, tor_v, sem_in, sem0, sem12,
             sem_out):
    wid = lax.axis_index("s") * NC + lax.axis_index("c")
    base = wid * CHUNK
    d = pltpu.async_copy(dsr_hbm.at[pl.ds(base, CHUNK)], dsr_v, sem_in)
    t = pltpu.async_copy(tor_hbm.at[pl.ds(base, CHUNK)], tor_v, sem_in)
    pltpu.sync_copy(gene_hbm.at[pl.ds(base, CHUNK)], idx_v)
    g0 = pltpu.async_copy(tt_hbm.at[0].at[idx_v], p0_v, sem0)
    g1 = pltpu.async_copy(tt_hbm.at[1].at[idx_v], p1_v, sem12)
    g2 = pltpu.async_copy(tt_hbm.at[2].at[idx_v], p2_v, sem12)
    d.wait()
    t.wait()
    for k in range(VECS):
        s = pl.ds(k * L, L)
        scale = tor_v[s] / (MEAN_READS * dsr_v[s])
        dsr_v[s] = _ln(EPS + scale)
    g0.wait()
    for k in range(VECS):
        s = pl.ds(k * L, L)
        p0_v[s] = p0_v[s] + dsr_v[s]
    w0 = pltpu.async_copy(p0_v, out_hbm.at[0].at[pl.ds(base, CHUNK)], sem_out)
    g1.wait()
    g2.wait()
    w1 = pltpu.async_copy(p1_v, out_hbm.at[1].at[pl.ds(base, CHUNK)], sem_out)
    w2 = pltpu.async_copy(p2_v, out_hbm.at[2].at[pl.ds(base, CHUNK)], sem_out)
    w0.wait()
    w1.wait()
    w2.wait()


@jax.jit
def _sc_call(gene_idx, dsr, tor, table):
    mesh = plsc.VectorSubcoreMesh(core_axis_name="c", subcore_axis_name="s")
    fn = functools.partial(
        pl.kernel,
        out_type=jax.ShapeDtypeStruct((R, N_ROWS), jnp.float32),
        mesh=mesh,
        scratch_types=[
            pltpu.VMEM((CHUNK,), jnp.int32),
            pltpu.VMEM((CHUNK,), jnp.float32),
            pltpu.VMEM((CHUNK,), jnp.float32),
            pltpu.VMEM((CHUNK,), jnp.float32),
            pltpu.VMEM((CHUNK,), jnp.float32),
            pltpu.VMEM((CHUNK,), jnp.float32),
            pltpu.SemaphoreType.DMA,
            pltpu.SemaphoreType.DMA,
            pltpu.SemaphoreType.DMA,
            pltpu.SemaphoreType.DMA,
        ],
        compiler_params=pltpu.CompilerParams(use_tc_tiling_on_sc=False,
                                             needs_layout_passes=False),
    )(_sc_body)
    return fn(gene_idx, dsr, tor, table.T).T


def kernel(gene_index_tensor_n, cell_index_tensor_n, downsampling_rate_tensor_n,
           total_obs_reads_per_cell_tensor_n, cell_features_nf, readout_bias_gr):
    return _sc_call(gene_index_tensor_n.astype(jnp.int32),
                    downsampling_rate_tensor_n,
                    total_obs_reads_per_cell_tensor_n,
                    readout_bias_gr)

# --- scband reference (transcript-rebuilt; emitter-appended) ---
"""Pipeline reference for scband-gene-level-gene-expression-prior-45913200394930 (READ-ONLY COPY).

The authoritative reference and input builder live on the scoring server;
editing this copy changes nothing except your own understanding.
"""

import jax, jax.numpy as jnp
import numpy as np

EPS = 1e-06
MEAN_TOTAL_READS_PER_CELL = 5000.0
NUM_GENES = 100000
N = 16384


def setup_inputs(seed: int = 0) -> dict:
    key = jax.random.key(seed)
    k1, k2, k3, k4, k5, k6 = jax.random.split(key, 6)
    gene_index_tensor_n = jax.random.randint(k1, (N,), 0, NUM_GENES, dtype=jnp.int64) if jax.config.read('jax_enable_x64') else jax.random.randint(k1, (N,), 0, NUM_GENES, dtype=jnp.int32)
    cell_index_tensor_n = jax.random.randint(k2, (N,), 0, N, dtype=jnp.int32)
    downsampling_rate_tensor_n = jax.random.uniform(k3, (N,), dtype=jnp.float32)
    total_obs_reads_per_cell_tensor_n = jax.random.uniform(k4, (N,), dtype=jnp.float32)
    cell_features_nf = jax.random.normal(k5, (N, 16), dtype=jnp.float32)
    # learned parameter: per-gene readout bias (log_mu, log_phi, logit_p_zero)
    readout_bias_gr = jax.random.normal(k6, (NUM_GENES, 3), dtype=jnp.float32)
    return {
        'gene_index_tensor_n': gene_index_tensor_n,
        'cell_index_tensor_n': cell_index_tensor_n,
        'downsampling_rate_tensor_n': downsampling_rate_tensor_n,
        'total_obs_reads_per_cell_tensor_n': total_obs_reads_per_cell_tensor_n,
        'cell_features_nf': cell_features_nf,
        'readout_bias_gr': readout_bias_gr,
    }


def reference(gene_index_tensor_n, cell_index_tensor_n, downsampling_rate_tensor_n,
              total_obs_reads_per_cell_tensor_n, cell_features_nf, readout_bias_gr):
    # gather per-gene bias rows (embedding lookup)
    bias_nr = jnp.take(readout_bias_gr, gene_index_tensor_n, axis=0)
    cell_size_scale_n = total_obs_reads_per_cell_tensor_n / (
        MEAN_TOTAL_READS_PER_CELL * downsampling_rate_tensor_n)
    # in-place column-0 add in torch -> functional .at update in jax
    expr_params_nr = bias_nr.at[:, 0].add(jnp.log(EPS + cell_size_scale_n))
    return expr_params_nr

if __name__ == "__main__":
    import jax
    _d = setup_inputs()
    print(jax.jit(kernel)(*tuple(_d.values())))

</pallas_src>

<mosaic_0001>
#map = affine_map<(d0, d1) -> (0)>
#map1 = affine_map<(d0, d1) -> (0, 0)>
module attributes {stable_mosaic.version = 14 : i64} {
  func.func @_sc_body(%arg0: i32, %arg1: i32, %arg2: memref<16384xi32, #tpu.memory_space<hbm>>, %arg3: memref<16384xf32, #tpu.memory_space<hbm>>, %arg4: memref<16384xf32, #tpu.memory_space<hbm>>, %arg5: memref<3x100000xf32, #tpu.memory_space<hbm>>, %arg6: memref<3x16384xf32, #tpu.memory_space<hbm>>, %arg7: memref<512xi32, #tpu.memory_space<vmem>>, %arg8: memref<512xf32, #tpu.memory_space<vmem>>, %arg9: memref<512xf32, #tpu.memory_space<vmem>>, %arg10: memref<512xf32, #tpu.memory_space<vmem>>, %arg11: memref<512xf32, #tpu.memory_space<vmem>>, %arg12: memref<512xf32, #tpu.memory_space<vmem>>, %arg13: memref<!tpu.dma_semaphore, #tpu.memory_space<semaphore_mem>>, %arg14: memref<!tpu.dma_semaphore, #tpu.memory_space<semaphore_mem>>, %arg15: memref<!tpu.dma_semaphore, #tpu.memory_space<semaphore_mem>>, %arg16: memref<!tpu.dma_semaphore, #tpu.memory_space<semaphore_mem>>) attributes {dimension_semantics = [#tpu.dimension_semantics<core_parallel>, #tpu.dimension_semantics<subcore_parallel>], iteration_bounds = array<i64: 2, 16>, scalar_prefetch = 0 : i64, scratch_operands = 10 : i64, tpu.core_type = #tpu.core_type<sc_vector_subcore>, window_params = [{transform_indices = #map}, {transform_indices = #map}, {transform_indices = #map}, {transform_indices = #map1}, {transform_indices = #map1}]} {
    %mul3A = arith.constant 2 : i32
    %mul3A_0 = arith.muli %arg1, %mul3A : i32
    %add3A = arith.addi %mul3A_0, %arg0 : i32
    %mul3A_1 = arith.constant 512 : i32
    %mul3A_2 = arith.muli %add3A, %mul3A_1 : i32
    %dma_start3A = tpu.memref_slice %arg3[%mul3A_2] : memref<16384xf32, #tpu.memory_space<hbm>> -> memref<512xf32, #tpu.memory_space<hbm>>
    %dma_start3A_3 = tpu.memref_slice %arg3[%mul3A_2] : memref<16384xf32, #tpu.memory_space<hbm>> -> memref<512xf32, #tpu.memory_space<hbm>>
    tpu.enqueue_dma source(%dma_start3A_3 : memref<512xf32, #tpu.memory_space<hbm>>) target(%arg11 : memref<512xf32, #tpu.memory_space<vmem>>) target_semaphore(%arg13 : memref<!tpu.dma_semaphore, #tpu.memory_space<semaphore_mem>>)
    %dma_start3A_4 = tpu.memref_slice %arg4[%mul3A_2] : memref<16384xf32, #tpu.memory_space<hbm>> -> memref<512xf32, #tpu.memory_space<hbm>>
    %dma_start3A_5 = tpu.memref_slice %arg4[%mul3A_2] : memref<16384xf32, #tpu.memory_space<hbm>> -> memref<512xf32, #tpu.memory_space<hbm>>
    tpu.enqueue_dma source(%dma_start3A_5 : memref<512xf32, #tpu.memory_space<hbm>>) target(%arg12 : memref<512xf32, #tpu.memory_space<vmem>>) target_semaphore(%arg13 : memref<!tpu.dma_semaphore, #tpu.memory_space<semaphore_mem>>)
    "tpu.region"() ({
      %run_scoped3A = tpu.sem_alloc : memref<!tpu.dma_semaphore, #tpu.memory_space<semaphore_mem>>
      %dma_start3A_2870 = tpu.memref_slice %arg2[%mul3A_2] : memref<16384xi32, #tpu.memory_space<hbm>> -> memref<512xi32, #tpu.memory_space<hbm>>
      %dma_start3A_2871 = tpu.memref_slice %arg2[%mul3A_2] : memref<16384xi32, #tpu.memory_space<hbm>> -> memref<512xi32, #tpu.memory_space<hbm>>
      tpu.enqueue_dma source(%dma_start3A_2871 : memref<512xi32, #tpu.memory_space<hbm>>) target(%arg7 : memref<512xi32, #tpu.memory_space<vmem>>) target_semaphore(%run_scoped3A : memref<!tpu.dma_semaphore, #tpu.memory_space<semaphore_mem>>)
      %dma_wait3A_2872 = tpu.memref_slice %arg2[%mul3A_2] : memref<16384xi32, #tpu.memory_space<hbm>> -> memref<512xi32, #tpu.memory_space<hbm>>
      %dma_wait3A_2873 = tpu.memref_slice %arg2[%mul3A_2] : memref<16384xi32, #tpu.memory_space<hbm>> -> memref<512xi32, #tpu.memory_space<hbm>>
      tpu.wait_dma2 semaphore(%run_scoped3A : memref<!tpu.dma_semaphore, #tpu.memory_space<semaphore_mem>>) src(%dma_wait3A_2873 : memref<512xi32, #tpu.memory_space<hbm>>) dst(%arg7 : memref<512xi32, #tpu.memory_space<vmem>>)
      tpu.yield
    }) : () -> ()
    %dma_start3A_6 = arith.constant 0 : i32
    %dma_start3A_7 = arith.constant 0 : i32
    %dma_start3A_8 = tpu.memref_slice %arg5[%dma_start3A_6, %dma_start3A_7] : memref<3x100000xf32, #tpu.memory_space<hbm>> -> memref<1x100000xf32, #tpu.memory_space<hbm>>
    %dma_start3A_9 = tpu.memref_squeeze %dma_start3A_8 : memref<1x100000xf32, #tpu.memory_space<hbm>> -> memref<100000xf32, #tpu.memory_space<hbm>>
    %dma_start3A_10 = arith.constant 0 : i32
    %dma_start3A_11 = tpu.memref_slice %dma_start3A_9[%dma_start3A_10] : memref<100000xf32, #tpu.memory_space<hbm>> -> memref<100000xf32, #tpu.memory_space<hbm>>
    tpu.enqueue_indirect_dma source(%dma_start3A_11 : memref<100000xf32, #tpu.memory_space<hbm>>) target(%arg8 : memref<512xf32, #tpu.memory_space<vmem>>) offsets(%arg7 : memref<512xi32, #tpu.memory_space<vmem>>) semaphore(%arg14 : memref<!tpu.dma_semaphore, #tpu.memory_space<semaphore_mem>>)
    %dma_start3A_12 = arith.constant 1 : i32
    %dma_start3A_13 = arith.constant 0 : i32
    %dma_start3A_14 = tpu.memref_slice %arg5[%dma_start3A_12, %dma_start3A_13] : memref<3x100000xf32, #tpu.memory_space<hbm>> -> memref<1x100000xf32, #tpu.memory_space<hbm>>
    %dma_start3A_15 = tpu.memref_squeeze %dma_start3A_14 : memref<1x100000xf32, #tpu.memory_space<hbm>> -> memref<100000xf32, #tpu.memory_space<hbm>>
    %dma_start3A_16 = arith.constant 0 : i32
    %dma_start3A_17 = tpu.memref_slice %dma_start3A_15[%dma_start3A_16] : memref<100000xf32, #tpu.memory_space<hbm>> -> memref<100000xf32, #tpu.memory_space<hbm>>
    tpu.enqueue_indirect_dma source(%dma_start3A_17 : memref<100000xf32, #tpu.memory_space<hbm>>) target(%arg9 : memref<512xf32, #tpu.memory_space<vmem>>) offsets(%arg7 : memref<512xi32, #tpu.memory_space<vmem>>) semaphore(%arg15 : memref<!tpu.dma_semaphore, #tpu.memory_space<semaphore_mem>>)
    %dma_start3A_18 = arith.constant 2 : i32
    %dma_start3A_19 = arith.constant 0 : i32
    %dma_start3A_20 = tpu.memref_slice %arg5[%dma_start3A_18, %dma_start3A_19] : memref<3x100000xf32, #tpu.memory_space<hbm>> -> memref<1x100000xf32, #tpu.memory_space<hbm>>
    %dma_start3A_21 = tpu.memref_squeeze %dma_start3A_20 : memref<1x100000xf32, #tpu.memory_space<hbm>> -> memref<100000xf32, #tpu.memory_space<hbm>>
    %dma_start3A_22 = arith.constant 0 : i32
    %dma_start3A_23 = tpu.memref_slice %dma_start3A_21[%dma_start3A_22] : memref<100000xf32, #tpu.memory_space<hbm>> -> memref<100000xf32, #tpu.memory_space<hbm>>
    tpu.enqueue_indirect_dma source(%dma_start3A_23 : memref<100000xf32, #tpu.memory_space<hbm>>) target(%arg10 : memref<512xf32, #tpu.memory_space<vmem>>) offsets(%arg7 : memref<512xi32, #tpu.memory_space<vmem>>) semaphore(%arg15 : memref<!tpu.dma_semaphore, #tpu.memory_space<semaphore_mem>>)
    %dma_wait3A = tpu.memref_slice %arg3[%mul3A_2] : memref<16384xf32, #tpu.memory_space<hbm>> -> memref<512xf32, #tpu.memory_space<hbm>>
    %dma_wait3A_24 = tpu.memref_slice %arg3[%mul3A_2] : memref<16384xf32, #tpu.memory_space<hbm>> -> memref<512xf32, #tpu.memory_space<hbm>>
    tpu.wait_dma2 semaphore(%arg13 : memref<!tpu.dma_semaphore, #tpu.memory_space<semaphore_mem>>) src(%dma_wait3A_24 : memref<512xf32, #tpu.memory_space<hbm>>) dst(%arg11 : memref<512xf32, #tpu.memory_space<vmem>>)
    %dma_wait3A_25 = tpu.memref_slice %arg4[%mul3A_2] : memref<16384xf32, #tpu.memory_space<hbm>> -> memref<512xf32, #tpu.memory_space<hbm>>
    %dma_wait3A_26 = tpu.memref_slice %arg4[%mul3A_2] : memref<16384xf32, #tpu.memory_space<hbm>> -> memref<512xf32, #tpu.memory_space<hbm>>
    tpu.wait_dma2 semaphore(%arg13 : memref<!tpu.dma_semaphore, #tpu.memory_space<semaphore_mem>>) src(%dma_wait3A_26 : memref<512xf32, #tpu.memory_space<hbm>>) dst(%arg12 : memref<512xf32, #tpu.memory_space<vmem>>)
    %get3A = arith.constant 0 : index
    %get3A_27 = tpu.vector_load %arg12[%get3A] {strides = array<i32>} : memref<512xf32, #tpu.memory_space<vmem>>, vector<16xf32>,
    %get3A_28 = arith.constant 0 : index
    %get3A_29 = tpu.vector_load %arg11[%get3A_28] {strides = array<i32>} : memref<512xf32, #tpu.memory_space<vmem>>, vector<16xf32>,
    %mul3A_30 = arith.constant 5.000000e+03 : f32
    %mul3A_31 = vector.broadcast %mul3A_30 : f32 to vector<16xf32>
    %mul3A_32 = arith.mulf %mul3A_31, %get3A_29 : vector<16xf32>
    %div3A = arith.divf %get3A_27, %mul3A_32 : vector<16xf32>
    %add3A_33 = arith.constant 9.99999997E-7 : f32
    %add3A_34 = vector.broadcast %add3A_33 : f32 to vector<16xf32>
    %add3A_35 = arith.addf %add3A_34, %div3A : vector<16xf32>
    %bitcast_convert_type3A = tpu.bitcast %add3A_35 : vector<16xf32> -> vector<16xi32>
    %shift_right_arithmetic3A = arith.constant 23 : i32
    %shift_right_arithmetic3A_36 = vector.broadcast %shift_right_arithmetic3A : i32 to vector<16xi32>
    %shift_right_arithmetic3A_37 = arith.shrsi %bitcast_convert_type3A, %shift_right_arithmetic3A_36 : vector<16xi32>
    %and3A = arith.constant 255 : i32
    %and3A_38 = vector.broadcast %and3A : i32 to vector<16xi32>
    %and3A_39 = arith.andi %shift_right_arithmetic3A_37, %and3A_38 : vector<16xi32>
    %sub3A = arith.constant 127 : i32
    %sub3A_40 = vector.broadcast %sub3A : i32 to vector<16xi32>
    %sub3A_41 = arith.subi %and3A_39, %sub3A_40 : vector<16xi32>
    %and3A_42 = arith.constant 8388607 : i32
    %and3A_43 = vector.broadcast %and3A_42 : i32 to vector<16xi32>
    %and3A_44 = arith.andi %bitcast_convert_type3A, %and3A_43 : vector<16xi32>
    %or3A = arith.constant 1065353216 : i32
    %or3A_45 = vector.broadcast %or3A : i32 to vector<16xi32>
    %or3A_46 = arith.ori %and3A_44, %or3A_45 : vector<16xi32>
    %bitcast_convert_type3A_47 = tpu.bitcast %or3A_46 : vector<16xi32> -> vector<16xf32>
    %gt3A = arith.constant 1.41421354 : f32
    %gt3A_48 = vector.broadcast %gt3A : f32 to vector<16xf32>
    %gt3A_49 = arith.cmpf ogt, %bitcast_convert_type3A_47, %gt3A_48 : vector<16xf32>
    %mul3A_50 = arith.constant 5.000000e-01 : f32
    %mul3A_51 = vector.broadcast %mul3A_50 : f32 to vector<16xf32>
    %mul3A_52 = arith.mulf %bitcast_convert_type3A_47, %mul3A_51 : vector<16xf32>
    %select_n3A = arith.select %gt3A_49, %mul3A_52, %bitcast_convert_type3A_47 : vector<16xi1>, vector<16xf32>
    %convert_element_type3A = arith.extui %gt3A_49 : vector<16xi1> to vector<16xi32>
    %add3A_53 = arith.addi %sub3A_41, %convert_element_type3A : vector<16xi32>
    %sub3A_54 = arith.constant 1.000000e+00 : f32
    %sub3A_55 = vector.broadcast %sub3A_54 : f32 to vector<16xf32>
    %sub3A_56 = arith.subf %select_n3A, %sub3A_55 : vector<16xf32>
    %add3A_57 = arith.constant 1.000000e+00 : f32
    %add3A_58 = vector.broadcast %add3A_57 : f32 to vector<16xf32>
    %add3A_59 = arith.addf %select_n3A, %add3A_58 : vector<16xf32>
    %div3A_60 = arith.divf %sub3A_56, %add3A_59 : vector<16xf32>
    %mul3A_61 = arith.mulf %div3A_60, %div3A_60 : vector<16xf32>
    %mul3A_62 = arith.constant 2.000000e+00 : f32
    %mul3A_63 = vector.broadcast %mul3A_62 : f32 to vector<16xf32>
    %mul3A_64 = arith.mulf %mul3A_63, %div3A_60 : vector<16xf32>
    %mul3A_65 = arith.constant 0.111111112 : f32
    %mul3A_66 = vector.broadcast %mul3A_65 : f32 to vector<16xf32>
    %mul3A_67 = arith.mulf %mul3A_61, %mul3A_66 : vector<16xf32>
    %add3A_68 = arith.constant 0.142857149 : f32
    %add3A_69 = vector.broadcast %add3A_68 : f32 to vector<16xf32>
    %add3A_70 = arith.addf %add3A_69, %mul3A_67 : vector<16xf32>
    %mul3A_71 = arith.mulf %mul3A_61, %add3A_70 : vector<16xf32>
    %add3A_72 = arith.constant 2.000000e-01 : f32
    %add3A_73 = vector.broadcast %add3A_72 : f32 to vector<16xf32>
    %add3A_74 = arith.addf %add3A_73, %mul3A_71 : vector<16xf32>
    %mul3A_75 = arith.mulf %mul3A_61, %add3A_74 : vector<16xf32>
    %add3A_76 = arith.constant 0.333333343 : f32
    %add3A_77 = vector.broadcast %add3A_76 : f32 to vector<16xf32>
    %add3A_78 = arith.addf %add3A_77, %mul3A_75 : vector<16xf32>
    %mul3A_79 = arith.mulf %mul3A_61, %add3A_78 : vector<16xf32>
    %add3A_80 = arith.constant 1.000000e+00 : f32
    %add3A_81 = vector.broadcast %add3A_80 : f32 to vector<16xf32>
    %add3A_82 = arith.addf %add3A_81, %mul3A_79 : vector<16xf32>
    %mul3A_83 = arith.mulf %mul3A_64, %add3A_82 : vector<16xf32>
    %convert_element_type3A_84 = arith.sitofp %add3A_53 : vector<16xi32> to vector<16xf32>
    %mul3A_85 = arith.constant 0.693147182 : f32
    %mul3A_86 = vector.broadcast %mul3A_85 : f32 to vector<16xf32>
    %mul3A_87 = arith.mulf %convert_element_type3A_84, %mul3A_86 : vector<16xf32>
    %add3A_88 = arith.addf %mul3A_87, %mul3A_83 : vector<16xf32>
    %lt3A = arith.constant 0x7F800000 : f32
    %lt3A_89 = vector.broadcast %lt3A : f32 to vector<16xf32>
    %lt3A_90 = arith.cmpf olt, %add3A_35, %lt3A_89 : vector<16xf32>
    %not3A = arith.constant dense<true> : vector<16xi1>
    %not3A_91 = arith.xori %lt3A_90, %not3A : vector<16xi1>
    %select_n3A_92 = arith.select %not3A_91, %add3A_35, %add3A_88 : vector<16xi1>, vector<16xf32>
    %swap3A = arith.constant 0 : index
    %swap3A_93 = tpu.vector_load %arg11[%swap3A] {strides = array<i32>} : memref<512xf32, #tpu.memory_space<vmem>>, vector<16xf32>,
    tpu.vector_store %arg11[%swap3A], %select_n3A_92 {strides = array<i32>} : memref<512xf32, #tpu.memory_space<vmem>>, vector<16xf32>,
    %get3A_94 = arith.constant 16 : index
    %get3A_95 = tpu.vector_load %arg12[%get3A_94] {strides = array<i32>} : memref<512xf32, #tpu.memory_space<vmem>>, vector<16xf32>,
    %get3A_96 = arith.constant 16 : index
    %get3A_97 = tpu.vector_load %arg11[%get3A_96] {strides = array<i32>} : memref<512xf32, #tpu.memory_space<vmem>>, vector<16xf32>,
    %mul3A_98 = arith.constant 5.000000e+03 : f32
    %mul3A_99 = vector.broadcast %mul3A_98 : f32 to vector<16xf32>
    %mul3A_100 = arith.mulf %mul3A_99, %get3A_97 : vector<16xf32>
    %div3A_101 = arith.divf %get3A_95, %mul3A_100 : vector<16xf32>
    %add3A_102 = arith.constant 9.99999997E-7 : f32
    %add3A_103 = vector.broadcast %add3A_102 : f32 to vector<16xf32>
    %add3A_104 = arith.addf %add3A_103, %div3A_101 : vector<16xf32>
    %bitcast_convert_type3A_105 = tpu.bitcast %add3A_104 : vector<16xf32> -> vector<16xi32>
    %shift_right_arithmetic3A_106 = arith.constant 23 : i32
    %shift_right_arithmetic3A_107 = vector.broadcast %shift_right_arithmetic3A_106 : i32 to vector<16xi32>
    %shift_right_arithmetic3A_108 = arith.shrsi %bitcast_convert_type3A_105, %shift_right_arithmetic3A_107 : vector<16xi32>
    %and3A_109 = arith.constant 255 : i32
    %and3A_110 = vector.broadcast %and3A_109 : i32 to vector<16xi32>
    %and3A_111 = arith.andi %shift_right_arithmetic3A_108, %and3A_110 : vector<16xi32>
    %sub3A_112 = arith.constant 127 : i32
    %sub3A_113 = vector.broadcast %sub3A_112 : i32 to vector<16xi32>
    %sub3A_114 = arith.subi %and3A_111, %sub3A_113 : vector<16xi32>
    %and3A_115 = arith.constant 8388607 : i32
    %and3A_116 = vector.broadcast %and3A_115 : i32 to vector<16xi32>
    %and3A_117 = arith.andi %bitcast_convert_type3A_105, %and3A_116 : vector<16xi32>
    %or3A_118 = arith.constant 1065353216 : i32
    %or3A_119 = vector.broadcast %or3A_118 : i32 to vector<16xi32>
    %or3A_120 = arith.ori %and3A_117, %or3A_119 : vector<16xi32>
    %bitcast_convert_type3A_121 = tpu.bitcast %or3A_120 : vector<16xi32> -> vector<16xf32>
    %gt3A_122 = arith.constant 1.41421354 : f32
    %gt3A_123 = vector.broadcast %gt3A_122 : f32 to vector<16xf32>
    %gt3A_124 = arith.cmpf ogt, %bitcast_convert_type3A_121, %gt3A_123 : vector<16xf32>
    %mul3A_125 = arith.constant 5.000000e-01 : f32
    %mul3A_126 = vector.broadcast %mul3A_125 : f32 to vector<16xf32>
    %mul3A_127 = arith.mulf %bitcast_convert_type3A_121, %mul3A_126 : vector<16xf32>
    %select_n3A_128 = arith.select %gt3A_124, %mul3A_127, %bitcast_convert_type3A_121 : vector<16xi1>, vector<16xf32>
    %convert_element_type3A_129 = arith.extui %gt3A_124 : vector<16xi1> to vector<16xi32>
    %add3A_130 = arith.addi %sub3A_114, %convert_element_type3A_129 : vector<16xi32>
    %sub3A_131 = arith.constant 1.000000e+00 : f32
    %sub3A_132 = vector.broadcast %sub3A_131 : f32 to vector<16xf32>
    %sub3A_133 = arith.subf %select_n3A_128, %sub3A_132 : vector<16xf32>
    %add3A_134 = arith.constant 1.000000e+00 : f32
    %add3A_135 = vector.broadcast %add3A_134 : f32 to vector<16xf32>
    %add3A_136 = arith.addf %select_n3A_128, %add3A_135 : vector<16xf32>
    %div3A_137 = arith.divf %sub3A_133, %add3A_136 : vector<16xf32>
    %mul3A_138 = arith.mulf %div3A_137, %div3A_137 : vector<16xf32>
    %mul3A_139 = arith.constant 2.000000e+00 : f32
    %mul3A_140 = vector.broadcast %mul3A_139 : f32 to vector<16xf32>
    %mul3A_141 = arith.mulf %mul3A_140, %div3A_137 : vector<16xf32>
    %mul3A_142 = arith.constant 0.111111112 : f32
    %mul3A_143 = vector.broadcast %mul3A_142 : f32 to vector<16xf32>
    %mul3A_144 = arith.mulf %mul3A_138, %mul3A_143 : vector<16xf32>
    %add3A_145 = arith.constant 0.142857149 : f32
    %add3A_146 = vector.broadcast %add3A_145 : f32 to vector<16xf32>
    %add3A_147 = arith.addf %add3A_146, %mul3A_144 : vector<16xf32>
    %mul3A_148 = arith.mulf %mul3A_138, %add3A_147 : vector<16xf32>
    %add3A_149 = arith.constant 2.000000e-01 : f32
    %add3A_150 = vector.broadcast %add3A_149 : f32 to vector<16xf32>
    %add3A_151 = arith.addf %add3A_150, %mul3A_148 : vector<16xf32>
    %mul3A_152 = arith.mulf %mul3A_138, %add3A_151 : vector<16xf32>
    %add3A_153 = arith.constant 0.333333343 : f32
    %add3A_154 = vector.broadcast %add3A_153 : f32 to vector<16xf32>
    %add3A_155 = arith.addf %add3A_154, %mul3A_152 : vector<16xf32>
    %mul3A_156 = arith.mulf %mul3A_138, %add3A_155 : vector<16xf32>
    %add3A_157 = arith.constant 1.000000e+00 : f32
    %add3A_158 = vector.broadcast %add3A_157 : f32 to vector<16xf32>
    %add3A_159 = arith.addf %add3A_158, %mul3A_156 : vector<16xf32>
    %mul3A_160 = arith.mulf %mul3A_141, %add3A_159 : vector<16xf32>
    %convert_element_type3A_161 = arith.sitofp %add3A_130 : vector<16xi32> to vector<16xf32>
    %mul3A_162 = arith.constant 0.693147182 : f32
    %mul3A_163 = vector.broadcast %mul3A_162 : f32 to vector<16xf32>
    %mul3A_164 = arith.mulf %convert_element_type3A_161, %mul3A_163 : vector<16xf32>
    %add3A_165 = arith.addf %mul3A_164, %mul3A_160 : vector<16xf32>
    %lt3A_166 = arith.constant 0x7F800000 : f32
    %lt3A_167 = vector.broadcast %lt3A_166 : f32 to vector<16xf32>
    %lt3A_168 = arith.cmpf olt, %add3A_104, %lt3A_167 : vector<16xf32>
    %not3A_169 = arith.constant dense<true> : vector<16xi1>
    %not3A_170 = arith.xori %lt3A_168, %not3A_169 : vector<16xi1>
    %select_n3A_171 = arith.select %not3A_170, %add3A_104, %add3A_165 : vector<16xi1>, vector<16xf32>
    %swap3A_172 = arith.constant 16 : index
    %swap3A_173 = tpu.vector_load %arg11[%swap3A_172] {strides = array<i32>} : memref<512xf32, #tpu.memory_space<vmem>>, vector<16xf32>,
    tpu.vector_store %arg11[%swap3A_172], %select_n3A_171 {strides = array<i32>} : memref<512xf32, #tpu.memory_space<vmem>>, vector<16xf32>,
    %get3A_174 = arith.constant 32 : index
    %get3A_175 = tpu.vector_load %arg12[%get3A_174] {strides = array<i32>} : memref<512xf32, #tpu.memory_space<vmem>>, vector<16xf32>,
    %get3A_176 = arith.constant 32 : index
    %get3A_177 = tpu.vector_load %arg11[%get3A_176] {strides = array<i32>} : memref<512xf32, #tpu.memory_space<vmem>>, vector<16xf32>,
    %mul3A_178 = arith.constant 5.000000e+03 : f32
    %mul3A_179 = vector.broadcast %mul3A_178 : f32 to vector<16xf32>
    %mul3A_180 = arith.mulf %mul3A_179, %get3A_177 : vector<16xf32>
    %div3A_181 = arith.divf %get3A_175, %mul3A_180 : vector<16xf32>
    %add3A_182 = arith.constant 9.99999997E-7 : f32
    %add3A_183 = vector.broadcast %add3A_182 : f32 to vector<16xf32>
    %add3A_184 = arith.addf %add3A_183, %div3A_181 : vector<16xf32>
    %bitcast_convert_type3A_185 = tpu.bitcast %add3A_184 : vector<16xf32> -> vector<16xi32>
    %shift_right_arithmetic3A_186 = arith.constant 23 : i32
    %shift_right_arithmetic3A_187 = vector.broadcast %shift_right_arithmetic3A_186 : i32 to vector<16xi32>
    %shift_right_arithmetic3A_188 = arith.shrsi %bitcast_convert_type3A_185, %shift_right_arithmetic3A_187 : vector<16xi32>
    %and3A_189 = arith.constant 255 : i32
    %and3A_190 = vector.broadcast %and3A_189 : i32 to vector<16xi32>
    %and3A_191 = arith.andi %shift_right_arithmetic3A_188, %and3A_190 : vector<16xi32>
    %sub3A_192 = arith.constant 127 : i32
    %sub3A_193 = vector.broadcast %sub3A_192 : i32 to vector<16xi32>
    %sub3A_194 = arith.subi %and3A_191, %sub3A_193 : vector<16xi32>
    %and3A_195 = arith.constant 8388607 : i32
    %and3A_196 = vector.broadcast %and3A_195 : i32 to vector<16xi32>
    %and3A_197 = arith.andi %bitcast_convert_type3A_185, %and3A_196 : vector<16xi32>
    %or3A_198 = arith.constant 1065353216 : i32
    %or3A_199 = vector.broadcast %or3A_198 : i32 to vector<16xi32>
    %or3A_200 = arith.ori %and3A_197, %or3A_199 : vector<16xi32>
    %bitcast_convert_type3A_201 = tpu.bitcast %or3A_200 : vector<16xi32> -> vector<16xf32>
    %gt3A_202 = arith.constant 1.41421354 : f32
    %gt3A_203 = vector.broadcast %gt3A_202 : f32 to vector<16xf32>
    %gt3A_204 = arith.cmpf ogt, %bitcast_convert_type3A_201, %gt3A_203 : vector<16xf32>
    %mul3A_205 = arith.constant 5.000000e-01 : f32
    %mul3A_206 = vector.broadcast %mul3A_205 : f32 to vector<16xf32>
    %mul3A_207 = arith.mulf %bitcast_convert_type3A_201, %mul3A_206 : vector<16xf32>
    %select_n3A_208 = arith.select %gt3A_204, %mul3A_207, %bitcast_convert_type3A_201 : vector<16xi1>, vector<16xf32>
    %convert_element_type3A_209 = arith.extui %gt3A_204 : vector<16xi1> to vector<16xi32>
    %add3A_210 = arith.addi %sub3A_194, %convert_element_type3A_209 : vector<16xi32>
    %sub3A_211 = arith.constant 1.000000e+00 : f32
    %sub3A_212 = vector.broadcast %sub3A_211 : f32 to vector<16xf32>
    %sub3A_213 = arith.subf %select_n3A_208, %sub3A_212 : vector<16xf32>
    %add3A_214 = arith.constant 1.000000e+00 : f32
    %add3A_215 = vector.broadcast %add3A_214 : f32 to vector<16xf32>
    %add3A_216 = arith.addf %select_n3A_208, %add3A_215 : vector<16xf32>
    %div3A_217 = arith.divf %sub3A_213, %add3A_216 : vector<16xf32>
    %mul3A_218 = arith.mulf %div3A_217, %div3A_217 : vector<16xf32>
    %mul3A_219 = arith.constant 2.000000e+00 : f32
    %mul3A_220 = vector.broadcast %mul3A_219 : f32 to vector<16xf32>
    %mul3A_221 = arith.mulf %mul3A_220, %div3A_217 : vector<16xf32>
    %mul3A_222 = arith.constant 0.111111112 : f32
    %mul3A_223 = vector.broadcast %mul3A_222 : f32 to vector<16xf32>
    %mul3A_224 = arith.mulf %mul3A_218, %mul3A_223 : vector<16xf32>
    %add3A_225 = arith.constant 0.142857149 : f32
    %add3A_226 = vector.broadcast %add3A_225 : f32 to vector<16xf32>
    %add3A_227 = arith.addf %add3A_226, %mul3A_224 : vector<16xf32>
    %mul3A_228 = arith.mulf %mul3A_218, %add3A_227 : vector<16xf32>
    %add3A_229 = arith.constant 2.000000e-01 : f32
    %add3A_230 = vector.broadcast %add3A_229 : f32 to vector<16xf32>
    %add3A_231 = arith.addf %add3A_230, %mul3A_228 : vector<16xf32>
    %mul3A_232 = arith.mulf %mul3A_218, %add3A_231 : vector<16xf32>
    %add3A_233 = arith.constant 0.333333343 : f32
    %add3A_234 = vector.broadcast %add3A_233 : f32 to vector<16xf32>
    %add3A_235 = arith.addf %add3A_234, %mul3A_232 : vector<16xf32>
    %mul3A_236 = arith.mulf %mul3A_218, %add3A_235 : vector<16xf32>
    %add3A_237 = arith.constant 1.000000e+00 : f32
    %add3A_238 = vector.broadcast %add3A_237 : f32 to vector<16xf32>
    %add3A_239 = arith.addf %add3A_238, %mul3A_236 : vector<16xf32>
    %mul3A_240 = arith.mulf %mul3A_221, %add3A_239 : vector<16xf32>
    %convert_element_type3A_241 = arith.sitofp %add3A_210 : vector<16xi32> to vector<16xf32>
    %mul3A_242 = arith.constant 0.693147182 : f32
    %mul3A_243 = vector.broadcast %mul3A_242 : f32 to vector<16xf32>
    %mul3A_244 = arith.mulf %convert_element_type3A_241, %mul3A_243 : vector<16xf32>
    %add3A_245 = arith.addf %mul3A_244, %mul3A_240 : vector<16xf32>
    %lt3A_246 = arith.constant 0x7F800000 : f32
    %lt3A_247 = vector.broadcast %lt3A_246 : f32 to vector<16xf32>
    %lt3A_248 = arith.cmpf olt, %add3A_184, %lt3A_247 : vector<16xf32>
    %not3A_249 = arith.constant dense<true> : vector<16xi1>
    %not3A_250 = arith.xori %lt3A_248, %not3A_249 : vector<16xi1>
    %select_n3A_251 = arith.select %not3A_250, %add3A_184, %add3A_245 : vector<16xi1>, vector<16xf32>
    %swap3A_252 = arith.constant 32 : index
    %swap3A_253 = tpu.vector_load %arg11[%swap3A_252] {strides = array<i32>} : memref<512xf32, #tpu.memory_space<vmem>>, vector<16xf32>,
    tpu.vector_store %arg11[%swap3A_252], %select_n3A_251 {strides = array<i32>} : memref<512xf32, #tpu.memory_space<vmem>>, vector<16xf32>,
    %get3A_254 = arith.constant 48 : index
    %get3A_255 = tpu.vector_load %arg12[%get3A_254] {strides = array<i32>} : memref<512xf32, #tpu.memory_space<vmem>>, vector<16xf32>,
    %get3A_256 = arith.constant 48 : index
    %get3A_257 = tpu.vector_load %arg11[%get3A_256] {strides = array<i32>} : memref<512xf32, #tpu.memory_space<vmem>>, vector<16xf32>,
    %mul3A_258 = arith.constant 5.000000e+03 : f32
    %mul3A_259 = vector.broadcast %mul3A_258 : f32 to vector<16xf32>
    %mul3A_260 = arith.mulf %mul3A_259, %get3A_257 : vector<16xf32>
    %div3A_261 = arith.divf %get3A_255, %mul3A_260 : vector<16xf32>
    %add3A_262 = arith.constant 9.99999997E-7 : f32
    %add3A_263 = vector.broadcast %add3A_262 : f32 to vector<16xf32>
    %add3A_264 = arith.addf %add3A_263, %div3A_261 : vector<16xf32>
    %bitcast_convert_type3A_265 = tpu.bitcast %add3A_264 : vector<16xf32> -> vector<16xi32>
    %shift_right_arithmetic3A_266 = arith.constant 23 : i32
    %shift_right_arithmetic3A_267 = vector.broadcast %shift_right_arithmetic3A_266 : i32 to vector<16xi32>
    %shift_right_arithmetic3A_268 = arith.shrsi %bitcast_convert_type3A_265, %shift_right_arithmetic3A_267 : vector<16xi32>
    %and3A_269 = arith.constant 255 : i32
    %and3A_270 = vector.broadcast %and3A_269 : i32 to vector<16xi32>
    %and3A_271 = arith.andi %shift_right_arithmetic3A_268, %and3A_270 : vector<16xi32>
    %sub3A_272 = arith.constant 127 : i32
    %sub3A_273 = vector.broadcast %sub3A_272 : i32 to vector<16xi32>
    %sub3A_274 = arith.subi %and3A_271, %sub3A_273 : vector<16xi32>
    %and3A_275 = arith.constant 8388607 : i32
    %and3A_276 = vector.broadcast %and3A_275 : i32 to vector<16xi32>
    %and3A_277 = arith.andi %bitcast_convert_type3A_265, %and3A_276 : vector<16xi32>
    %or3A_278 = arith.constant 1065353216 : i32
    %or3A_279 = vector.broadcast %or3A_278 : i32 to vector<16xi32>
    %or3A_280 = arith.ori %and3A_277, %or3A_279 : vector<16xi32>
    %bitcast_convert_type3A_281 = tpu.bitcast %or3A_280 : vector<16xi32> -> vector<16xf32>
    %gt3A_282 = arith.constant 1.41421354 : f32
    %gt3A_283 = vector.broadcast %gt3A_282 : f32 to vector<16xf32>
    %gt3A_284 = arith.cmpf ogt, %bitcast_convert_type3A_281, %gt3A_283 : vector<16xf32>
    %mul3A_285 = arith.constant 5.000000e-01 : f32
    %mul3A_286 = vector.broadcast %mul3A_285 : f32 to vector<16xf32>
    %mul3A_287 = arith.mulf %bitcast_convert_type3A_281, %mul3A_286 : vector<16xf32>
    %select_n3A_288 = arith.select %gt3A_284, %mul3A_287, %bitcast_convert_type3A_281 : vector<16xi1>, vector<16xf32>
    %convert_element_type3A_289 = arith.extui %gt3A_284 : vector<16xi1> to vector<16xi32>
    %add3A_290 = arith.addi %sub3A_274, %convert_element_type3A_289 : vector<16xi32>
    %sub3A_291 = arith.constant 1.000000e+00 : f32
    %sub3A_292 = vector.broadcast %sub3A_291 : f32 to vector<16xf32>
    %sub3A_293 = arith.subf %select_n3A_288, %sub3A_292 : vector<16xf32>
    %add3A_294 = arith.constant 1.000000e+00 : f32
    %add3A_295 = vector.broadcast %add3A_294 : f32 to vector<16xf32>
    %add3A_296 = arith.addf %select_n3A_288, %add3A_295 : vector<16xf32>
    %div3A_297 = arith.divf %sub3A_293, %add3A_296 : vector<16xf32>
    %mul3A_298 = arith.mulf %div3A_297, %div3A_297 : vector<16xf32>
    %mul3A_299 = arith.constant 2.000000e+00 : f32
    %mul3A_300 = vector.broadcast %mul3A_299 : f32 to vector<16xf32>
    %mul3A_301 = arith.mulf %mul3A_300, %div3A_297 : vector<16xf32>
    %mul3A_302 = arith.constant 0.111111112 : f32
    %mul3A_303 = vector.broadcast %mul3A_302 : f32 to vector<16xf32>
    %mul3A_304 = arith.mulf %mul3A_298, %mul3A_303 : vector<16xf32>
    %add3A_305 = arith.constant 0.142857149 : f32
    %add3A_306 = vector.broadcast %add3A_305 : f32 to vector<16xf32>
    %add3A_307 = arith.addf %add3A_306, %mul3A_304 : vector<16xf32>
    %mul3A_308 = arith.mulf %mul3A_298, %add3A_307 : vector<16xf32>
    %add3A_309 = arith.constant 2.000000e-01 : f32
    %add3A_310 = vector.broadcast %add3A_309 : f32 to vector<16xf32>
    %add3A_311 = arith.addf %add3A_310, %mul3A_308 : vector<16xf32>
    %mul3A_312 = arith.mulf %mul3A_298, %add3A_311 : vector<16xf32>
    %add3A_313 = arith.constant 0.333333343 : f32
    %add3A_314 = vector.broadcast %add3A_313 : f32 to vector<16xf32>
    %add3A_315 = arith.addf %add3A_314, %mul3A_312 : vector<16xf32>
    %mul3A_316 = arith.mulf %mul3A_298, %add3A_315 : vector<16xf32>
    %add3A_317 = arith.constant 1.000000e+00 : f32
    %add3A_318 = vector.broadcast %add3A_317 : f32 to vector<16xf32>
    %add3A_319 = arith.addf %add3A_318, %mul3A_316 : vector<16xf32>
    %mul3A_320 = arith.mulf %mul3A_301, %add3A_319 : vector<16xf32>
    %convert_element_type3A_321 = arith.sitofp %add3A_290 : vector<16xi32> to vector<16xf32>
    %mul3A_322 = arith.constant 0.693147182 : f32
    %mul3A_323 = vector.broadcast %mul3A_322 : f32 to vector<16xf32>
    %mul3A_324 = arith.mulf %convert_element_type3A_321, %mul3A_323 : vector<16xf32>
    %add3A_325 = arith.addf %mul3A_324, %mul3A_320 : vector<16xf32>
    %lt3A_326 = arith.constant 0x7F800000 : f32
    %lt3A_327 = vector.broadcast %lt3A_326 : f32 to vector<16xf32>
    %lt3A_328 = arith.cmpf olt, %add3A_264, %lt3A_327 : vector<16xf32>
    %not3A_329 = arith.constant dense<true> : vector<16xi1>
    %not3A_330 = arith.xori %lt3A_328, %not3A_329 : vector<16xi1>
    %select_n3A_331 = arith.select %not3A_330, %add3A_264, %add3A_325 : vector<16xi1>, vector<16xf32>
    %swap3A_332 = arith.constant 48 : index
    %swap3A_333 = tpu.vector_load %arg11[%swap3A_332] {strides = array<i32>} : memref<512xf32, #tpu.memory_space<vmem>>, vector<16xf32>,
    tpu.vector_store %arg11[%swap3A_332], %select_n3A_331 {strides = array<i32>} : memref<512xf32, #tpu.memory_space<vmem>>, vector<16xf32>,
    %get3A_334 = arith.constant 64 : index
    %get3A_335 = tpu.vector_load %arg12[%get3A_334] {strides = array<i32>} : memref<512xf32, #tpu.memory_space<vmem>>, vector<16xf32>,
    %get3A_336 = arith.constant 64 : index
    %get3A_337 = tpu.vector_load %arg11[%get3A_336] {strides = array<i32>} : memref<512xf32, #tpu.memory_space<vmem>>, vector<16xf32>,
    %mul3A_338 = arith.constant 5.000000e+03 : f32
    %mul3A_339 = vector.broadcast %mul3A_338 : f32 to vector<16xf32>
    %mul3A_340 = arith.mulf %mul3A_339, %get3A_337 : vector<16xf32>
    %div3A_341 = arith.divf %get3A_335, %mul3A_340 : vector<16xf32>
    %add3A_342 = arith.constant 9.99999997E-7 : f32
    %add3A_343 = vector.broadcast %add3A_342 : f32 to vector<16xf32>
    %add3A_344 = arith.addf %add3A_343, %div3A_341 : vector<16xf32>
    %bitcast_convert_type3A_345 = tpu.bitcast %add3A_344 : vector<16xf32> -> vector<16xi32>
    %shift_right_arithmetic3A_346 = arith.constant 23 : i32
    %shift_right_arithmetic3A_347 = vector.broadcast %shift_right_arithmetic3A_346 : i32 to vector<16xi32>
    %shift_right_arithmetic3A_348 = arith.shrsi %bitcast_convert_type3A_345, %shift_right_arithmetic3A_347 : vector<16xi32>
    %and3A_349 = arith.constant 255 : i32
    %and3A_350 = vector.broadcast %and3A_349 : i32 to vector<16xi32>
    %and3A_351 = arith.andi %shift_right_arithmetic3A_348, %and3A_350 : vector<16xi32>
    %sub3A_352 = arith.constant 127 : i32
    %sub3A_353 = vector.broadcast %sub3A_352 : i32 to vector<16xi32>
    %sub3A_354 = arith.subi %and3A_351, %sub3A_353 : vector<16xi32>
    %and3A_355 = arith.constant 8388607 : i32
    %and3A_356 = vector.broadcast %and3A_355 : i32 to vector<16xi32>
    %and3A_357 = arith.andi %bitcast_convert_type3A_345, %and3A_356 : vector<16xi32>
    %or3A_358 = arith.constant 1065353216 : i32
    %or3A_359 = vector.broadcast %or3A_358 : i32 to vector<16xi32>
    %or3A_360 = arith.ori %and3A_357, %or3A_359 : vector<16xi32>
    %bitcast_convert_type3A_361 = tpu.bitcast %or3A_360 : vector<16xi32> -> vector<16xf32>
    %gt3A_362 = arith.constant 1.41421354 : f32
    %gt3A_363 = vector.broadcast %gt3A_362 : f32 to vector<16xf32>
    %gt3A_364 = arith.cmpf ogt, %bitcast_convert_type3A_361, %gt3A_363 : vector<16xf32>
    %mul3A_365 = arith.constant 5.000000e-01 : f32
    %mul3A_366 = vector.broadcast %mul3A_365 : f32 to vector<16xf32>
    %mul3A_367 = arith.mulf %bitcast_convert_type3A_361, %mul3A_366 : vector<16xf32>
    %select_n3A_368 = arith.select %gt3A_364, %mul3A_367, %bitcast_convert_type3A_361 : vector<16xi1>, vector<16xf32>
    %convert_element_type3A_369 = arith.extui %gt3A_364 : vector<16xi1> to vector<16xi32>
    %add3A_370 = arith.addi %sub3A_354, %convert_element_type3A_369 : vector<16xi32>
    %sub3A_371 = arith.constant 1.000000e+00 : f32
    %sub3A_372 = vector.broadcast %sub3A_371 : f32 to vector<16xf32>
    %sub3A_373 = arith.subf %select_n3A_368, %sub3A_372 : vector<16xf32>
    %add3A_374 = arith.constant 1.000000e+00 : f32
    %add3A_375 = vector.broadcast %add3A_374 : f32 to vector<16xf32>
    %add3A_376 = arith.addf %select_n3A_368, %add3A_375 : vector<16xf32>
    %div3A_377 = arith.divf %sub3A_373, %add3A_376 : vector<16xf32>
    %mul3A_378 = arith.mulf %div3A_377, %div3A_377 : vector<16xf32>
    %mul3A_379 = arith.constant 2.000000e+00 : f32
    %mul3A_380 = vector.broadcast %mul3A_379 : f32 to vector<16xf32>
    %mul3A_381 = arith.mulf %mul3A_380, %div3A_377 : vector<16xf32>
    %mul3A_382 = arith.constant 0.111111112 : f32
    %mul3A_383 = vector.broadcast %mul3A_382 : f32 to vector<16xf32>
    %mul3A_384 = arith.mulf %mul3A_378, %mul3A_383 : vector<16xf32>
    %add3A_385 = arith.constant 0.142857149 : f32
    %add3A_386 = vector.broadcast %add3A_385 : f32 to vector<16xf32>
    %add3A_387 = arith.addf %add3A_386, %mul3A_384 : vector<16xf32>
    %mul3A_388 = arith.mulf %mul3A_378, %add3A_387 : vector<16xf32>
    %add3A_389 = arith.constant 2.000000e-01 : f32
    %add3A_390 = vector.broadcast %add3A_389 : f32 to vector<16xf32>
    %add3A_391 = arith.addf %add3A_390, %mul3A_388 : vector<16xf32>
    %mul3A_392 = arith.mulf %mul3A_378, %add3A_391 : vector<16xf32>
    %add3A_393 = arith.constant 0.333333343 : f32
    %add3A_394 = vector.broadcast %add3A_393 : f32 to vector<16xf32>
    %add3A_395 = arith.addf %add3A_394, %mul3A_392 : vector<16xf32>
    %mul3A_396 = arith.mulf %mul3A_378, %add3A_395 : vector<16xf32>
    %add3A_397 = arith.constant 1.000000e+00 : f32
    %add3A_398 = vector.broadcast %add3A_397 : f32 to vector<16xf32>
    %add3A_399 = arith.addf %add3A_398, %mul3A_396 : vector<16xf32>
    %mul3A_400 = arith.mulf %mul3A_381, %add3A_399 : vector<16xf32>
    %convert_element_type3A_401 = arith.sitofp %add3A_370 : vector<16xi32> to vector<16xf32>
    %mul3A_402 = arith.constant 0.693147182 : f32
    %mul3A_403 = vector.broadcast %mul3A_402 : f32 to vector<16xf32>
    %mul3A_404 = arith.mulf %convert_element_type3A_401, %mul3A_403 : vector<16xf32>
    %add3A_405 = arith.addf %mul3A_404, %mul3A_400 : vector<16xf32>
    %lt3A_406 = arith.constant 0x7F800000 : f32
    %lt3A_407 = vector.broadcast %lt3A_406 : f32 to vector<16xf32>
    %lt3A_408 = arith.cmpf olt, %add3A_344, %lt3A_407 : vector<16xf32>
    %not3A_409 = arith.constant dense<true> : vector<16xi1>
    %not3A_410 = arith.xori %lt3A_408, %not3A_409 : vector<16xi1>
    %select_n3A_411 = arith.select %not3A_410, %add3A_344, %add3A_405 : vector<16xi1>, vector<16xf32>
    %swap3A_412 = arith.constant 64 : index
    %swap3A_413 = tpu.vector_load %arg11[%swap3A_412] {strides = array<i32>} : memref<512xf32, #tpu.memory_space<vmem>>, vector<16xf32>,
    tpu.vector_store %arg11[%swap3A_412], %select_n3A_411 {strides = array<i32>} : memref<512xf32, #tpu.memory_space<vmem>>, vector<16xf32>,
    %get3A_414 = arith.constant 80 : index
    %get3A_415 = tpu.vector_load %arg12[%get3A_414] {strides = array<i32>} : memref<512xf32, #tpu.memory_space<vmem>>, vector<16xf32>,
    %get3A_416 = arith.constant 80 : index
    %get3A_417 = tpu.vector_load %arg11[%get3A_416] {strides = array<i32>} : memref<512xf32, #tpu.memory_space<vmem>>, vector<16xf32>,
    %mul3A_418 = arith.constant 5.000000e+03 : f32
    %mul3A_419 = vector.broadcast %mul3A_418 : f32 to vector<16xf32>
    %mul3A_420 = arith.mulf %mul3A_419, %get3A_417 : vector<16xf32>
    %div3A_421 = arith.divf %get3A_415, %mul3A_420 : vector<16xf32>
    %add3A_422 = arith.constant 9.99999997E-7 : f32
    %add3A_423 = vector.broadcast %add3A_422 : f32 to vector<16xf32>
    %add3A_424 = arith.addf %add3A_423, %div3A_421 : vector<16xf32>
    %bitcast_convert_type3A_425 = tpu.bitcast %add3A_424 : vector<16xf32> -> vector<16xi32>
    %shift_right_arithmetic3A_426 = arith.constant 23 : i32
    %shift_right_arithmetic3A_427 = vector.broadcast %shift_right_arithmetic3A_426 : i32 to vector<16xi32>
    %shift_right_arithmetic3A_428 = arith.shrsi %bitcast_convert_type3A_425, %shift_right_arithmetic3A_427 : vector<16xi32>
    %and3A_429 = arith.constant 255 : i32
    %and3A_430 = vector.broadcast %and3A_429 : i32 to vector<16xi32>
    %and3A_431 = arith.andi %shift_right_arithmetic3A_428, %and3A_430 : vector<16xi32>
    %sub3A_432 = arith.constant 127 : i32
    %sub3A_433 = vector.broadcast %sub3A_432 : i32 to vector<16xi32>
    %sub3A_434 = arith.subi %and3A_431, %sub3A_433 : vector<16xi32>
    %and3A_435 = arith.constant 8388607 : i32
    %and3A_436 = vector.broadcast %and3A_435 : i32 to vector<16xi32>
    %and3A_437 = arith.andi %bitcast_convert_type3A_425, %and3A_436 : vector<16xi32>
    %or3A_438 = arith.constant 1065353216 : i32
    %or3A_439 = vector.broadcast %or3A_438 : i32 to vector<16xi32>
    %or3A_440 = arith.ori %and3A_437, %or3A_439 : vector<16xi32>
    %bitcast_convert_type3A_441 = tpu.bitcast %or3A_440 : vector<16xi32> -> vector<16xf32>
    %gt3A_442 = arith.constant 1.41421354 : f32
    %gt3A_443 = vector.broadcast %gt3A_442 : f32 to vector<16xf32>
    %gt3A_444 = arith.cmpf ogt, %bitcast_convert_type3A_441, %gt3A_443 : vector<16xf32>
    %mul3A_445 = arith.constant 5.000000e-01 : f32
    %mul3A_446 = vector.broadcast %mul3A_445 : f32 to vector<16xf32>
    %mul3A_447 = arith.mulf %bitcast_convert_type3A_441, %mul3A_446 : vector<16xf32>
    %select_n3A_448 = arith.select %gt3A_444, %mul3A_447, %bitcast_convert_type3A_441 : vector<16xi1>, vector<16xf32>
    %convert_element_type3A_449 = arith.extui %gt3A_444 : vector<16xi1> to vector<16xi32>
    %add3A_450 = arith.addi %sub3A_434, %convert_element_type3A_449 : vector<16xi32>
    %sub3A_451 = arith.constant 1.000000e+00 : f32
    %sub3A_452 = vector.broadcast %sub3A_451 : f32 to vector<16xf32>
    %sub3A_453 = arith.subf %select_n3A_448, %sub3A_452 : vector<16xf32>
    %add3A_454 = arith.constant 1.000000e+00 : f32
    %add3A_455 = vector.broadcast %add3A_454 : f32 to vector<16xf32>
    %add3A_456 = arith.addf %select_n3A_448, %add3A_455 : vector<16xf32>
    %div3A_457 = arith.divf %sub3A_453, %add3A_456 : vector<16xf32>
    %mul3A_458 = arith.mulf %div3A_457, %div3A_457 : vector<16xf32>
    %mul3A_459 = arith.constant 2.000000e+00 : f32
    %mul3A_460 = vector.broadcast %mul3A_459 : f32 to vector<16xf32>
    %mul3A_461 = arith.mulf %mul3A_460, %div3A_457 : vector<16xf32>
    %mul3A_462 = arith.constant 0.111111112 : f32
    %mul3A_463 = vector.broadcast %mul3A_462 : f32 to vector<16xf32>
    %mul3A_464 = arith.mulf %mul3A_458, %mul3A_463 : vector<16xf32>
    %add3A_465 = arith.constant 0.142857149 : f32
    %add3A_466 = vector.broadcast %add3A_465 : f32 to vector<16xf32>
    %add3A_467 = arith.addf %add3A_466, %mul3A_464 : vector<16xf32>
    %mul3A_468 = arith.mulf %mul3A_458, %add3A_467 : vector<16xf32>
    %add3A_469 = arith.constant 2.000000e-01 : f32
    %add3A_470 = vector.broadcast %add3A_469 : f32 to vector<16xf32>
    %add3A_471 = arith.addf %add3A_470, %mul3A_468 : vector<16xf32>
    %mul3A_472 = arith.mulf %mul3A_458, %add3A_471 : vector<16xf32>
    %add3A_473 = arith.constant 0.333333343 : f32
    %add3A_474 = vector.broadcast %add3A_473 : f32 to vector<16xf32>
    %add3A_475 = arith.addf %add3A_474, %mul3A_472 : vector<16xf32>
    %mul3A_476 = arith.mulf %mul3A_458, %add3A_475 : vector<16xf32>
    %add3A_477 = arith.constant 1.000000e+00 : f32
    %add3A_478 = vector.broadcast %add3A_477 : f32 to vector<16xf32>
    %add3A_479 = arith.addf %add3A_478, %mul3A_476 : vector<16xf32>
    %mul3A_480 = arith.mulf %mul3A_461, %add3A_479 : vector<16xf32>
    %convert_element_type3A_481 = arith.sitofp %add3A_450 : vector<16xi32> to vector<16xf32>
    %mul3A_482 = arith.constant 0.693147182 : f32
    %mul3A_483 = vector.broadcast %mul3A_482 : f32 to vector<16xf32>
    %mul3A_484 = arith.mulf %convert_element_type3A_481, %mul3A_483 : vector<16xf32>
    %add3A_485 = arith.addf %mul3A_484, %mul3A_480 : vector<16xf32>
    %lt3A_486 = arith.constant 0x7F800000 : f32
    %lt3A_487 = vector.broadcast %lt3A_486 : f32 to vector<16xf32>
    %lt3A_488 = arith.cmpf olt, %add3A_424, %lt3A_487 : vector<16xf32>
    %not3A_489 = arith.constant dense<true> : vector<16xi1>
    %not3A_490 = arith.xori %lt3A_488, %not3A_489 : vector<16xi1>
    %select_n3A_491 = arith.select %not3A_490, %add3A_424, %add3A_485 : vector<16xi1>, vector<16xf32>
    %swap3A_492 = arith.constant 80 : index
    %swap3A_493 = tpu.vector_load %arg11[%swap3A_492] {strides = array<i32>} : memref<512xf32, #tpu.memory_space<vmem>>, vector<16xf32>,
    tpu.vector_store %arg11[%swap3A_492], %select_n3A_491 {strides = array<i32>} : memref<512xf32, #tpu.memory_space<vmem>>, vector<16xf32>,
    %get3A_494 = arith.constant 96 : index
    %get3A_495 = tpu.vector_load %arg12[%get3A_494] {strides = array<i32>} : memref<512xf32, #tpu.memory_space<vmem>>, vector<16xf32>,
    %get3A_496 = arith.constant 96 : index
    %get3A_497 = tpu.vector_load %arg11[%get3A_496] {strides = array<i32>} : memref<512xf32, #tpu.memory_space<vmem>>, vector<16xf32>,
    %mul3A_498 = arith.constant 5.000000e+03 : f32
    %mul3A_499 = vector.broadcast %mul3A_498 : f32 to vector<16xf32>
    %mul3A_500 = arith.mulf %mul3A_499, %get3A_497 : vector<16xf32>
    %div3A_501 = arith.divf %get3A_495, %mul3A_500 : vector<16xf32>
    %add3A_502 = arith.constant 9.99999997E-7 : f32
    %add3A_503 = vector.broadcast %add3A_502 : f32 to vector<16xf32>
    %add3A_504 = arith.addf %add3A_503, %div3A_501 : vector<16xf32>
    %bitcast_convert_type3A_505 = tpu.bitcast %add3A_504 : vector<16xf32> -> vector<16xi32>
    %shift_right_arithmetic3A_506 = arith.constant 23 : i32
    %shift_right_arithmetic3A_507 = vector.broadcast %shift_right_arithmetic3A_506 : i32 to vector<16xi32>
    %shift_right_arithmetic3A_508 = arith.shrsi %bitcast_convert_type3A_505, %shift_right_arithmetic3A_507 : vector<16xi32>
    %and3A_509 = arith.constant 255 : i32
    %and3A_510 = vector.broadcast %and3A_509 : i32 to vector<16xi32>
    %and3A_511 = arith.andi %shift_right_arithmetic3A_508, %and3A_510 : vector<16xi32>
    %sub3A_512 = arith.constant 127 : i32
    %sub3A_513 = vector.broadcast %sub3A_512 : i32 to vector<16xi32>
    %sub3A_514 = arith.subi %and3A_511, %sub3A_513 : vector<16xi32>
    %and3A_515 = arith.constant 8388607 : i32
    %and3A_516 = vector.broadcast %and3A_515 : i32 to vector<16xi32>
    %and3A_517 = arith.andi %bitcast_convert_type3A_505, %and3A_516 : vector<16xi32>
    %or3A_518 = arith.constant 1065353216 : i32
    %or3A_519 = vector.broadcast %or3A_518 : i32 to vector<16xi32>
    %or3A_520 = arith.ori %and3A_517, %or3A_519 : vector<16xi32>
    %bitcast_convert_type3A_521 = tpu.bitcast %or3A_520 : vector<16xi32> -> vector<16xf32>
    %gt3A_522 = arith.constant 1.41421354 : f32
    %gt3A_523 = vector.broadcast %gt3A_522 : f32 to vector<16xf32>
    %gt3A_524 = arith.cmpf ogt, %bitcast_convert_type3A_521, %gt3A_523 : vector<16xf32>
    %mul3A_525 = arith.constant 5.000000e-01 : f32
    %mul3A_526 = vector.broadcast %mul3A_525 : f32 to vector<16xf32>
    %mul3A_527 = arith.mulf %bitcast_convert_type3A_521, %mul3A_526 : vector<16xf32>
    %select_n3A_528 = arith.select %gt3A_524, %mul3A_527, %bitcast_convert_type3A_521 : vector<16xi1>, vector<16xf32>
    %convert_element_type3A_529 = arith.extui %gt3A_524 : vector<16xi1> to vector<16xi32>
    %add3A_530 = arith.addi %sub3A_514, %convert_element_type3A_529 : vector<16xi32>
    %sub3A_531 = arith.constant 1.000000e+00 : f32
    %sub3A_532 = vector.broadcast %sub3A_531 : f32 to vector<16xf32>
    %sub3A_533 = arith.subf %select_n3A_528, %sub3A_532 : vector<16xf32>
    %add3A_534 = arith.constant 1.000000e+00 : f32
    %add3A_535 = vector.broadcast %add3A_534 : f32 to vector<16xf32>
    %add3A_536 = arith.addf %select_n3A_528, %add3A_535 : vector<16xf32>
    %div3A_537 = arith.divf %sub3A_533, %add3A_536 : vector<16xf32>
    %mul3A_538 = arith.mulf %div3A_537, %div3A_537 : vector<16xf32>
    %mul3A_539 = arith.constant 2.000000e+00 : f32
    %mul3A_540 = vector.broadcast %mul3A_539 : f32 to vector<16xf32>
    %mul3A_541 = arith.mulf %mul3A_540, %div3A_537 : vector<16xf32>
    %mul3A_542 = arith.constant 0.111111112 : f32
    %mul3A_543 = vector.broadcast %mul3A_542 : f32 to vector<16xf32>
    %mul3A_544 = arith.mulf %mul3A_538, %mul3A_543 : vector<16xf32>
    %add3A_545 = arith.constant 0.142857149 : f32
    %add3A_546 = vector.broadcast %add3A_545 : f32 to vector<16xf32>
    %add3A_547 = arith.addf %add3A_546, %mul3A_544 : vector<16xf32>
    %mul3A_548 = arith.mulf %mul3A_538, %add3A_547 : vector<16xf32>
    %add3A_549 = arith.constant 2.000000e-01 : f32
    %add3A_550 = vector.broadcast %add3A_549 : f32 to vector<16xf32>
    %add3A_551 = arith.addf %add3A_550, %mul3A_548 : vector<16xf32>
    %mul3A_552 = arith.mulf %mul3A_538, %add3A_551 : vector<16xf32>
    %add3A_553 = arith.constant 0.333333343 : f32
    %add3A_554 = vector.broadcast %add3A_553 : f32 to vector<16xf32>
    %add3A_555 = arith.addf %add3A_554, %mul3A_552 : vector<16xf32>
    %mul3A_556 = arith.mulf %mul3A_538, %add3A_555 : vector<16xf32>
    %add3A_557 = arith.constant 1.000000e+00 : f32
    %add3A_558 = vector.broadcast %add3A_557 : f32 to vector<16xf32>
    %add3A_559 = arith.addf %add3A_558, %mul3A_556 : vector<16xf32>
    %mul3A_560 = arith.mulf %mul3A_541, %add3A_559 : vector<16xf32>
    %convert_element_type3A_561 = arith.sitofp %add3A_530 : vector<16xi32> to vector<16xf32>
    %mul3A_562 = arith.constant 0.693147182 : f32
    %mul3A_563 = vector.broadcast %mul3A_562 : f32 to vector<16xf32>
    %mul3A_564 = arith.mulf %convert_element_type3A_561, %mul3A_563 : vector<16xf32>
    %add3A_565 = arith.addf %mul3A_564, %mul3A_560 : vector<16xf32>
    %lt3A_566 = arith.constant 0x7F800000 : f32
    %lt3A_567 = vector.broadcast %lt3A_566 : f32 to vector<16xf32>
    %lt3A_568 = arith.cmpf olt, %add3A_504, %lt3A_567 : vector<16xf32>
    %not3A_569 = arith.constant dense<true> : vector<16xi1>
    %not3A_570 = arith.xori %lt3A_568, %not3A_569 : vector<16xi1>
    %select_n3A_571 = arith.select %not3A_570, %add3A_504, %add3A_565 : vector<16xi1>, vector<16xf32>
    %swap3A_572 = arith.constant 96 : index
    %swap3A_573 = tpu.vector_load %arg11[%swap3A_572] {strides = array<i32>} : memref<512xf32, #tpu.memory_space<vmem>>, vector<16xf32>,
    tpu.vector_store %arg11[%swap3A_572], %select_n3A_571 {strides = array<i32>} : memref<512xf32, #tpu.memory_space<vmem>>, vector<16xf32>,
    %get3A_574 = arith.constant 112 : index
    %get3A_575 = tpu.vector_load %arg12[%get3A_574] {strides = array<i32>} : memref<512xf32, #tpu.memory_space<vmem>>, vector<16xf32>,
    %get3A_576 = arith.constant 112 : index
    %get3A_577 = tpu.vector_load %arg11[%get3A_576] {strides = array<i32>} : memref<512xf32, #tpu.memory_space<vmem>>, vector<16xf32>,
    %mul3A_578 = arith.constant 5.000000e+03 : f32
    %mul3A_579 = vector.broadcast %mul3A_578 : f32 to vector<16xf32>
    %mul3A_580 = arith.mulf %mul3A_579, %get3A_577 : vector<16xf32>
    %div3A_581 = arith.divf %get3A_575, %mul3A_580 : vector<16xf32>
    %add3A_582 = arith.constant 9.99999997E-7 : f32
    %add3A_583 = vector.broadcast %add3A_582 : f32 to vector<16xf32>
    %add3A_584 = arith.addf %add3A_583, %div3A_581 : vector<16xf32>
    %bitcast_convert_type3A_585 = tpu.bitcast %add3A_584 : vector<16xf32> -> vector<16xi32>
    %shift_right_arithmetic3A_586 = arith.constant 23 : i32
    %shift_right_arithmetic3A_587 = vector.broadcast %shift_right_arithmetic3A_586 : i32 to vector<16xi32>
    %shift_right_arithmetic3A_588 = arith.shrsi %bitcast_convert_type3A_585, %shift_right_arithmetic3A_587 : vector<16xi32>
    %and3A_589 = arith.constant 255 : i32
    %and3A_590 = vector.broadcast %and3A_589 : i32 to vector<16xi32>
    %and3A_591 = arith.andi %shift_right_arithmetic3A_588, %and3A_590 : vector<16xi32>
    %sub3A_592 = arith.constant 127 : i32
    %sub3A_593 = vector.broadcast %sub3A_592 : i32 to vector<16xi32>
    %sub3A_594 = arith.subi %and3A_591, %sub3A_593 : vector<16xi32>
    %and3A_595 = arith.constant 8388607 : i32
    %and3A_596 = vector.broadcast %and3A_595 : i32 to vector<16xi32>
    %and3A_597 = arith.andi %bitcast_convert_type3A_585, %and3A_596 : vector<16xi32>
    %or3A_598 = arith.constant 1065353216 : i32
    %or3A_599 = vector.broadcast %or3A_598 : i32 to vector<16xi32>
    %or3A_600 = arith.ori %and3A_597, %or3A_599 : vector<16xi32>
    %bitcast_convert_type3A_601 = tpu.bitcast %or3A_600 : vector<16xi32> -> vector<16xf32>
    %gt3A_602 = arith.constant 1.41421354 : f32
    %gt3A_603 = vector.broadcast %gt3A_602 : f32 to vector<16xf32>
    %gt3A_604 = arith.cmpf ogt, %bitcast_convert_type3A_601, %gt3A_603 : vector<16xf32>
    %mul3A_605 = arith.constant 5.000000e-01 : f32
    %mul3A_606 = vector.broadcast %mul3A_605 : f32 to vector<16xf32>
    %mul3A_607 = arith.mulf %bitcast_convert_type3A_601, %mul3A_606 : vector<16xf32>
    %select_n3A_608 = arith.select %gt3A_604, %mul3A_607, %bitcast_convert_type3A_601 : vector<16xi1>, vector<16xf32>
    %convert_element_type3A_609 = arith.extui %gt3A_604 : vector<16xi1> to vector<16xi32>
    %add3A_610 = arith.addi %sub3A_594, %convert_element_type3A_609 : vector<16xi32>
    %sub3A_611 = arith.constant 1.000000e+00 : f32
    %sub3A_612 = vector.broadcast %sub3A_611 : f32 to vector<16xf32>
    %sub3A_613 = arith.subf %select_n3A_608, %sub3A_612 : vector<16xf32>
    %add3A_614 = arith.constant 1.000000e+00 : f32
    %add3A_615 = vector.broadcast %add3A_614 : f32 to vector<16xf32>
    %add3A_616 = arith.addf %select_n3A_608, %add3A_615 : vector<16xf32>
    %div3A_617 = arith.divf %sub3A_613, %add3A_616 : vector<16xf32>
    %mul3A_618 = arith.mulf %div3A_617, %div3A_617 : vector<16xf32>
    %mul3A_619 = arith.constant 2.000000e+00 : f32
    %mul3A_620 = vector.broadcast %mul3A_619 : f32 to vector<16xf32>
    %mul3A_621 = arith.mulf %mul3A_620, %div3A_617 : vector<16xf32>
    %mul3A_622 = arith.constant 0.111111112 : f32
    %mul3A_623 = vector.broadcast %mul3A_622 : f32 to vector<16xf32>
    %mul3A_624 = arith.mulf %mul3A_618, %mul3A_623 : vector<16xf32>
    %add3A_625 = arith.constant 0.142857149 : f32
    %add3A_626 = vector.broadcast %add3A_625 : f32 to vector<16xf32>
    %add3A_627 = arith.addf %add3A_626, %mul3A_624 : vector<16xf32>
    %mul3A_628 = arith.mulf %mul3A_618, %add3A_627 : vector<16xf32>
    %add3A_629 = arith.constant 2.000000e-01 : f32
    %add3A_630 = vector.broadcast %add3A_629 : f32 to vector<16xf32>
    %add3A_631 = arith.addf %add3A_630, %mul3A_628 : vector<16xf32>
    %mul3A_632 = arith.mulf %mul3A_618, %add3A_631 : vector<16xf32>
    %add3A_633 = arith.constant 0.333333343 : f32
    %add3A_634 = vector.broadcast %add3A_633 : f32 to vector<16xf32>
    %add3A_635 = arith.addf %add3A_634, %mul3A_632 : vector<16xf32>
    %mul3A_636 = arith.mulf %mul3A_618, %add3A_635 : vector<16xf32>
    %add3A_637 = arith.constant 1.000000e+00 : f32
    %add3A_638 = vector.broadcast %add3A_637 : f32 to vector<16xf32>
    %add3A_639 = arith.addf %add3A_638, %mul3A_636 : vector<16xf32>
    %mul3A_640 = arith.mulf %mul3A_621, %add3A_639 : vector<16xf32>
    %convert_element_type3A_641 = arith.sitofp %add3A_610 : vector<16xi32> to vector<16xf32>
    %mul3A_642 = arith.constant 0.693147182 : f32
    %mul3A_643 = vector.broadcast %mul3A_642 : f32 to vector<16xf32>
    %mul3A_644 = arith.mulf %convert_element_type3A_641, %mul3A_643 : vector<16xf32>
    %add3A_645 = arith.addf %mul3A_644, %mul3A_640 : vector<16xf32>
    %lt3A_646 = arith.constant 0x7F800000 : f32
    %lt3A_647 = vector.broadcast %lt3A_646 : f32 to vector<16xf32>
    %lt3A_648 = arith.cmpf olt, %add3A_584, %lt3A_647 : vector<16xf32>
    %not3A_649 = arith.constant dense<true> : vector<16xi1>
    %not3A_650 = arith.xori %lt3A_648, %not3A_649 : vector<16xi1>
    %select_n3A_651 = arith.select %not3A_650, %add3A_584, %add3A_645 : vector<16xi1>, vector<16xf32>
    %swap3A_652 = arith.constant 112 : index
    %swap3A_653 = tpu.vector_load %arg11[%swap3A_652] {strides = array<i32>} : memref<512xf32, #tpu.memory_space<vmem>>, vector<16xf32>,
    tpu.vector_store %arg11[%swap3A_652], %select_n3A_651 {strides = array<i32>} : memref<512xf32, #tpu.memory_space<vmem>>, vector<16xf32>,
    %get3A_654 = arith.constant 128 : index
    %get3A_655 = tpu.vector_load %arg12[%get3A_654] {strides = array<i32>} : memref<512xf32, #tpu.memory_space<vmem>>, vector<16xf32>,
    %get3A_656 = arith.constant 128 : index
    %get3A_657 = tpu.vector_load %arg11[%get3A_656] {strides = array<i32>} : memref<512xf32, #tpu.memory_space<vmem>>, vector<16xf32>,
    %mul3A_658 = arith.constant 5.000000e+03 : f32
    %mul3A_659 = vector.broadcast %mul3A_658 : f32 to vector<16xf32>
    %mul3A_660 = arith.mulf %mul3A_659, %get3A_657 : vector<16xf32>
    %div3A_661 = arith.divf %get3A_655, %mul3A_660 : vector<16xf32>
    %add3A_662 = arith.constant 9.99999997E-7 : f32
    %add3A_663 = vector.broadcast %add3A_662 : f32 to vector<16xf32>
    %add3A_664 = arith.addf %add3A_663, %div3A_661 : vector<16xf32>
    %bitcast_convert_type3A_665 = tpu.bitcast %add3A_664 : vector<16xf32> -> vector<16xi32>
    %shift_right_arithmetic3A_666 = arith.constant 23 : i32
    %shift_right_arithmetic3A_667 = vector.broadcast %shift_right_arithmetic3A_666 : i32 to vector<16xi32>
    %shift_right_arithmetic3A_668 = arith.shrsi %bitcast_convert_type3A_665, %shift_right_arithmetic3A_667 : vector<16xi32>
    %and3A_669 = arith.constant 255 : i32
    %and3A_670 = vector.broadcast %and3A_669 : i32 to vector<16xi32>
    %and3A_671 = arith.andi %shift_right_arithmetic3A_668, %and3A_670 : vector<16xi32>
    %sub3A_672 = arith.constant 127 : i32
    %sub3A_673 = vector.broadcast %sub3A_672 : i32 to vector<16xi32>
    %sub3A_674 = arith.subi %and3A_671, %sub3A_673 : vector<16xi32>
    %and3A_675 = arith.constant 8388607 : i32
    %and3A_676 = vector.broadcast %and3A_675 : i32 to vector<16xi32>
    %and3A_677 = arith.andi %bitcast_convert_type3A_665, %and3A_676 : vector<16xi32>
    %or3A_678 = arith.constant 1065353216 : i32
    %or3A_679 = vector.broadcast %or3A_678 : i32 to vector<16xi32>
    %or3A_680 = arith.ori %and3A_677, %or3A_679 : vector<16xi32>
    %bitcast_convert_type3A_681 = tpu.bitcast %or3A_680 : vector<16xi32> -> vector<16xf32>
    %gt3A_682 = arith.constant 1.41421354 : f32
    %gt3A_683 = vector.broadcast %gt3A_682 : f32 to vector<16xf32>
    %gt3A_684 = arith.cmpf ogt, %bitcast_convert_type3A_681, %gt3A_683 : vector<16xf32>
    %mul3A_685 = arith.constant 5.000000e-01 : f32
    %mul3A_686 = vector.broadcast %mul3A_685 : f32 to vector<16xf32>
    %mul3A_687 = arith.mulf %bitcast_convert_type3A_681, %mul3A_686 : vector<16xf32>
    %select_n3A_688 = arith.select %gt3A_684, %mul3A_687, %bitcast_convert_type3A_681 : vector<16xi1>, vector<16xf32>
    %convert_element_type3A_689 = arith.extui %gt3A_684 : vector<16xi1> to vector<16xi32>
    %add3A_690 = arith.addi %sub3A_674, %convert_element_type3A_689 : vector<16xi32>
    %sub3A_691 = arith.constant 1.000000e+00 : f32
    %sub3A_692 = vector.broadcast %sub3A_691 : f32 to vector<16xf32>
    %sub3A_693 = arith.subf %select_n3A_688, %sub3A_692 : vector<16xf32>
    %add3A_694 = arith.constant 1.000000e+00 : f32
    %add3A_695 = vector.broadcast %add3A_694 : f32 to vector<16xf32>
    %add3A_696 = arith.addf %select_n3A_688, %add3A_695 : vector<16xf32>
    %div3A_697 = arith.divf %sub3A_693, %add3A_696 : vector<16xf32>
    %mul3A_698 = arith.mulf %div3A_697, %div3A_697 : vector<16xf32>
    %mul3A_699 = arith.constant 2.000000e+00 : f32
    %mul3A_700 = vector.broadcast %mul3A_699 : f32 to vector<16xf32>
    %mul3A_701 = arith.mulf %mul3A_700, %div3A_697 : vector<16xf32>
    %mul3A_702 = arith.constant 0.111111112 : f32
    %mul3A_703 = vector.broadcast %mul3A_702 : f32 to vector<16xf32>
    %mul3A_704 = arith.mulf %mul3A_698, %mul3A_703 : vector<16xf32>
    %add3A_705 = arith.constant 0.142857149 : f32
    %add3A_706 = vector.broadcast %add3A_705 : f32 to vector<16xf32>
    %add3A_707 = arith.addf %add3A_706, %mul3A_704 : vector<16xf32>
    %mul3A_708 = arith.mulf %mul3A_698, %add3A_707 : vector<16xf32>
    %add3A_709 = arith.constant 2.000000e-01 : f32
    %add3A_710 = vector.broadcast %add3A_709 : f32 to vector<16xf32>
    %add3A_711 = arith.addf %add3A_710, %mul3A_708 : vector<16xf32>
    %mul3A_712 = arith.mulf %mul3A_698, %add3A_711 : vector<16xf32>
    %add3A_713 = arith.constant 0.333333343 : f32
    %add3A_714 = vector.broadcast %add3A_713 : f32 to vector<16xf32>
    %add3A_715 = arith.addf %add3A_714, %mul3A_712 : vector<16xf32>
    %mul3A_716 = arith.mulf %mul3A_698, %add3A_715 : vector<16xf32>
    %add3A_717 = arith.constant 1.000000e+00 : f32
    %add3A_718 = vector.broadcast %add3A_717 : f32 to vector<16xf32>
    %add3A_719 = arith.addf %add3A_718, %mul3A_716 : vector<16xf32>
    %mul3A_720 = arith.mulf %mul3A_701, %add3A_719 : vector<16xf32>
    %convert_element_type3A_721 = arith.sitofp %add3A_690 : vector<16xi32> to vector<16xf32>
    %mul3A_722 = arith.constant 0.693147182 : f32
    %mul3A_723 = vector.broadcast %mul3A_722 : f32 to vector<16xf32>
    %mul3A_724 = arith.mulf %convert_element_type3A_721, %mul3A_723 : vector<16xf32>
    %add3A_725 = arith.addf %mul3A_724, %mul3A_720 : vector<16xf32>
    %lt3A_726 = arith.constant 0x7F800000 : f32
    %lt3A_727 = vector.broadcast %lt3A_726 : f32 to vector<16xf32>
    %lt3A_728 = arith.cmpf olt, %add3A_664, %lt3A_727 : vector<16xf32>
    %not3A_729 = arith.constant dense<true> : vector<16xi1>
    %not3A_730 = arith.xori %lt3A_728, %not3A_729 : vector<16xi1>
    %select_n3A_731 = arith.select %not3A_730, %add3A_664, %add3A_725 : vector<16xi1>, vector<16xf32>
    %swap3A_732 = arith.constant 128 : index
    %swap3A_733 = tpu.vector_load %arg11[%swap3A_732] {strides = array<i32>} : memref<512xf32, #tpu.memory_space<vmem>>, vector<16xf32>,
    tpu.vector_store %arg11[%swap3A_732], %select_n3A_731 {strides = array<i32>} : memref<512xf32, #tpu.memory_space<vmem>>, vector<16xf32>,
    %get3A_734 = arith.constant 144 : index
    %get3A_735 = tpu.vector_load %arg12[%get3A_734] {strides = array<i32>} : memref<512xf32, #tpu.memory_space<vmem>>, vector<16xf32>,
    %get3A_736 = arith.constant 144 : index
    %get3A_737 = tpu.vector_load %arg11[%get3A_736] {strides = array<i32>} : memref<512xf32, #tpu.memory_space<vmem>>, vector<16xf32>,
    %mul3A_738 = arith.constant 5.000000e+03 : f32
    %mul3A_739 = vector.broadcast %mul3A_738 : f32 to vector<16xf32>
    %mul3A_740 = arith.mulf %mul3A_739, %get3A_737 : vector<16xf32>
    %div3A_741 = arith.divf %get3A_735, %mul3A_740 : vector<16xf32>
    %add3A_742 = arith.constant 9.99999997E-7 : f32
    %add3A_743 = vector.broadcast %add3A_742 : f32 to vector<16xf32>
    %add3A_744 = arith.addf %add3A_743, %div3A_741 : vector<16xf32>
    %bitcast_convert_type3A_745 = tpu.bitcast %add3A_744 : vector<16xf32> -> vector<16xi32>
    %shift_right_arithmetic3A_746 = arith.constant 23 : i32
    %shift_right_arithmetic3A_747 = vector.broadcast %shift_right_arithmetic3A_746 : i32 to vector<16xi32>
    %shift_right_arithmetic3A_748 = arith.shrsi %bitcast_convert_type3A_745, %shift_right_arithmetic3A_747 : vector<16xi32>
    %and3A_749 = arith.constant 255 : i32
    %and3A_750 = vector.broadcast %and3A_749 : i32 to vector<16xi32>
    %and3A_751 = arith.andi %shift_right_arithmetic3A_748, %and3A_750 : vector<16xi32>
    %sub3A_752 = arith.constant 127 : i32
    %sub3A_753 = vector.broadcast %sub3A_752 : i32 to vector<16xi32>
    %sub3A_754 = arith.subi %and3A_751, %sub3A_753 : vector<16xi32>
    %and3A_755 = arith.constant 8388607 : i32
    %and3A_756 = vector.broadcast %and3A_755 : i32 to vector<16xi32>
    %and3A_757 = arith.andi %bitcast_convert_type3A_745, %and3A_756 : vector<16xi32>
    %or3A_758 = arith.constant 1065353216 : i32
    %or3A_759 = vector.broadcast %or3A_758 : i32 to vector<16xi32>
    %or3A_760 = arith.ori %and3A_757, %or3A_759 : vector<16xi32>
    %bitcast_convert_type3A_761 = tpu.bitcast %or3A_760 : vector<16xi32> -> vector<16xf32>
    %gt3A_762 = arith.constant 1.41421354 : f32
    %gt3A_763 = vector.broadcast %gt3A_762 : f32 to vector<16xf32>
    %gt3A_764 = arith.cmpf ogt, %bitcast_convert_type3A_761, %gt3A_763 : vector<16xf32>
    %mul3A_765 = arith.constant 5.000000e-01 : f32
    %mul3A_766 = vector.broadcast %mul3A_765 : f32 to vector<16xf32>
    %mul3A_767 = arith.mulf %bitcast_convert_type3A_761, %mul3A_766 : vector<16xf32>
    %select_n3A_768 = arith.select %gt3A_764, %mul3A_767, %bitcast_convert_type3A_761 : vector<16xi1>, vector<16xf32>
    %convert_element_type3A_769 = arith.extui %gt3A_764 : vector<16xi1> to vector<16xi32>
    %add3A_770 = arith.addi %sub3A_754, %convert_element_type3A_769 : vector<16xi32>
    %sub3A_771 = arith.constant 1.000000e+00 : f32
    %sub3A_772 = vector.broadcast %sub3A_771 : f32 to vector<16xf32>
    %sub3A_773 = arith.subf %select_n3A_768, %sub3A_772 : vector<16xf32>
    %add3A_774 = arith.constant 1.000000e+00 : f32
    %add3A_775 = vector.broadcast %add3A_774 : f32 to vector<16xf32>
    %add3A_776 = arith.addf %select_n3A_768, %add3A_775 : vector<16xf32>
    %div3A_777 = arith.divf %sub3A_773, %add3A_776 : vector<16xf32>
    %mul3A_778 = arith.mulf %div3A_777, %div3A_777 : vector<16xf32>
    %mul3A_779 = arith.constant 2.000000e+00 : f32
    %mul3A_780 = vector.broadcast %mul3A_779 : f32 to vector<16xf32>
    %mul3A_781 = arith.mulf %mul3A_780, %div3A_777 : vector<16xf32>
    %mul3A_782 = arith.constant 0.111111112 : f32
    %mul3A_783 = vector.broadcast %mul3A_782 : f32 to vector<16xf32>
    %mul3A_784 = arith.mulf %mul3A_778, %mul3A_783 : vector<16xf32>
    %add3A_785 = arith.constant 0.142857149 : f32
    %add3A_786 = vector.broadcast %add3A_785 : f32 to vector<16xf32>
    %add3A_787 = arith.addf %add3A_786, %mul3A_784 : vector<16xf32>
    %mul3A_788 = arith.mulf %mul3A_778, %add3A_787 : vector<16xf32>
    %add3A_789 = arith.constant 2.000000e-01 : f32
    %add3A_790 = vector.broadcast %add3A_789 : f32 to vector<16xf32>
    %add3A_791 = arith.addf %add3A_790, %mul3A_788 : vector<16xf32>
    %mul3A_792 = arith.mulf %mul3A_778, %add3A_791 : vector<16xf32>
    %add3A_793 = arith.constant 0.333333343 : f32
    %add3A_794 = vector.broadcast %add3A_793 : f32 to vector<16xf32>
    %add3A_795 = arith.addf %add3A_794, %mul3A_792 : vector<16xf32>
    %mul3A_796 = arith.mulf %mul3A_778, %add3A_795 : vector<16xf32>
    %add3A_797 = arith.constant 1.000000e+00 : f32
    %add3A_798 = vector.broadcast %add3A_797 : f32 to vector<16xf32>
    %add3A_799 = arith.addf %add3A_798, %mul3A_796 : vector<16xf32>
    %mul3A_800 = arith.mulf %mul3A_781, %add3A_799 : vector<16xf32>
    %convert_element_type3A_801 = arith.sitofp %add3A_770 : vector<16xi32> to vector<16xf32>
    %mul3A_802 = arith.constant 0.693147182 : f32
    %mul3A_803 = vector.broadcast %mul3A_802 : f32 to vector<16xf32>
    %mul3A_804 = arith.mulf %convert_element_type3A_801, %mul3A_803 : vector<16xf32>
    %add3A_805 = arith.addf %mul3A_804, %mul3A_800 : vector<16xf32>
    %lt3A_806 = arith.constant 0x7F800000 : f32
    %lt3A_807 = vector.broadcast %lt3A_806 : f32 to vector<16xf32>
    %lt3A_808 = arith.cmpf olt, %add3A_744, %lt3A_807 : vector<16xf32>
    %not3A_809 = arith.constant dense<true> : vector<16xi1>
    %not3A_810 = arith.xori %lt3A_808, %not3A_809 : vector<16xi1>
    %select_n3A_811 = arith.select %not3A_810, %add3A_744, %add3A_805 : vector<16xi1>, vector<16xf32>
    %swap3A_812 = arith.constant 144 : index
    %swap3A_813 = tpu.vector_load %arg11[%swap3A_812] {strides = array<i32>} : memref<512xf32, #tpu.memory_space<vmem>>, vector<16xf32>,
    tpu.vector_store %arg11[%swap3A_812], %select_n3A_811 {strides = array<i32>} : memref<512xf32, #tpu.memory_space<vmem>>, vector<16xf32>,
    %get3A_814 = arith.constant 160 : index
    %get3A_815 = tpu.vector_load %arg12[%get3A_814] {strides = array<i32>} : memref<512xf32, #tpu.memory_space<vmem>>, vector<16xf32>,
    %get3A_816 = arith.constant 160 : index
    %get3A_817 = tpu.vector_load %arg11[%get3A_816] {strides = array<i32>} : memref<512xf32, #tpu.memory_space<vmem>>, vector<16xf32>,
    %mul3A_818 = arith.constant 5.000000e+03 : f32
    %mul3A_819 = vector.broadcast %mul3A_818 : f32 to vector<16xf32>
    %mul3A_820 = arith.mulf %mul3A_819, %get3A_817 : vector<16xf32>
    %div3A_821 = arith.divf %get3A_815, %mul3A_820 : vector<16xf32>
    %add3A_822 = arith.constant 9.99999997E-7 : f32
    %add3A_823 = vector.broadcast %add3A_822 : f32 to vector<16xf32>
    %add3A_824 = arith.addf %add3A_823, %div3A_821 : vector<16xf32>
    %bitcast_convert_type3A_825 = tpu.bitcast %add3A_824 : vector<16xf32> -> vector<16xi32>
    %shift_right_arithmetic3A_826 = arith.constant 23 : i32
    %shift_right_arithmetic3A_827 = vector.broadcast %shift_right_arithmetic3A_826 : i32 to vector<16xi32>
    %shift_right_arithmetic3A_828 = arith.shrsi %bitcast_convert_type3A_825, %shift_right_arithmetic3A_827 : vector<16xi32>
    %and3A_829 = arith.constant 255 : i32
    %and3A_830 = vector.broadcast %and3A_829 : i32 to vector<16xi32>
    %and3A_831 = arith.andi %shift_right_arithmetic3A_828, %and3A_830 : vector<16xi32>
    %sub3A_832 = arith.constant 127 : i32
    %sub3A_833 = vector.broadcast %sub3A_832 : i32 to vector<16xi32>
    %sub3A_834 = arith.subi %and3A_831, %sub3A_833 : vector<16xi32>
    %and3A_835 = arith.constant 8388607 : i32
    %and3A_836 = vector.broadcast %and3A_835 : i32 to vector<16xi32>
    %and3A_837 = arith.andi %bitcast_convert_type3A_825, %and3A_836 : vector<16xi32>
    %or3A_838 = arith.constant 1065353216 : i32
    %or3A_839 = vector.broadcast %or3A_838 : i32 to vector<16xi32>
    %or3A_840 = arith.ori %and3A_837, %or3A_839 : vector<16xi32>
    %bitcast_convert_type3A_841 = tpu.bitcast %or3A_840 : vector<16xi32> -> vector<16xf32>
    %gt3A_842 = arith.constant 1.41421354 : f32
    %gt3A_843 = vector.broadcast %gt3A_842 : f32 to vector<16xf32>
    %gt3A_844 = arith.cmpf ogt, %bitcast_convert_type3A_841, %gt3A_843 : vector<16xf32>
    %mul3A_845 = arith.constant 5.000000e-01 : f32
    %mul3A_846 = vector.broadcast %mul3A_845 : f32 to vector<16xf32>
    %mul3A_847 = arith.mulf %bitcast_convert_type3A_841, %mul3A_846 : vector<16xf32>
    %select_n3A_848 = arith.select %gt3A_844, %mul3A_847, %bitcast_convert_type3A_841 : vector<16xi1>, vector<16xf32>
    %convert_element_type3A_849 = arith.extui %gt3A_844 : vector<16xi1> to vector<16xi32>
    %add3A_850 = arith.addi %sub3A_834, %convert_element_type3A_849 : vector<16xi32>
    %sub3A_851 = arith.constant 1.000000e+00 : f32
    %sub3A_852 = vector.broadcast %sub3A_851 : f32 to vector<16xf32>
    %sub3A_853 = arith.subf %select_n3A_848, %sub3A_852 : vector<16xf32>
    %add3A_854 = arith.constant 1.000000e+00 : f32
    %add3A_855 = vector.broadcast %add3A_854 : f32 to vector<16xf32>
    %add3A_856 = arith.addf %select_n3A_848, %add3A_855 : vector<16xf32>
    %div3A_857 = arith.divf %sub3A_853, %add3A_856 : vector<16xf32>
    %mul3A_858 = arith.mulf %div3A_857, %div3A_857 : vector<16xf32>
    %mul3A_859 = arith.constant 2.000000e+00 : f32
    %mul3A_860 = vector.broadcast %mul3A_859 : f32 to vector<16xf32>
    %mul3A_861 = arith.mulf %mul3A_860, %div3A_857 : vector<16xf32>
    %mul3A_862 = arith.constant 0.111111112 : f32
    %mul3A_863 = vector.broadcast %mul3A_862 : f32 to vector<16xf32>
    %mul3A_864 = arith.mulf %mul3A_858, %mul3A_863 : vector<16xf32>
    %add3A_865 = arith.constant 0.142857149 : f32
    %add3A_866 = vector.broadcast %add3A_865 : f32 to vector<16xf32>
    %add3A_867 = arith.addf %add3A_866, %mul3A_864 : vector<16xf32>
    %mul3A_868 = arith.mulf %mul3A_858, %add3A_867 : vector<16xf32>
    %add3A_869 = arith.constant 2.000000e-01 : f32
    %add3A_870 = vector.broadcast %add3A_869 : f32 to vector<16xf32>
    %add3A_871 = arith.addf %add3A_870, %mul3A_868 : vector<16xf32>
    %mul3A_872 = arith.mulf %mul3A_858, %add3A_871 : vector<16xf32>
    %add3A_873 = arith.constant 0.333333343 : f32
    %add3A_874 = vector.broadcast %add3A_873 : f32 to vector<16xf32>
    %add3A_875 = arith.addf %add3A_874, %mul3A_872 : vector<16xf32>
    %mul3A_876 = arith.mulf %mul3A_858, %add3A_875 : vector<16xf32>
    %add3A_877 = arith.constant 1.000000e+00 : f32
    %add3A_878 = vector.broadcast %add3A_877 : f32 to vector<16xf32>
    %add3A_879 = arith.addf %add3A_878, %mul3A_876 : vector<16xf32>
    %mul3A_880 = arith.mulf %mul3A_861, %add3A_879 : vector<16xf32>
    %convert_element_type3A_881 = arith.sitofp %add3A_850 : vector<16xi32> to vector<16xf32>
    %mul3A_882 = arith.constant 0.693147182 : f32
    %mul3A_883 = vector.broadcast %mul3A_882 : f32 to vector<16xf32>
    %mul3A_884 = arith.mulf %convert_element_type3A_881, %mul3A_883 : vector<16xf32>
    %add3A_885 = arith.addf %mul3A_884, %mul3A_880 : vector<16xf32>
    %lt3A_886 = arith.constant 0x7F800000 : f32
    %lt3A_887 = vector.broadcast %lt3A_886 : f32 to vector<16xf32>
    %lt3A_888 = arith.cmpf olt, %add3A_824, %lt3A_887 : vector<16xf32>
    %not3A_889 = arith.constant dense<true> : vector<16xi1>
    %not3A_890 = arith.xori %lt3A_888, %not3A_889 : vector<16xi1>
    %select_n3A_891 = arith.select %not3A_890, %add3A_824, %add3A_885 : vector<16xi1>, vector<16xf32>
    %swap3A_892 = arith.constant 160 : index
    %swap3A_893 = tpu.vector_load %arg11[%swap3A_892] {strides = array<i32>} : memref<512xf32, #tpu.memory_space<vmem>>, vector<16xf32>,
    tpu.vector_store %arg11[%swap3A_892], %select_n3A_891 {strides = array<i32>} : memref<512xf32, #tpu.memory_space<vmem>>, vector<16xf32>,
    %get3A_894 = arith.constant 176 : index
    %get3A_895 = tpu.vector_load %arg12[%get3A_894] {strides = array<i32>} : memref<512xf32, #tpu.memory_space<vmem>>, vector<16xf32>,
    %get3A_896 = arith.constant 176 : index
    %get3A_897 = tpu.vector_load %arg11[%get3A_896] {strides = array<i32>} : memref<512xf32, #tpu.memory_space<vmem>>, vector<16xf32>,
    %mul3A_898 = arith.constant 5.000000e+03 : f32
    %mul3A_899 = vector.broadcast %mul3A_898 : f32 to vector<16xf32>
    %mul3A_900 = arith.mulf %mul3A_899, %get3A_897 : vector<16xf32>
    %div3A_901 = arith.divf %get3A_895, %mul3A_900 : vector<16xf32>
    %add3A_902 = arith.constant 9.99999997E-7 : f32
    %add3A_903 = vector.broadcast %add3A_902 : f32 to vector<16xf32>
    %add3A_904 = arith.addf %add3A_903, %div3A_901 : vector<16xf32>
    %bitcast_convert_type3A_905 = tpu.bitcast %add3A_904 : vector<16xf32> -> vector<16xi32>
    %shift_right_arithmetic3A_906 = arith.constant 23 : i32
    %shift_right_arithmetic3A_907 = vector.broadcast %shift_right_arithmetic3A_906 : i32 to vector<16xi32>
    %shift_right_arithmetic3A_908 = arith.shrsi %bitcast_convert_type3A_905, %shift_right_arithmetic3A_907 : vector<16xi32>
    %and3A_909 = arith.constant 255 : i32
    %and3A_910 = vector.broadcast %and3A_909 : i32 to vector<16xi32>
    %and3A_911 = arith.andi %shift_right_arithmetic3A_908, %and3A_910 : vector<16xi32>
    %sub3A_912 = arith.constant 127 : i32
    %sub3A_913 = vector.broadcast %sub3A_912 : i32 to vector<16xi32>
    %sub3A_914 = arith.subi %and3A_911, %sub3A_913 : vector<16xi32>
    %and3A_915 = arith.constant 8388607 : i32
    %and3A_916 = vector.broadcast %and3A_915 : i32 to vector<16xi32>
    %and3A_917 = arith.andi %bitcast_convert_type3A_905, %and3A_916 : vector<16xi32>
    %or3A_918 = arith.constant 1065353216 : i32
    %or3A_919 = vector.broadcast %or3A_918 : i32 to vector<16xi32>
    %or3A_920 = arith.ori %and3A_917, %or3A_919 : vector<16xi32>
    %bitcast_convert_type3A_921 = tpu.bitcast %or3A_920 : vector<16xi32> -> vector<16xf32>
    %gt3A_922 = arith.constant 1.41421354 : f32
    %gt3A_923 = vector.broadcast %gt3A_922 : f32 to vector<16xf32>
    %gt3A_924 = arith.cmpf ogt, %bitcast_convert_type3A_921, %gt3A_923 : vector<16xf32>
    %mul3A_925 = arith.constant 5.000000e-01 : f32
    %mul3A_926 = vector.broadcast %mul3A_925 : f32 to vector<16xf32>
    %mul3A_927 = arith.mulf %bitcast_convert_type3A_921, %mul3A_926 : vector<16xf32>
    %select_n3A_928 = arith.select %gt3A_924, %mul3A_927, %bitcast_convert_type3A_921 : vector<16xi1>, vector<16xf32>
    %convert_element_type3A_929 = arith.extui %gt3A_924 : vector<16xi1> to vector<16xi32>
    %add3A_930 = arith.addi %sub3A_914, %convert_element_type3A_929 : vector<16xi32>
    %sub3A_931 = arith.constant 1.000000e+00 : f32
    %sub3A_932 = vector.broadcast %sub3A_931 : f32 to vector<16xf32>
    %sub3A_933 = arith.subf %select_n3A_928, %sub3A_932 : vector<16xf32>
    %add3A_934 = arith.constant 1.000000e+00 : f32
    %add3A_935 = vector.broadcast %add3A_934 : f32 to vector<16xf32>
    %add3A_936 = arith.addf %select_n3A_928, %add3A_935 : vector<16xf32>
    %div3A_937 = arith.divf %sub3A_933, %add3A_936 : vector<16xf32>
    %mul3A_938 = arith.mulf %div3A_937, %div3A_937 : vector<16xf32>
    %mul3A_939 = arith.constant 2.000000e+00 : f32
    %mul3A_940 = vector.broadcast %mul3A_939 : f32 to vector<16xf32>
    %mul3A_941 = arith.mulf %mul3A_940, %div3A_937 : vector<16xf32>
    %mul3A_942 = arith.constant 0.111111112 : f32
    %mul3A_943 = vector.broadcast %mul3A_942 : f32 to vector<16xf32>
    %mul3A_944 = arith.mulf %mul3A_938, %mul3A_943 : vector<16xf32>
    %add3A_945 = arith.constant 0.142857149 : f32
    %add3A_946 = vector.broadcast %add3A_945 : f32 to vector<16xf32>
    %add3A_947 = arith.addf %add3A_946, %mul3A_944 : vector<16xf32>
    %mul3A_948 = arith.mulf %mul3A_938, %add3A_947 : vector<16xf32>
    %add3A_949 = arith.constant 2.000000e-01 : f32
    %add3A_950 = vector.broadcast %add3A_949 : f32 to vector<16xf32>
    %add3A_951 = arith.addf %add3A_950, %mul3A_948 : vector<16xf32>
    %mul3A_952 = arith.mulf %mul3A_938, %add3A_951 : vector<16xf32>
    %add3A_953 = arith.constant 0.333333343 : f32
    %add3A_954 = vector.broadcast %add3A_953 : f32 to vector<16xf32>
    %add3A_955 = arith.addf %add3A_954, %mul3A_952 : vector<16xf32>
    %mul3A_956 = arith.mulf %mul3A_938, %add3A_955 : vector<16xf32>
    %add3A_957 = arith.constant 1.000000e+00 : f32
    %add3A_958 = vector.broadcast %add3A_957 : f32 to vector<16xf32>
    %add3A_959 = arith.addf %add3A_958, %mul3A_956 : vector<16xf32>
    %mul3A_960 = arith.mulf %mul3A_941, %add3A_959 : vector<16xf32>
    %convert_element_type3A_961 = arith.sitofp %add3A_930 : vector<16xi32> to vector<16xf32>
    %mul3A_962 = arith.constant 0.693147182 : f32
    %mul3A_963 = vector.broadcast %mul3A_962 : f32 to vector<16xf32>
    %mul3A_964 = arith.mulf %convert_element_type3A_961, %mul3A_963 : vector<16xf32>
    %add3A_965 = arith.addf %mul3A_964, %mul3A_960 : vector<16xf32>
    %lt3A_966 = arith.constant 0x7F800000 : f32
    %lt3A_967 = vector.broadcast %lt3A_966 : f32 to vector<16xf32>
    %lt3A_968 = arith.cmpf olt, %add3A_904, %lt3A_967 : vector<16xf32>
    %not3A_969 = arith.constant dense<true> : vector<16xi1>
    %not3A_970 = arith.xori %lt3A_968, %not3A_969 : vector<16xi1>
    %select_n3A_971 = arith.select %not3A_970, %add3A_904, %add3A_965 : vector<16xi1>, vector<16xf32>
    %swap3A_972 = arith.constant 176 : index
    %swap3A_973 = tpu.vector_load %arg11[%swap3A_972] {strides = array<i32>} : memref<512xf32, #tpu.memory_space<vmem>>, vector<16xf32>,
    tpu.vector_store %arg11[%swap3A_972], %select_n3A_971 {strides = array<i32>} : memref<512xf32, #tpu.memory_space<vmem>>, vector<16xf32>,
    %get3A_974 = arith.constant 192 : index
    %get3A_975 = tpu.vector_load %arg12[%get3A_974] {strides = array<i32>} : memref<512xf32, #tpu.memory_space<vmem>>, vector<16xf32>,
    %get3A_976 = arith.constant 192 : index
    %get3A_977 = tpu.vector_load %arg11[%get3A_976] {strides = array<i32>} : memref<512xf32, #tpu.memory_space<vmem>>, vector<16xf32>,
    %mul3A_978 = arith.constant 5.000000e+03 : f32
    %mul3A_979 = vector.broadcast %mul3A_978 : f32 to vector<16xf32>
    %mul3A_980 = arith.mulf %mul3A_979, %get3A_977 : vector<16xf32>
    %div3A_981 = arith.divf %get3A_975, %mul3A_980 : vector<16xf32>
    %add3A_982 = arith.constant 9.99999997E-7 : f32
    %add3A_983 = vector.broadcast %add3A_982 : f32 to vector<16xf32>
    %add3A_984 = arith.addf %add3A_983, %div3A_981 : vector<16xf32>
    %bitcast_convert_type3A_985 = tpu.bitcast %add3A_984 : vector<16xf32> -> vector<16xi32>
    %shift_right_arithmetic3A_986 = arith.constant 23 : i32
    %shift_right_arithmetic3A_987 = vector.broadcast %shift_right_arithmetic3A_986 : i32 to vector<16xi32>
    %shift_right_arithmetic3A_988 = arith.shrsi %bitcast_convert_type3A_985, %shift_right_arithmetic3A_987 : vector<16xi32>
    %and3A_989 = arith.constant 255 : i32
    %and3A_990 = vector.broadcast %and3A_989 : i32 to vector<16xi32>
    %and3A_991 = arith.andi %shift_right_arithmetic3A_988, %and3A_990 : vector<16xi32>
    %sub3A_992 = arith.constant 127 : i32
    %sub3A_993 = vector.broadcast %sub3A_992 : i32 to vector<16xi32>
    %sub3A_994 = arith.subi %and3A_991, %sub3A_993 : vector<16xi32>
    %and3A_995 = arith.constant 8388607 : i32
    %and3A_996 = vector.broadcast %and3A_995 : i32 to vector<16xi32>
    %and3A_997 = arith.andi %bitcast_convert_type3A_985, %and3A_996 : vector<16xi32>
    %or3A_998 = arith.constant 1065353216 : i32
    %or3A_999 = vector.broadcast %or3A_998 : i32 to vector<16xi32>
    %or3A_1000 = arith.ori %and3A_997, %or3A_999 : vector<16xi32>
    %bitcast_convert_type3A_1001 = tpu.bitcast %or3A_1000 : vector<16xi32> -> vector<16xf32>
    %gt3A_1002 = arith.constant 1.41421354 : f32
    %gt3A_1003 = vector.broadcast %gt3A_1002 : f32 to vector<16xf32>
    %gt3A_1004 = arith.cmpf ogt, %bitcast_convert_type3A_1001, %gt3A_1003 : vector<16xf32>
    %mul3A_1005 = arith.constant 5.000000e-01 : f32
    %mul3A_1006 = vector.broadcast %mul3A_1005 : f32 to vector<16xf32>
    %mul3A_1007 = arith.mulf %bitcast_convert_type3A_1001, %mul3A_1006 : vector<16xf32>
    %select_n3A_1008 = arith.select %gt3A_1004, %mul3A_1007, %bitcast_convert_type3A_1001 : vector<16xi1>, vector<16xf32>
    %convert_element_type3A_1009 = arith.extui %gt3A_1004 : vector<16xi1> to vector<16xi32>
    %add3A_1010 = arith.addi %sub3A_994, %convert_element_type3A_1009 : vector<16xi32>
    %sub3A_1011 = arith.constant 1.000000e+00 : f32
    %sub3A_1012 = vector.broadcast %sub3A_1011 : f32 to vector<16xf32>
    %sub3A_1013 = arith.subf %select_n3A_1008, %sub3A_1012 : vector<16xf32>
    %add3A_1014 = arith.constant 1.000000e+00 : f32
    %add3A_1015 = vector.broadcast %add3A_1014 : f32 to vector<16xf32>
    %add3A_1016 = arith.addf %select_n3A_1008, %add3A_1015 : vector<16xf32>
    %div3A_1017 = arith.divf %sub3A_1013, %add3A_1016 : vector<16xf32>
    %mul3A_1018 = arith.mulf %div3A_1017, %div3A_1017 : vector<16xf32>
    %mul3A_1019 = arith.constant 2.000000e+00 : f32
    %mul3A_1020 = vector.broadcast %mul3A_1019 : f32 to vector<16xf32>
    %mul3A_1021 = arith.mulf %mul3A_1020, %div3A_1017 : vector<16xf32>
    %mul3A_1022 = arith.constant 0.111111112 : f32
    %mul3A_1023 = vector.broadcast %mul3A_1022 : f32 to vector<16xf32>
    %mul3A_1024 = arith.mulf %mul3A_1018, %mul3A_1023 : vector<16xf32>
    %add3A_1025 = arith.constant 0.142857149 : f32
    %add3A_1026 = vector.broadcast %add3A_1025 : f32 to vector<16xf32>
    %add3A_1027 = arith.addf %add3A_1026, %mul3A_1024 : vector<16xf32>
    %mul3A_1028 = arith.mulf %mul3A_1018, %add3A_1027 : vector<16xf32>
    %add3A_1029 = arith.constant 2.000000e-01 : f32
    %add3A_1030 = vector.broadcast %add3A_1029 : f32 to vector<16xf32>
    %add3A_1031 = arith.addf %add3A_1030, %mul3A_1028 : vector<16xf32>
    %mul3A_1032 = arith.mulf %mul3A_1018, %add3A_1031 : vector<16xf32>
    %add3A_1033 = arith.constant 0.333333343 : f32
    %add3A_1034 = vector.broadcast %add3A_1033 : f32 to vector<16xf32>
    %add3A_1035 = arith.addf %add3A_1034, %mul3A_1032 : vector<16xf32>
    %mul3A_1036 = arith.mulf %mul3A_1018, %add3A_1035 : vector<16xf32>
    %add3A_1037 = arith.constant 1.000000e+00 : f32
    %add3A_1038 = vector.broadcast %add3A_1037 : f32 to vector<16xf32>
    %add3A_1039 = arith.addf %add3A_1038, %mul3A_1036 : vector<16xf32>
    %mul3A_1040 = arith.mulf %mul3A_1021, %add3A_1039 : vector<16xf32>
    %convert_element_type3A_1041 = arith.sitofp %add3A_1010 : vector<16xi32> to vector<16xf32>
    %mul3A_1042 = arith.constant 0.693147182 : f32
    %mul3A_1043 = vector.broadcast %mul3A_1042 : f32 to vector<16xf32>
    %mul3A_1044 = arith.mulf %convert_element_type3A_1041, %mul3A_1043 : vector<16xf32>
    %add3A_1045 = arith.addf %mul3A_1044, %mul3A_1040 : vector<16xf32>
    %lt3A_1046 = arith.constant 0x7F800000 : f32
    %lt3A_1047 = vector.broadcast %lt3A_1046 : f32 to vector<16xf32>
    %lt3A_1048 = arith.cmpf olt, %add3A_984, %lt3A_1047 : vector<16xf32>
    %not3A_1049 = arith.constant dense<true> : vector<16xi1>
    %not3A_1050 = arith.xori %lt3A_1048, %not3A_1049 : vector<16xi1>
    %select_n3A_1051 = arith.select %not3A_1050, %add3A_984, %add3A_1045 : vector<16xi1>, vector<16xf32>
    %swap3A_1052 = arith.constant 192 : index
    %swap3A_1053 = tpu.vector_load %arg11[%swap3A_1052] {strides = array<i32>} : memref<512xf32, #tpu.memory_space<vmem>>, vector<16xf32>,
    tpu.vector_store %arg11[%swap3A_1052], %select_n3A_1051 {strides = array<i32>} : memref<512xf32, #tpu.memory_space<vmem>>, vector<16xf32>,
    %get3A_1054 = arith.constant 208 : index
    %get3A_1055 = tpu.vector_load %arg12[%get3A_1054] {strides = array<i32>} : memref<512xf32, #tpu.memory_space<vmem>>, vector<16xf32>,
    %get3A_1056 = arith.constant 208 : index
    %get3A_1057 = tpu.vector_load %arg11[%get3A_1056] {strides = array<i32>} : memref<512xf32, #tpu.memory_space<vmem>>, vector<16xf32>,
    %mul3A_1058 = arith.constant 5.000000e+03 : f32
    %mul3A_1059 = vector.broadcast %mul3A_1058 : f32 to vector<16xf32>
    %mul3A_1060 = arith.mulf %mul3A_1059, %get3A_1057 : vector<16xf32>
    %div3A_1061 = arith.divf %get3A_1055, %mul3A_1060 : vector<16xf32>
    %add3A_1062 = arith.constant 9.99999997E-7 : f32
    %add3A_1063 = vector.broadcast %add3A_1062 : f32 to vector<16xf32>
    %add3A_1064 = arith.addf %add3A_1063, %div3A_1061 : vector<16xf32>
    %bitcast_convert_type3A_1065 = tpu.bitcast %add3A_1064 : vector<16xf32> -> vector<16xi32>
    %shift_right_arithmetic3A_1066 = arith.constant 23 : i32
    %shift_right_arithmetic3A_1067 = vector.broadcast %shift_right_arithmetic3A_1066 : i32 to vector<16xi32>
    %shift_right_arithmetic3A_1068 = arith.shrsi %bitcast_convert_type3A_1065, %shift_right_arithmetic3A_1067 : vector<16xi32>
    %and3A_1069 = arith.constant 255 : i32
    %and3A_1070 = vector.broadcast %and3A_1069 : i32 to vector<16xi32>
    %and3A_1071 = arith.andi %shift_right_arithmetic3A_1068, %and3A_1070 : vector<16xi32>
    %sub3A_1072 = arith.constant 127 : i32
    %sub3A_1073 = vector.broadcast %sub3A_1072 : i32 to vector<16xi32>
    %sub3A_1074 = arith.subi %and3A_1071, %sub3A_1073 : vector<16xi32>
    %and3A_1075 = arith.constant 8388607 : i32
    %and3A_1076 = vector.broadcast %and3A_1075 : i32 to vector<16xi32>
    %and3A_1077 = arith.andi %bitcast_convert_type3A_1065, %and3A_1076 : vector<16xi32>
    %or3A_1078 = arith.constant 1065353216 : i32
    %or3A_1079 = vector.broadcast %or3A_1078 : i32 to vector<16xi32>
    %or3A_1080 = arith.ori %and3A_1077, %or3A_1079 : vector<16xi32>
    %bitcast_convert_type3A_1081 = tpu.bitcast %or3A_1080 : vector<16xi32> -> vector<16xf32>
    %gt3A_1082 = arith.constant 1.41421354 : f32
    %gt3A_1083 = vector.broadcast %gt3A_1082 : f32 to vector<16xf32>
    %gt3A_1084 = arith.cmpf ogt, %bitcast_convert_type3A_1081, %gt3A_1083 : vector<16xf32>
    %mul3A_1085 = arith.constant 5.000000e-01 : f32
    %mul3A_1086 = vector.broadcast %mul3A_1085 : f32 to vector<16xf32>
    %mul3A_1087 = arith.mulf %bitcast_convert_type3A_1081, %mul3A_1086 : vector<16xf32>
    %select_n3A_1088 = arith.select %gt3A_1084, %mul3A_1087, %bitcast_convert_type3A_1081 : vector<16xi1>, vector<16xf32>
    %convert_element_type3A_1089 = arith.extui %gt3A_1084 : vector<16xi1> to vector<16xi32>
    %add3A_1090 = arith.addi %sub3A_1074, %convert_element_type3A_1089 : vector<16xi32>
    %sub3A_1091 = arith.constant 1.000000e+00 : f32
    %sub3A_1092 = vector.broadcast %sub3A_1091 : f32 to vector<16xf32>
    %sub3A_1093 = arith.subf %select_n3A_1088, %sub3A_1092 : vector<16xf32>
    %add3A_1094 = arith.constant 1.000000e+00 : f32
    %add3A_1095 = vector.broadcast %add3A_1094 : f32 to vector<16xf32>
    %add3A_1096 = arith.addf %select_n3A_1088, %add3A_1095 : vector<16xf32>
    %div3A_1097 = arith.divf %sub3A_1093, %add3A_1096 : vector<16xf32>
    %mul3A_1098 = arith.mulf %div3A_1097, %div3A_1097 : vector<16xf32>
    %mul3A_1099 = arith.constant 2.000000e+00 : f32
    %mul3A_1100 = vector.broadcast %mul3A_1099 : f32 to vector<16xf32>
    %mul3A_1101 = arith.mulf %mul3A_1100, %div3A_1097 : vector<16xf32>
    %mul3A_1102 = arith.constant 0.111111112 : f32
    %mul3A_1103 = vector.broadcast %mul3A_1102 : f32 to vector<16xf32>
    %mul3A_1104 = arith.mulf %mul3A_1098, %mul3A_1103 : vector<16xf32>
    %add3A_1105 = arith.constant 0.142857149 : f32
    %add3A_1106 = vector.broadcast %add3A_1105 : f32 to vector<16xf32>
    %add3A_1107 = arith.addf %add3A_1106, %mul3A_1104 : vector<16xf32>
    %mul3A_1108 = arith.mulf %mul3A_1098, %add3A_1107 : vector<16xf32>
    %add3A_1109 = arith.constant 2.000000e-01 : f32
    %add3A_1110 = vector.broadcast %add3A_1109 : f32 to vector<16xf32>
    %add3A_1111 = arith.addf %add3A_1110, %mul3A_1108 : vector<16xf32>
    %mul3A_1112 = arith.mulf %mul3A_1098, %add3A_1111 : vector<16xf32>
    %add3A_1113 = arith.constant 0.333333343 : f32
    %add3A_1114 = vector.broadcast %add3A_1113 : f32 to vector<16xf32>
    %add3A_1115 = arith.addf %add3A_1114, %mul3A_1112 : vector<16xf32>
    %mul3A_1116 = arith.mulf %mul3A_1098, %add3A_1115 : vector<16xf32>
    %add3A_1117 = arith.constant 1.000000e+00 : f32
    %add3A_1118 = vector.broadcast %add3A_1117 : f32 to vector<16xf32>
    %add3A_1119 = arith.addf %add3A_1118, %mul3A_1116 : vector<16xf32>
    %mul3A_1120 = arith.mulf %mul3A_1101, %add3A_1119 : vector<16xf32>
    %convert_element_type3A_1121 = arith.sitofp %add3A_1090 : vector<16xi32> to vector<16xf32>
    %mul3A_1122 = arith.constant 0.693147182 : f32
    %mul3A_1123 = vector.broadcast %mul3A_1122 : f32 to vector<16xf32>
    %mul3A_1124 = arith.mulf %convert_element_type3A_1121, %mul3A_1123 : vector<16xf32>
    %add3A_1125 = arith.addf %mul3A_1124, %mul3A_1120 : vector<16xf32>
    %lt3A_1126 = arith.constant 0x7F800000 : f32
    %lt3A_1127 = vector.broadcast %lt3A_1126 : f32 to vector<16xf32>
    %lt3A_1128 = arith.cmpf olt, %add3A_1064, %lt3A_1127 : vector<16xf32>
    %not3A_1129 = arith.constant dense<true> : vector<16xi1>
    %not3A_1130 = arith.xori %lt3A_1128, %not3A_1129 : vector<16xi1>
    %select_n3A_1131 = arith.select %not3A_1130, %add3A_1064, %add3A_1125 : vector<16xi1>, vector<16xf32>
    %swap3A_1132 = arith.constant 208 : index
    %swap3A_1133 = tpu.vector_load %arg11[%swap3A_1132] {strides = array<i32>} : memref<512xf32, #tpu.memory_space<vmem>>, vector<16xf32>,
    tpu.vector_store %arg11[%swap3A_1132], %select_n3A_1131 {strides = array<i32>} : memref<512xf32, #tpu.memory_space<vmem>>, vector<16xf32>,
    %get3A_1134 = arith.constant 224 : index
    %get3A_1135 = tpu.vector_load %arg12[%get3A_1134] {strides = array<i32>} : memref<512xf32, #tpu.memory_space<vmem>>, vector<16xf32>,
    %get3A_1136 = arith.constant 224 : index
    %get3A_1137 = tpu.vector_load %arg11[%get3A_1136] {strides = array<i32>} : memref<512xf32, #tpu.memory_space<vmem>>, vector<16xf32>,
    %mul3A_1138 = arith.constant 5.000000e+03 : f32
    %mul3A_1139 = vector.broadcast %mul3A_1138 : f32 to vector<16xf32>
    %mul3A_1140 = arith.mulf %mul3A_1139, %get3A_1137 : vector<16xf32>
    %div3A_1141 = arith.divf %get3A_1135, %mul3A_1140 : vector<16xf32>
    %add3A_1142 = arith.constant 9.99999997E-7 : f32
    %add3A_1143 = vector.broadcast %add3A_1142 : f32 to vector<16xf32>
    %add3A_1144 = arith.addf %add3A_1143, %div3A_1141 : vector<16xf32>
    %bitcast_convert_type3A_1145 = tpu.bitcast %add3A_1144 : vector<16xf32> -> vector<16xi32>
    %shift_right_arithmetic3A_1146 = arith.constant 23 : i32
    %shift_right_arithmetic3A_1147 = vector.broadcast %shift_right_arithmetic3A_1146 : i32 to vector<16xi32>
    %shift_right_arithmetic3A_1148 = arith.shrsi %bitcast_convert_type3A_1145, %shift_right_arithmetic3A_1147 : vector<16xi32>
    %and3A_1149 = arith.constant 255 : i32
    %and3A_1150 = vector.broadcast %and3A_1149 : i32 to vector<16xi32>
    %and3A_1151 = arith.andi %shift_right_arithmetic3A_1148, %and3A_1150 : vector<16xi32>
    %sub3A_1152 = arith.constant 127 : i32
    %sub3A_1153 = vector.broadcast %sub3A_1152 : i32 to vector<16xi32>
    %sub3A_1154 = arith.subi %and3A_1151, %sub3A_1153 : vector<16xi32>
    %and3A_1155 = arith.constant 8388607 : i32
    %and3A_1156 = vector.broadcast %and3A_1155 : i32 to vector<16xi32>
    %and3A_1157 = arith.andi %bitcast_convert_type3A_1145, %and3A_1156 : vector<16xi32>
    %or3A_1158 = arith.constant 1065353216 : i32
    %or3A_1159 = vector.broadcast %or3A_1158 : i32 to vector<16xi32>
    %or3A_1160 = arith.ori %and3A_1157, %or3A_1159 : vector<16xi32>
    %bitcast_convert_type3A_1161 = tpu.bitcast %or3A_1160 : vector<16xi32> -> vector<16xf32>
    %gt3A_1162 = arith.constant 1.41421354 : f32
    %gt3A_1163 = vector.broadcast %gt3A_1162 : f32 to vector<16xf32>
    %gt3A_1164 = arith.cmpf ogt, %bitcast_convert_type3A_1161, %gt3A_1163 : vector<16xf32>
    %mul3A_1165 = arith.constant 5.000000e-01 : f32
    %mul3A_1166 = vector.broadcast %mul3A_1165 : f32 to vector<16xf32>
    %mul3A_1167 = arith.mulf %bitcast_convert_type3A_1161, %mul3A_1166 : vector<16xf32>
    %select_n3A_1168 = arith.select %gt3A_1164, %mul3A_1167, %bitcast_convert_type3A_1161 : vector<16xi1>, vector<16xf32>
    %convert_element_type3A_1169 = arith.extui %gt3A_1164 : vector<16xi1> to vector<16xi32>
    %add3A_1170 = arith.addi %sub3A_1154, %convert_element_type3A_1169 : vector<16xi32>
    %sub3A_1171 = arith.constant 1.000000e+00 : f32
    %sub3A_1172 = vector.broadcast %sub3A_1171 : f32 to vector<16xf32>
    %sub3A_1173 = arith.subf %select_n3A_1168, %sub3A_1172 : vector<16xf32>
    %add3A_1174 = arith.constant 1.000000e+00 : f32
    %add3A_1175 = vector.broadcast %add3A_1174 : f32 to vector<16xf32>
    %add3A_1176 = arith.addf %select_n3A_1168, %add3A_1175 : vector<16xf32>
    %div3A_1177 = arith.divf %sub3A_1173, %add3A_1176 : vector<16xf32>
    %mul3A_1178 = arith.mulf %div3A_1177, %div3A_1177 : vector<16xf32>
    %mul3A_1179 = arith.constant 2.000000e+00 : f32
    %mul3A_1180 = vector.broadcast %mul3A_1179 : f32 to vector<16xf32>
    %mul3A_1181 = arith.mulf %mul3A_1180, %div3A_1177 : vector<16xf32>
    %mul3A_1182 = arith.constant 0.111111112 : f32
    %mul3A_1183 = vector.broadcast %mul3A_1182 : f32 to vector<16xf32>
    %mul3A_1184 = arith.mulf %mul3A_1178, %mul3A_1183 : vector<16xf32>
    %add3A_1185 = arith.constant 0.142857149 : f32
    %add3A_1186 = vector.broadcast %add3A_1185 : f32 to vector<16xf32>
    %add3A_1187 = arith.addf %add3A_1186, %mul3A_1184 : vector<16xf32>
    %mul3A_1188 = arith.mulf %mul3A_1178, %add3A_1187 : vector<16xf32>
    %add3A_1189 = arith.constant 2.000000e-01 : f32
    %add3A_1190 = vector.broadcast %add3A_1189 : f32 to vector<16xf32>
    %add3A_1191 = arith.addf %add3A_1190, %mul3A_1188 : vector<16xf32>
    %mul3A_1192 = arith.mulf %mul3A_1178, %add3A_1191 : vector<16xf32>
    %add3A_1193 = arith.constant 0.333333343 : f32
    %add3A_1194 = vector.broadcast %add3A_1193 : f32 to vector<16xf32>
    %add3A_1195 = arith.addf %add3A_1194, %mul3A_1192 : vector<16xf32>
    %mul3A_1196 = arith.mulf %mul3A_1178, %add3A_1195 : vector<16xf32>
    %add3A_1197 = arith.constant 1.000000e+00 : f32
    %add3A_1198 = vector.broadcast %add3A_1197 : f32 to vector<16xf32>
    %add3A_1199 = arith.addf %add3A_1198, %mul3A_1196 : vector<16xf32>
    %mul3A_1200 = arith.mulf %mul3A_1181, %add3A_1199 : vector<16xf32>
    %convert_element_type3A_1201 = arith.sitofp %add3A_1170 : vector<16xi32> to vector<16xf32>
    %mul3A_1202 = arith.constant 0.693147182 : f32
    %mul3A_1203 = vector.broadcast %mul3A_1202 : f32 to vector<16xf32>
    %mul3A_1204 = arith.mulf %convert_element_type3A_1201, %mul3A_1203 : vector<16xf32>
    %add3A_1205 = arith.addf %mul3A_1204, %mul3A_1200 : vector<16xf32>
    %lt3A_1206 = arith.constant 0x7F800000 : f32
    %lt3A_1207 = vector.broadcast %lt3A_1206 : f32 to vector<16xf32>
    %lt3A_1208 = arith.cmpf olt, %add3A_1144, %lt3A_1207 : vector<16xf32>
    %not3A_1209 = arith.constant dense<true> : vector<16xi1>
    %not3A_1210 = arith.xori %lt3A_1208, %not3A_1209 : vector<16xi1>
    %select_n3A_1211 = arith.select %not3A_1210, %add3A_1144, %add3A_1205 : vector<16xi1>, vector<16xf32>
    %swap3A_1212 = arith.constant 224 : index
    %swap3A_1213 = tpu.vector_load %arg11[%swap3A_1212] {strides = array<i32>} : memref<512xf32, #tpu.memory_space<vmem>>, vector<16xf32>,
    tpu.vector_store %arg11[%swap3A_1212], %select_n3A_1211 {strides = array<i32>} : memref<512xf32, #tpu.memory_space<vmem>>, vector<16xf32>,
    %get3A_1214 = arith.constant 240 : index
    %get3A_1215 = tpu.vector_load %arg12[%get3A_1214] {strides = array<i32>} : memref<512xf32, #tpu.memory_space<vmem>>, vector<16xf32>,
    %get3A_1216 = arith.constant 240 : index
    %get3A_1217 = tpu.vector_load %arg11[%get3A_1216] {strides = array<i32>} : memref<512xf32, #tpu.memory_space<vmem>>, vector<16xf32>,
    %mul3A_1218 = arith.constant 5.000000e+03 : f32
    %mul3A_1219 = vector.broadcast %mul3A_1218 : f32 to vector<16xf32>
    %mul3A_1220 = arith.mulf %mul3A_1219, %get3A_1217 : vector<16xf32>
    %div3A_1221 = arith.divf %get3A_1215, %mul3A_1220 : vector<16xf32>
    %add3A_1222 = arith.constant 9.99999997E-7 : f32
    %add3A_1223 = vector.broadcast %add3A_1222 : f32 to vector<16xf32>
    %add3A_1224 = arith.addf %add3A_1223, %div3A_1221 : vector<16xf32>
    %bitcast_convert_type3A_1225 = tpu.bitcast %add3A_1224 : vector<16xf32> -> vector<16xi32>
    %shift_right_arithmetic3A_1226 = arith.constant 23 : i32
    %shift_right_arithmetic3A_1227 = vector.broadcast %shift_right_arithmetic3A_1226 : i32 to vector<16xi32>
    %shift_right_arithmetic3A_1228 = arith.shrsi %bitcast_convert_type3A_1225, %shift_right_arithmetic3A_1227 : vector<16xi32>
    %and3A_1229 = arith.constant 255 : i32
    %and3A_1230 = vector.broadcast %and3A_1229 : i32 to vector<16xi32>
    %and3A_1231 = arith.andi %shift_right_arithmetic3A_1228, %and3A_1230 : vector<16xi32>
    %sub3A_1232 = arith.constant 127 : i32
    %sub3A_1233 = vector.broadcast %sub3A_1232 : i32 to vector<16xi32>
    %sub3A_1234 = arith.subi %and3A_1231, %sub3A_1233 : vector<16xi32>
    %and3A_1235 = arith.constant 8388607 : i32
    %and3A_1236 = vector.broadcast %and3A_1235 : i32 to vector<16xi32>
    %and3A_1237 = arith.andi %bitcast_convert_type3A_1225, %and3A_1236 : vector<16xi32>
    %or3A_1238 = arith.constant 1065353216 : i32
    %or3A_1239 = vector.broadcast %or3A_1238 : i32 to vector<16xi32>
    %or3A_1240 = arith.ori %and3A_1237, %or3A_1239 : vector<16xi32>
    %bitcast_convert_type3A_1241 = tpu.bitcast %or3A_1240 : vector<16xi32> -> vector<16xf32>
    %gt3A_1242 = arith.constant 1.41421354 : f32
    %gt3A_1243 = vector.broadcast %gt3A_1242 : f32 to vector<16xf32>
    %gt3A_1244 = arith.cmpf ogt, %bitcast_convert_type3A_1241, %gt3A_1243 : vector<16xf32>
    %mul3A_1245 = arith.constant 5.000000e-01 : f32
    %mul3A_1246 = vector.broadcast %mul3A_1245 : f32 to vector<16xf32>
    %mul3A_1247 = arith.mulf %bitcast_convert_type3A_1241, %mul3A_1246 : vector<16xf32>
    %select_n3A_1248 = arith.select %gt3A_1244, %mul3A_1247, %bitcast_convert_type3A_1241 : vector<16xi1>, vector<16xf32>
    %convert_element_type3A_1249 = arith.extui %gt3A_1244 : vector<16xi1> to vector<16xi32>
    %add3A_1250 = arith.addi %sub3A_1234, %convert_element_type3A_1249 : vector<16xi32>
    %sub3A_1251 = arith.constant 1.000000e+00 : f32
    %sub3A_1252 = vector.broadcast %sub3A_1251 : f32 to vector<16xf32>
    %sub3A_1253 = arith.subf %select_n3A_1248, %sub3A_1252 : vector<16xf32>
    %add3A_1254 = arith.constant 1.000000e+00 : f32
    %add3A_1255 = vector.broadcast %add3A_1254 : f32 to vector<16xf32>
    %add3A_1256 = arith.addf %select_n3A_1248, %add3A_1255 : vector<16xf32>
    %div3A_1257 = arith.divf %sub3A_1253, %add3A_1256 : vector<16xf32>
    %mul3A_1258 = arith.mulf %div3A_1257, %div3A_1257 : vector<16xf32>
    %mul3A_1259 = arith.constant 2.000000e+00 : f32
    %mul3A_1260 = vector.broadcast %mul3A_1259 : f32 to vector<16xf32>
    %mul3A_1261 = arith.mulf %mul3A_1260, %div3A_1257 : vector<16xf32>
    %mul3A_1262 = arith.constant 0.111111112 : f32
    %mul3A_1263 = vector.broadcast %mul3A_1262 : f32 to vector<16xf32>
    %mul3A_1264 = arith.mulf %mul3A_1258, %mul3A_1263 : vector<16xf32>
    %add3A_1265 = arith.constant 0.142857149 : f32
    %add3A_1266 = vector.broadcast %add3A_1265 : f32 to vector<16xf32>
    %add3A_1267 = arith.addf %add3A_1266, %mul3A_1264 : vector<16xf32>
    %mul3A_1268 = arith.mulf %mul3A_1258, %add3A_1267 : vector<16xf32>
    %add3A_1269 = arith.constant 2.000000e-01 : f32
    %add3A_1270 = vector.broadcast %add3A_1269 : f32 to vector<16xf32>
    %add3A_1271 = arith.addf %add3A_1270, %mul3A_1268 : vector<16xf32>
    %mul3A_1272 = arith.mulf %mul3A_1258, %add3A_1271 : vector<16xf32>
    %add3A_1273 = arith.constant 0.333333343 : f32
    %add3A_1274 = vector.broadcast %add3A_1273 : f32 to vector<16xf32>
    %add3A_1275 = arith.addf %add3A_1274, %mul3A_1272 : vector<16xf32>
    %mul3A_1276 = arith.mulf %mul3A_1258, %add3A_1275 : vector<16xf32>
    %add3A_1277 = arith.constant 1.000000e+00 : f32
    %add3A_1278 = vector.broadcast %add3A_1277 : f32 to vector<16xf32>
    %add3A_1279 = arith.addf %add3A_1278, %mul3A_1276 : vector<16xf32>
    %mul3A_1280 = arith.mulf %mul3A_1261, %add3A_1279 : vector<16xf32>
    %convert_element_type3A_1281 = arith.sitofp %add3A_1250 : vector<16xi32> to vector<16xf32>
    %mul3A_1282 = arith.constant 0.693147182 : f32
    %mul3A_1283 = vector.broadcast %mul3A_1282 : f32 to vector<16xf32>
    %mul3A_1284 = arith.mulf %convert_element_type3A_1281, %mul3A_1283 : vector<16xf32>
    %add3A_1285 = arith.addf %mul3A_1284, %mul3A_1280 : vector<16xf32>
    %lt3A_1286 = arith.constant 0x7F800000 : f32
    %lt3A_1287 = vector.broadcast %lt3A_1286 : f32 to vector<16xf32>
    %lt3A_1288 = arith.cmpf olt, %add3A_1224, %lt3A_1287 : vector<16xf32>
    %not3A_1289 = arith.constant dense<true> : vector<16xi1>
    %not3A_1290 = arith.xori %lt3A_1288, %not3A_1289 : vector<16xi1>
    %select_n3A_1291 = arith.select %not3A_1290, %add3A_1224, %add3A_1285 : vector<16xi1>, vector<16xf32>
    %swap3A_1292 = arith.constant 240 : index
    %swap3A_1293 = tpu.vector_load %arg11[%swap3A_1292] {strides = array<i32>} : memref<512xf32, #tpu.memory_space<vmem>>, vector<16xf32>,
    tpu.vector_store %arg11[%swap3A_1292], %select_n3A_1291 {strides = array<i32>} : memref<512xf32, #tpu.memory_space<vmem>>, vector<16xf32>,
    %get3A_1294 = arith.constant 256 : index
    %get3A_1295 = tpu.vector_load %arg12[%get3A_1294] {strides = array<i32>} : memref<512xf32, #tpu.memory_space<vmem>>, vector<16xf32>,
    %get3A_1296 = arith.constant 256 : index
    %get3A_1297 = tpu.vector_load %arg11[%get3A_1296] {strides = array<i32>} : memref<512xf32, #tpu.memory_space<vmem>>, vector<16xf32>,
    %mul3A_1298 = arith.constant 5.000000e+03 : f32
    %mul3A_1299 = vector.broadcast %mul3A_1298 : f32 to vector<16xf32>
    %mul3A_1300 = arith.mulf %mul3A_1299, %get3A_1297 : vector<16xf32>
    %div3A_1301 = arith.divf %get3A_1295, %mul3A_1300 : vector<16xf32>
    %add3A_1302 = arith.constant 9.99999997E-7 : f32
    %add3A_1303 = vector.broadcast %add3A_1302 : f32 to vector<16xf32>
    %add3A_1304 = arith.addf %add3A_1303, %div3A_1301 : vector<16xf32>
    %bitcast_convert_type3A_1305 = tpu.bitcast %add3A_1304 : vector<16xf32> -> vector<16xi32>
    %shift_right_arithmetic3A_1306 = arith.constant 23 : i32
    %shift_right_arithmetic3A_1307 = vector.broadcast %shift_right_arithmetic3A_1306 : i32 to vector<16xi32>
    %shift_right_arithmetic3A_1308 = arith.shrsi %bitcast_convert_type3A_1305, %shift_right_arithmetic3A_1307 : vector<16xi32>
    %and3A_1309 = arith.constant 255 : i32
    %and3A_1310 = vector.broadcast %and3A_1309 : i32 to vector<16xi32>
    %and3A_1311 = arith.andi %shift_right_arithmetic3A_1308, %and3A_1310 : vector<16xi32>
    %sub3A_1312 = arith.constant 127 : i32
    %sub3A_1313 = vector.broadcast %sub3A_1312 : i32 to vector<16xi32>
    %sub3A_1314 = arith.subi %and3A_1311, %sub3A_1313 : vector<16xi32>
    %and3A_1315 = arith.constant 8388607 : i32
    %and3A_1316 = vector.broadcast %and3A_1315 : i32 to vector<16xi32>
    %and3A_1317 = arith.andi %bitcast_convert_type3A_1305, %and3A_1316 : vector<16xi32>
    %or3A_1318 = arith.constant 1065353216 : i32
    %or3A_1319 = vector.broadcast %or3A_1318 : i32 to vector<16xi32>
    %or3A_1320 = arith.ori %and3A_1317, %or3A_1319 : vector<16xi32>
    %bitcast_convert_type3A_1321 = tpu.bitcast %or3A_1320 : vector<16xi32> -> vector<16xf32>
    %gt3A_1322 = arith.constant 1.41421354 : f32
    %gt3A_1323 = vector.broadcast %gt3A_1322 : f32 to vector<16xf32>
    %gt3A_1324 = arith.cmpf ogt, %bitcast_convert_type3A_1321, %gt3A_1323 : vector<16xf32>
    %mul3A_1325 = arith.constant 5.000000e-01 : f32
    %mul3A_1326 = vector.broadcast %mul3A_1325 : f32 to vector<16xf32>
    %mul3A_1327 = arith.mulf %bitcast_convert_type3A_1321, %mul3A_1326 : vector<16xf32>
    %select_n3A_1328 = arith.select %gt3A_1324, %mul3A_1327, %bitcast_convert_type3A_1321 : vector<16xi1>, vector<16xf32>
    %convert_element_type3A_1329 = arith.extui %gt3A_1324 : vector<16xi1> to vector<16xi32>
    %add3A_1330 = arith.addi %sub3A_1314, %convert_element_type3A_1329 : vector<16xi32>
    %sub3A_1331 = arith.constant 1.000000e+00 : f32
    %sub3A_1332 = vector.broadcast %sub3A_1331 : f32 to vector<16xf32>
    %sub3A_1333 = arith.subf %select_n3A_1328, %sub3A_1332 : vector<16xf32>
    %add3A_1334 = arith.constant 1.000000e+00 : f32
    %add3A_1335 = vector.broadcast %add3A_1334 : f32 to vector<16xf32>
    %add3A_1336 = arith.addf %select_n3A_1328, %add3A_1335 : vector<16xf32>
    %div3A_1337 = arith.divf %sub3A_1333, %add3A_1336 : vector<16xf32>
    %mul3A_1338 = arith.mulf %div3A_1337, %div3A_1337 : vector<16xf32>
    %mul3A_1339 = arith.constant 2.000000e+00 : f32
    %mul3A_1340 = vector.broadcast %mul3A_1339 : f32 to vector<16xf32>
    %mul3A_1341 = arith.mulf %mul3A_1340, %div3A_1337 : vector<16xf32>
    %mul3A_1342 = arith.constant 0.111111112 : f32
    %mul3A_1343 = vector.broadcast %mul3A_1342 : f32 to vector<16xf32>
    %mul3A_1344 = arith.mulf %mul3A_1338, %mul3A_1343 : vector<16xf32>
    %add3A_1345 = arith.constant 0.142857149 : f32
    %add3A_1346 = vector.broadcast %add3A_1345 : f32 to vector<16xf32>
    %add3A_1347 = arith.addf %add3A_1346, %mul3A_1344 : vector<16xf32>
    %mul3A_1348 = arith.mulf %mul3A_1338, %add3A_1347 : vector<16xf32>
    %add3A_1349 = arith.constant 2.000000e-01 : f32
    %add3A_1350 = vector.broadcast %add3A_1349 : f32 to vector<16xf32>
    %add3A_1351 = arith.addf %add3A_1350, %mul3A_1348 : vector<16xf32>
    %mul3A_1352 = arith.mulf %mul3A_1338, %add3A_1351 : vector<16xf32>
    %add3A_1353 = arith.constant 0.333333343 : f32
    %add3A_1354 = vector.broadcast %add3A_1353 : f32 to vector<16xf32>
    %add3A_1355 = arith.addf %add3A_1354, %mul3A_1352 : vector<16xf32>
    %mul3A_1356 = arith.mulf %mul3A_1338, %add3A_1355 : vector<16xf32>
    %add3A_1357 = arith.constant 1.000000e+00 : f32
    %add3A_1358 = vector.broadcast %add3A_1357 : f32 to vector<16xf32>
    %add3A_1359 = arith.addf %add3A_1358, %mul3A_1356 : vector<16xf32>
    %mul3A_1360 = arith.mulf %mul3A_1341, %add3A_1359 : vector<16xf32>
    %convert_element_type3A_1361 = arith.sitofp %add3A_1330 : vector<16xi32> to vector<16xf32>
    %mul3A_1362 = arith.constant 0.693147182 : f32
    %mul3A_1363 = vector.broadcast %mul3A_1362 : f32 to vector<16xf32>
    %mul3A_1364 = arith.mulf %convert_element_type3A_1361, %mul3A_1363 : vector<16xf32>
    %add3A_1365 = arith.addf %mul3A_1364, %mul3A_1360 : vector<16xf32>
    %lt3A_1366 = arith.constant 0x7F800000 : f32
    %lt3A_1367 = vector.broadcast %lt3A_1366 : f32 to vector<16xf32>
    %lt3A_1368 = arith.cmpf olt, %add3A_1304, %lt3A_1367 : vector<16xf32>
    %not3A_1369 = arith.constant dense<true> : vector<16xi1>
    %not3A_1370 = arith.xori %lt3A_1368, %not3A_1369 : vector<16xi1>
    %select_n3A_1371 = arith.select %not3A_1370, %add3A_1304, %add3A_1365 : vector<16xi1>, vector<16xf32>
    %swap3A_1372 = arith.constant 256 : index
    %swap3A_1373 = tpu.vector_load %arg11[%swap3A_1372] {strides = array<i32>} : memref<512xf32, #tpu.memory_space<vmem>>, vector<16xf32>,
    tpu.vector_store %arg11[%swap3A_1372], %select_n3A_1371 {strides = array<i32>} : memref<512xf32, #tpu.memory_space<vmem>>, vector<16xf32>,
    %get3A_1374 = arith.constant 272 : index
    %get3A_1375 = tpu.vector_load %arg12[%get3A_1374] {strides = array<i32>} : memref<512xf32, #tpu.memory_space<vmem>>, vector<16xf32>,
    %get3A_1376 = arith.constant 272 : index
    %get3A_1377 = tpu.vector_load %arg11[%get3A_1376] {strides = array<i32>} : memref<512xf32, #tpu.memory_space<vmem>>, vector<16xf32>,
    %mul3A_1378 = arith.constant 5.000000e+03 : f32
    %mul3A_1379 = vector.broadcast %mul3A_1378 : f32 to vector<16xf32>
    %mul3A_1380 = arith.mulf %mul3A_1379, %get3A_1377 : vector<16xf32>
    %div3A_1381 = arith.divf %get3A_1375, %mul3A_1380 : vector<16xf32>
    %add3A_1382 = arith.constant 9.99999997E-7 : f32
    %add3A_1383 = vector.broadcast %add3A_1382 : f32 to vector<16xf32>
    %add3A_1384 = arith.addf %add3A_1383, %div3A_1381 : vector<16xf32>
    %bitcast_convert_type3A_1385 = tpu.bitcast %add3A_1384 : vector<16xf32> -> vector<16xi32>
    %shift_right_arithmetic3A_1386 = arith.constant 23 : i32
    %shift_right_arithmetic3A_1387 = vector.broadcast %shift_right_arithmetic3A_1386 : i32 to vector<16xi32>
    %shift_right_arithmetic3A_1388 = arith.shrsi %bitcast_convert_type3A_1385, %shift_right_arithmetic3A_1387 : vector<16xi32>
    %and3A_1389 = arith.constant 255 : i32
    %and3A_1390 = vector.broadcast %and3A_1389 : i32 to vector<16xi32>
    %and3A_1391 = arith.andi %shift_right_arithmetic3A_1388, %and3A_1390 : vector<16xi32>
    %sub3A_1392 = arith.constant 127 : i32
    %sub3A_1393 = vector.broadcast %sub3A_1392 : i32 to vector<16xi32>
    %sub3A_1394 = arith.subi %and3A_1391, %sub3A_1393 : vector<16xi32>
    %and3A_1395 = arith.constant 8388607 : i32
    %and3A_1396 = vector.broadcast %and3A_1395 : i32 to vector<16xi32>
    %and3A_1397 = arith.andi %bitcast_convert_type3A_1385, %and3A_1396 : vector<16xi32>
    %or3A_1398 = arith.constant 1065353216 : i32
    %or3A_1399 = vector.broadcast %or3A_1398 : i32 to vector<16xi32>
    %or3A_1400 = arith.ori %and3A_1397, %or3A_1399 : vector<16xi32>
    %bitcast_convert_type3A_1401 = tpu.bitcast %or3A_1400 : vector<16xi32> -> vector<16xf32>
    %gt3A_1402 = arith.constant 1.41421354 : f32
    %gt3A_1403 = vector.broadcast %gt3A_1402 : f32 to vector<16xf32>
    %gt3A_1404 = arith.cmpf ogt, %bitcast_convert_type3A_1401, %gt3A_1403 : vector<16xf32>
    %mul3A_1405 = arith.constant 5.000000e-01 : f32
    %mul3A_1406 = vector.broadcast %mul3A_1405 : f32 to vector<16xf32>
    %mul3A_1407 = arith.mulf %bitcast_convert_type3A_1401, %mul3A_1406 : vector<16xf32>
    %select_n3A_1408 = arith.select %gt3A_1404, %mul3A_1407, %bitcast_convert_type3A_1401 : vector<16xi1>, vector<16xf32>
    %convert_element_type3A_1409 = arith.extui %gt3A_1404 : vector<16xi1> to vector<16xi32>
    %add3A_1410 = arith.addi %sub3A_1394, %convert_element_type3A_1409 : vector<16xi32>
    %sub3A_1411 = arith.constant 1.000000e+00 : f32
    %sub3A_1412 = vector.broadcast %sub3A_1411 : f32 to vector<16xf32>
    %sub3A_1413 = arith.subf %select_n3A_1408, %sub3A_1412 : vector<16xf32>
    %add3A_1414 = arith.constant 1.000000e+00 : f32
    %add3A_1415 = vector.broadcast %add3A_1414 : f32 to vector<16xf32>
    %add3A_1416 = arith.addf %select_n3A_1408, %add3A_1415 : vector<16xf32>
    %div3A_1417 = arith.divf %sub3A_1413, %add3A_1416 : vector<16xf32>
    %mul3A_1418 = arith.mulf %div3A_1417, %div3A_1417 : vector<16xf32>
    %mul3A_1419 = arith.constant 2.000000e+00 : f32
    %mul3A_1420 = vector.broadcast %mul3A_1419 : f32 to vector<16xf32>
    %mul3A_1421 = arith.mulf %mul3A_1420, %div3A_1417 : vector<16xf32>
    %mul3A_1422 = arith.constant 0.111111112 : f32
    %mul3A_1423 = vector.broadcast %mul3A_1422 : f32 to vector<16xf32>
    %mul3A_1424 = arith.mulf %mul3A_1418, %mul3A_1423 : vector<16xf32>
    %add3A_1425 = arith.constant 0.142857149 : f32
    %add3A_1426 = vector.broadcast %add3A_1425 : f32 to vector<16xf32>
    %add3A_1427 = arith.addf %add3A_1426, %mul3A_1424 : vector<16xf32>
    %mul3A_1428 = arith.mulf %mul3A_1418, %add3A_1427 : vector<16xf32>
    %add3A_1429 = arith.constant 2.000000e-01 : f32
    %add3A_1430 = vector.broadcast %add3A_1429 : f32 to vector<16xf32>
    %add3A_1431 = arith.addf %add3A_1430, %mul3A_1428 : vector<16xf32>
    %mul3A_1432 = arith.mulf %mul3A_1418, %add3A_1431 : vector<16xf32>
    %add3A_1433 = arith.constant 0.333333343 : f32
    %add3A_1434 = vector.broadcast %add3A_1433 : f32 to vector<16xf32>
    %add3A_1435 = arith.addf %add3A_1434, %mul3A_1432 : vector<16xf32>
    %mul3A_1436 = arith.mulf %mul3A_1418, %add3A_1435 : vector<16xf32>
    %add3A_1437 = arith.constant 1.000000e+00 : f32
    %add3A_1438 = vector.broadcast %add3A_1437 : f32 to vector<16xf32>
    %add3A_1439 = arith.addf %add3A_1438, %mul3A_1436 : vector<16xf32>
    %mul3A_1440 = arith.mulf %mul3A_1421, %add3A_1439 : vector<16xf32>
    %convert_element_type3A_1441 = arith.sitofp %add3A_1410 : vector<16xi32> to vector<16xf32>
    %mul3A_1442 = arith.constant 0.693147182 : f32
    %mul3A_1443 = vector.broadcast %mul3A_1442 : f32 to vector<16xf32>
    %mul3A_1444 = arith.mulf %convert_element_type3A_1441, %mul3A_1443 : vector<16xf32>
    %add3A_1445 = arith.addf %mul3A_1444, %mul3A_1440 : vector<16xf32>
    %lt3A_1446 = arith.constant 0x7F800000 : f32
    %lt3A_1447 = vector.broadcast %lt3A_1446 : f32 to vector<16xf32>
    %lt3A_1448 = arith.cmpf olt, %add3A_1384, %lt3A_1447 : vector<16xf32>
    %not3A_1449 = arith.constant dense<true> : vector<16xi1>
    %not3A_1450 = arith.xori %lt3A_1448, %not3A_1449 : vector<16xi1>
    %select_n3A_1451 = arith.select %not3A_1450, %add3A_1384, %add3A_1445 : vector<16xi1>, vector<16xf32>
    %swap3A_1452 = arith.constant 272 : index
    %swap3A_1453 = tpu.vector_load %arg11[%swap3A_1452] {strides = array<i32>} : memref<512xf32, #tpu.memory_space<vmem>>, vector<16xf32>,
    tpu.vector_store %arg11[%swap3A_1452], %select_n3A_1451 {strides = array<i32>} : memref<512xf32, #tpu.memory_space<vmem>>, vector<16xf32>,
    %get3A_1454 = arith.constant 288 : index
    %get3A_1455 = tpu.vector_load %arg12[%get3A_1454] {strides = array<i32>} : memref<512xf32, #tpu.memory_space<vmem>>, vector<16xf32>,
    %get3A_1456 = arith.constant 288 : index
    %get3A_1457 = tpu.vector_load %arg11[%get3A_1456] {strides = array<i32>} : memref<512xf32, #tpu.memory_space<vmem>>, vector<16xf32>,
    %mul3A_1458 = arith.constant 5.000000e+03 : f32
    %mul3A_1459 = vector.broadcast %mul3A_1458 : f32 to vector<16xf32>
    %mul3A_1460 = arith.mulf %mul3A_1459, %get3A_1457 : vector<16xf32>
    %div3A_1461 = arith.divf %get3A_1455, %mul3A_1460 : vector<16xf32>
    %add3A_1462 = arith.constant 9.99999997E-7 : f32
    %add3A_1463 = vector.broadcast %add3A_1462 : f32 to vector<16xf32>
    %add3A_1464 = arith.addf %add3A_1463, %div3A_1461 : vector<16xf32>
    %bitcast_convert_type3A_1465 = tpu.bitcast %add3A_1464 : vector<16xf32> -> vector<16xi32>
    %shift_right_arithmetic3A_1466 = arith.constant 23 : i32
    %shift_right_arithmetic3A_1467 = vector.broadcast %shift_right_arithmetic3A_1466 : i32 to vector<16xi32>
    %shift_right_arithmetic3A_1468 = arith.shrsi %bitcast_convert_type3A_1465, %shift_right_arithmetic3A_1467 : vector<16xi32>
    %and3A_1469 = arith.constant 255 : i32
    %and3A_1470 = vector.broadcast %and3A_1469 : i32 to vector<16xi32>
    %and3A_1471 = arith.andi %shift_right_arithmetic3A_1468, %and3A_1470 : vector<16xi32>
    %sub3A_1472 = arith.constant 127 : i32
    %sub3A_1473 = vector.broadcast %sub3A_1472 : i32 to vector<16xi32>
    %sub3A_1474 = arith.subi %and3A_1471, %sub3A_1473 : vector<16xi32>
    %and3A_1475 = arith.constant 8388607 : i32
    %and3A_1476 = vector.broadcast %and3A_1475 : i32 to vector<16xi32>
    %and3A_1477 = arith.andi %bitcast_convert_type3A_1465, %and3A_1476 : vector<16xi32>
    %or3A_1478 = arith.constant 1065353216 : i32
    %or3A_1479 = vector.broadcast %or3A_1478 : i32 to vector<16xi32>
    %or3A_1480 = arith.ori %and3A_1477, %or3A_1479 : vector<16xi32>
    %bitcast_convert_type3A_1481 = tpu.bitcast %or3A_1480 : vector<16xi32> -> vector<16xf32>
    %gt3A_1482 = arith.constant 1.41421354 : f32
    %gt3A_1483 = vector.broadcast %gt3A_1482 : f32 to vector<16xf32>
    %gt3A_1484 = arith.cmpf ogt, %bitcast_convert_type3A_1481, %gt3A_1483 : vector<16xf32>
    %mul3A_1485 = arith.constant 5.000000e-01 : f32
    %mul3A_1486 = vector.broadcast %mul3A_1485 : f32 to vector<16xf32>
    %mul3A_1487 = arith.mulf %bitcast_convert_type3A_1481, %mul3A_1486 : vector<16xf32>
    %select_n3A_1488 = arith.select %gt3A_1484, %mul3A_1487, %bitcast_convert_type3A_1481 : vector<16xi1>, vector<16xf32>
    %convert_element_type3A_1489 = arith.extui %gt3A_1484 : vector<16xi1> to vector<16xi32>
    %add3A_1490 = arith.addi %sub3A_1474, %convert_element_type3A_1489 : vector<16xi32>
    %sub3A_1491 = arith.constant 1.000000e+00 : f32
    %sub3A_1492 = vector.broadcast %sub3A_1491 : f32 to vector<16xf32>
    %sub3A_1493 = arith.subf %select_n3A_1488, %sub3A_1492 : vector<16xf32>
    %add3A_1494 = arith.constant 1.000000e+00 : f32
    %add3A_1495 = vector.broadcast %add3A_1494 : f32 to vector<16xf32>
    %add3A_1496 = arith.addf %select_n3A_1488, %add3A_1495 : vector<16xf32>
    %div3A_1497 = arith.divf %sub3A_1493, %add3A_1496 : vector<16xf32>
    %mul3A_1498 = arith.mulf %div3A_1497, %div3A_1497 : vector<16xf32>
    %mul3A_1499 = arith.constant 2.000000e+00 : f32
    %mul3A_1500 = vector.broadcast %mul3A_1499 : f32 to vector<16xf32>
    %mul3A_1501 = arith.mulf %mul3A_1500, %div3A_1497 : vector<16xf32>
    %mul3A_1502 = arith.constant 0.111111112 : f32
    %mul3A_1503 = vector.broadcast %mul3A_1502 : f32 to vector<16xf32>
    %mul3A_1504 = arith.mulf %mul3A_1498, %mul3A_1503 : vector<16xf32>
    %add3A_1505 = arith.constant 0.142857149 : f32
    %add3A_1506 = vector.broadcast %add3A_1505 : f32 to vector<16xf32>
    %add3A_1507 = arith.addf %add3A_1506, %mul3A_1504 : vector<16xf32>
    %mul3A_1508 = arith.mulf %mul3A_1498, %add3A_1507 : vector<16xf32>
    %add3A_1509 = arith.constant 2.000000e-01 : f32
    %add3A_1510 = vector.broadcast %add3A_1509 : f32 to vector<16xf32>
    %add3A_1511 = arith.addf %add3A_1510, %mul3A_1508 : vector<16xf32>
    %mul3A_1512 = arith.mulf %mul3A_1498, %add3A_1511 : vector<16xf32>
    %add3A_1513 = arith.constant 0.333333343 : f32
    %add3A_1514 = vector.broadcast %add3A_1513 : f32 to vector<16xf32>
    %add3A_1515 = arith.addf %add3A_1514, %mul3A_1512 : vector<16xf32>
    %mul3A_1516 = arith.mulf %mul3A_1498, %add3A_1515 : vector<16xf32>
    %add3A_1517 = arith.constant 1.000000e+00 : f32
    %add3A_1518 = vector.broadcast %add3A_1517 : f32 to vector<16xf32>
    %add3A_1519 = arith.addf %add3A_1518, %mul3A_1516 : vector<16xf32>
    %mul3A_1520 = arith.mulf %mul3A_1501, %add3A_1519 : vector<16xf32>
    %convert_element_type3A_1521 = arith.sitofp %add3A_1490 : vector<16xi32> to vector<16xf32>
    %mul3A_1522 = arith.constant 0.693147182 : f32
    %mul3A_1523 = vector.broadcast %mul3A_1522 : f32 to vector<16xf32>
    %mul3A_1524 = arith.mulf %convert_element_type3A_1521, %mul3A_1523 : vector<16xf32>
    %add3A_1525 = arith.addf %mul3A_1524, %mul3A_1520 : vector<16xf32>
    %lt3A_1526 = arith.constant 0x7F800000 : f32
    %lt3A_1527 = vector.broadcast %lt3A_1526 : f32 to vector<16xf32>
    %lt3A_1528 = arith.cmpf olt, %add3A_1464, %lt3A_1527 : vector<16xf32>
    %not3A_1529 = arith.constant dense<true> : vector<16xi1>
    %not3A_1530 = arith.xori %lt3A_1528, %not3A_1529 : vector<16xi1>
    %select_n3A_1531 = arith.select %not3A_1530, %add3A_1464, %add3A_1525 : vector<16xi1>, vector<16xf32>
    %swap3A_1532 = arith.constant 288 : index
    %swap3A_1533 = tpu.vector_load %arg11[%swap3A_1532] {strides = array<i32>} : memref<512xf32, #tpu.memory_space<vmem>>, vector<16xf32>,
    tpu.vector_store %arg11[%swap3A_1532], %select_n3A_1531 {strides = array<i32>} : memref<512xf32, #tpu.memory_space<vmem>>, vector<16xf32>,
    %get3A_1534 = arith.constant 304 : index
    %get3A_1535 = tpu.vector_load %arg12[%get3A_1534] {strides = array<i32>} : memref<512xf32, #tpu.memory_space<vmem>>, vector<16xf32>,
    %get3A_1536 = arith.constant 304 : index
    %get3A_1537 = tpu.vector_load %arg11[%get3A_1536] {strides = array<i32>} : memref<512xf32, #tpu.memory_space<vmem>>, vector<16xf32>,
    %mul3A_1538 = arith.constant 5.000000e+03 : f32
    %mul3A_1539 = vector.broadcast %mul3A_1538 : f32 to vector<16xf32>
    %mul3A_1540 = arith.mulf %mul3A_1539, %get3A_1537 : vector<16xf32>
    %div3A_1541 = arith.divf %get3A_1535, %mul3A_1540 : vector<16xf32>
    %add3A_1542 = arith.constant 9.99999997E-7 : f32
    %add3A_1543 = vector.broadcast %add3A_1542 : f32 to vector<16xf32>
    %add3A_1544 = arith.addf %add3A_1543, %div3A_1541 : vector<16xf32>
    %bitcast_convert_type3A_1545 = tpu.bitcast %add3A_1544 : vector<16xf32> -> vector<16xi32>
    %shift_right_arithmetic3A_1546 = arith.constant 23 : i32
    %shift_right_arithmetic3A_1547 = vector.broadcast %shift_right_arithmetic3A_1546 : i32 to vector<16xi32>
    %shift_right_arithmetic3A_1548 = arith.shrsi %bitcast_convert_type3A_1545, %shift_right_arithmetic3A_1547 : vector<16xi32>
    %and3A_1549 = arith.constant 255 : i32
    %and3A_1550 = vector.broadcast %and3A_1549 : i32 to vector<16xi32>
    %and3A_1551 = arith.andi %shift_right_arithmetic3A_1548, %and3A_1550 : vector<16xi32>
    %sub3A_1552 = arith.constant 127 : i32
    %sub3A_1553 = vector.broadcast %sub3A_1552 : i32 to vector<16xi32>
    %sub3A_1554 = arith.subi %and3A_1551, %sub3A_1553 : vector<16xi32>
    %and3A_1555 = arith.constant 8388607 : i32
    %and3A_1556 = vector.broadcast %and3A_1555 : i32 to vector<16xi32>
    %and3A_1557 = arith.andi %bitcast_convert_type3A_1545, %and3A_1556 : vector<16xi32>
    %or3A_1558 = arith.constant 1065353216 : i32
    %or3A_1559 = vector.broadcast %or3A_1558 : i32 to vector<16xi32>
    %or3A_1560 = arith.ori %and3A_1557, %or3A_1559 : vector<16xi32>
    %bitcast_convert_type3A_1561 = tpu.bitcast %or3A_1560 : vector<16xi32> -> vector<16xf32>
    %gt3A_1562 = arith.constant 1.41421354 : f32
    %gt3A_1563 = vector.broadcast %gt3A_1562 : f32 to vector<16xf32>
    %gt3A_1564 = arith.cmpf ogt, %bitcast_convert_type3A_1561, %gt3A_1563 : vector<16xf32>
    %mul3A_1565 = arith.constant 5.000000e-01 : f32
    %mul3A_1566 = vector.broadcast %mul3A_1565 : f32 to vector<16xf32>
    %mul3A_1567 = arith.mulf %bitcast_convert_type3A_1561, %mul3A_1566 : vector<16xf32>
    %select_n3A_1568 = arith.select %gt3A_1564, %mul3A_1567, %bitcast_convert_type3A_1561 : vector<16xi1>, vector<16xf32>
    %convert_element_type3A_1569 = arith.extui %gt3A_1564 : vector<16xi1> to vector<16xi32>
    %add3A_1570 = arith.addi %sub3A_1554, %convert_element_type3A_1569 : vector<16xi32>
    %sub3A_1571 = arith.constant 1.000000e+00 : f32
    %sub3A_1572 = vector.broadcast %sub3A_1571 : f32 to vector<16xf32>
    %sub3A_1573 = arith.subf %select_n3A_1568, %sub3A_1572 : vector<16xf32>
    %add3A_1574 = arith.constant 1.000000e+00 : f32
    %add3A_1575 = vector.broadcast %add3A_1574 : f32 to vector<16xf32>
    %add3A_1576 = arith.addf %select_n3A_1568, %add3A_1575 : vector<16xf32>
    %div3A_1577 = arith.divf %sub3A_1573, %add3A_1576 : vector<16xf32>
    %mul3A_1578 = arith.mulf %div3A_1577, %div3A_1577 : vector<16xf32>
    %mul3A_1579 = arith.constant 2.000000e+00 : f32
    %mul3A_1580 = vector.broadcast %mul3A_1579 : f32 to vector<16xf32>
    %mul3A_1581 = arith.mulf %mul3A_1580, %div3A_1577 : vector<16xf32>
    %mul3A_1582 = arith.constant 0.111111112 : f32
    %mul3A_1583 = vector.broadcast %mul3A_1582 : f32 to vector<16xf32>
    %mul3A_1584 = arith.mulf %mul3A_1578, %mul3A_1583 : vector<16xf32>
    %add3A_1585 = arith.constant 0.142857149 : f32
    %add3A_1586 = vector.broadcast %add3A_1585 : f32 to vector<16xf32>
    %add3A_1587 = arith.addf %add3A_1586, %mul3A_1584 : vector<16xf32>
    %mul3A_1588 = arith.mulf %mul3A_1578, %add3A_1587 : vector<16xf32>
    %add3A_1589 = arith.constant 2.000000e-01 : f32
    %add3A_1590 = vector.broadcast %add3A_1589 : f32 to vector<16xf32>
    %add3A_1591 = arith.addf %add3A_1590, %mul3A_1588 : vector<16xf32>
    %mul3A_1592 = arith.mulf %mul3A_1578, %add3A_1591 : vector<16xf32>
    %add3A_1593 = arith.constant 0.333333343 : f32
    %add3A_1594 = vector.broadcast %add3A_1593 : f32 to vector<16xf32>
    %add3A_1595 = arith.addf %add3A_1594, %mul3A_1592 : vector<16xf32>
    %mul3A_1596 = arith.mulf %mul3A_1578, %add3A_1595 : vector<16xf32>
    %add3A_1597 = arith.constant 1.000000e+00 : f32
    %add3A_1598 = vector.broadcast %add3A_1597 : f32 to vector<16xf32>
    %add3A_1599 = arith.addf %add3A_1598, %mul3A_1596 : vector<16xf32>
    %mul3A_1600 = arith.mulf %mul3A_1581, %add3A_1599 : vector<16xf32>
    %convert_element_type3A_1601 = arith.sitofp %add3A_1570 : vector<16xi32> to vector<16xf32>
    %mul3A_1602 = arith.constant 0.693147182 : f32
    %mul3A_1603 = vector.broadcast %mul3A_1602 : f32 to vector<16xf32>
    %mul3A_1604 = arith.mulf %convert_element_type3A_1601, %mul3A_1603 : vector<16xf32>
    %add3A_1605 = arith.addf %mul3A_1604, %mul3A_1600 : vector<16xf32>
    %lt3A_1606 = arith.constant 0x7F800000 : f32
    %lt3A_1607 = vector.broadcast %lt3A_1606 : f32 to vector<16xf32>
    %lt3A_1608 = arith.cmpf olt, %add3A_1544, %lt3A_1607 : vector<16xf32>
    %not3A_1609 = arith.constant dense<true> : vector<16xi1>
    %not3A_1610 = arith.xori %lt3A_1608, %not3A_1609 : vector<16xi1>
    %select_n3A_1611 = arith.select %not3A_1610, %add3A_1544, %add3A_1605 : vector<16xi1>, vector<16xf32>
    %swap3A_1612 = arith.constant 304 : index
    %swap3A_1613 = tpu.vector_load %arg11[%swap3A_1612] {strides = array<i32>} : memref<512xf32, #tpu.memory_space<vmem>>, vector<16xf32>,
    tpu.vector_store %arg11[%swap3A_1612], %select_n3A_1611 {strides = array<i32>} : memref<512xf32, #tpu.memory_space<vmem>>, vector<16xf32>,
    %get3A_1614 = arith.constant 320 : index
    %get3A_1615 = tpu.vector_load %arg12[%get3A_1614] {strides = array<i32>} : memref<512xf32, #tpu.memory_space<vmem>>, vector<16xf32>,
    %get3A_1616 = arith.constant 320 : index
    %get3A_1617 = tpu.vector_load %arg11[%get3A_1616] {strides = array<i32>} : memref<512xf32, #tpu.memory_space<vmem>>, vector<16xf32>,
    %mul3A_1618 = arith.constant 5.000000e+03 : f32
    %mul3A_1619 = vector.broadcast %mul3A_1618 : f32 to vector<16xf32>
    %mul3A_1620 = arith.mulf %mul3A_1619, %get3A_1617 : vector<16xf32>
    %div3A_1621 = arith.divf %get3A_1615, %mul3A_1620 : vector<16xf32>
    %add3A_1622 = arith.constant 9.99999997E-7 : f32
    %add3A_1623 = vector.broadcast %add3A_1622 : f32 to vector<16xf32>
    %add3A_1624 = arith.addf %add3A_1623, %div3A_1621 : vector<16xf32>
    %bitcast_convert_type3A_1625 = tpu.bitcast %add3A_1624 : vector<16xf32> -> vector<16xi32>
    %shift_right_arithmetic3A_1626 = arith.constant 23 : i32
    %shift_right_arithmetic3A_1627 = vector.broadcast %shift_right_arithmetic3A_1626 : i32 to vector<16xi32>
    %shift_right_arithmetic3A_1628 = arith.shrsi %bitcast_convert_type3A_1625, %shift_right_arithmetic3A_1627 : vector<16xi32>
    %and3A_1629 = arith.constant 255 : i32
    %and3A_1630 = vector.broadcast %and3A_1629 : i32 to vector<16xi32>
    %and3A_1631 = arith.andi %shift_right_arithmetic3A_1628, %and3A_1630 : vector<16xi32>
    %sub3A_1632 = arith.constant 127 : i32
    %sub3A_1633 = vector.broadcast %sub3A_1632 : i32 to vector<16xi32>
    %sub3A_1634 = arith.subi %and3A_1631, %sub3A_1633 : vector<16xi32>
    %and3A_1635 = arith.constant 8388607 : i32
    %and3A_1636 = vector.broadcast %and3A_1635 : i32 to vector<16xi32>
    %and3A_1637 = arith.andi %bitcast_convert_type3A_1625, %and3A_1636 : vector<16xi32>
    %or3A_1638 = arith.constant 1065353216 : i32
    %or3A_1639 = vector.broadcast %or3A_1638 : i32 to vector<16xi32>
    %or3A_1640 = arith.ori %and3A_1637, %or3A_1639 : vector<16xi32>
    %bitcast_convert_type3A_1641 = tpu.bitcast %or3A_1640 : vector<16xi32> -> vector<16xf32>
    %gt3A_1642 = arith.constant 1.41421354 : f32
    %gt3A_1643 = vector.broadcast %gt3A_1642 : f32 to vector<16xf32>
    %gt3A_1644 = arith.cmpf ogt, %bitcast_convert_type3A_1641, %gt3A_1643 : vector<16xf32>
    %mul3A_1645 = arith.constant 5.000000e-01 : f32
    %mul3A_1646 = vector.broadcast %mul3A_1645 : f32 to vector<16xf32>
    %mul3A_1647 = arith.mulf %bitcast_convert_type3A_1641, %mul3A_1646 : vector<16xf32>
    %select_n3A_1648 = arith.select %gt3A_1644, %mul3A_1647, %bitcast_convert_type3A_1641 : vector<16xi1>, vector<16xf32>
    %convert_element_type3A_1649 = arith.extui %gt3A_1644 : vector<16xi1> to vector<16xi32>
    %add3A_1650 = arith.addi %sub3A_1634, %convert_element_type3A_1649 : vector<16xi32>
    %sub3A_1651 = arith.constant 1.000000e+00 : f32
    %sub3A_1652 = vector.broadcast %sub3A_1651 : f32 to vector<16xf32>
    %sub3A_1653 = arith.subf %select_n3A_1648, %sub3A_1652 : vector<16xf32>
    %add3A_1654 = arith.constant 1.000000e+00 : f32
    %add3A_1655 = vector.broadcast %add3A_1654 : f32 to vector<16xf32>
    %add3A_1656 = arith.addf %select_n3A_1648, %add3A_1655 : vector<16xf32>
    %div3A_1657 = arith.divf %sub3A_1653, %add3A_1656 : vector<16xf32>
    %mul3A_1658 = arith.mulf %div3A_1657, %div3A_1657 : vector<16xf32>
    %mul3A_1659 = arith.constant 2.000000e+00 : f32
    %mul3A_1660 = vector.broadcast %mul3A_1659 : f32 to vector<16xf32>
    %mul3A_1661 = arith.mulf %mul3A_1660, %div3A_1657 : vector<16xf32>
    %mul3A_1662 = arith.constant 0.111111112 : f32
    %mul3A_1663 = vector.broadcast %mul3A_1662 : f32 to vector<16xf32>
    %mul3A_1664 = arith.mulf %mul3A_1658, %mul3A_1663 : vector<16xf32>
    %add3A_1665 = arith.constant 0.142857149 : f32
    %add3A_1666 = vector.broadcast %add3A_1665 : f32 to vector<16xf32>
    %add3A_1667 = arith.addf %add3A_1666, %mul3A_1664 : vector<16xf32>
    %mul3A_1668 = arith.mulf %mul3A_1658, %add3A_1667 : vector<16xf32>
    %add3A_1669 = arith.constant 2.000000e-01 : f32
    %add3A_1670 = vector.broadcast %add3A_1669 : f32 to vector<16xf32>
    %add3A_1671 = arith.addf %add3A_1670, %mul3A_1668 : vector<16xf32>
    %mul3A_1672 = arith.mulf %mul3A_1658, %add3A_1671 : vector<16xf32>
    %add3A_1673 = arith.constant 0.333333343 : f32
    %add3A_1674 = vector.broadcast %add3A_1673 : f32 to vector<16xf32>
    %add3A_1675 = arith.addf %add3A_1674, %mul3A_1672 : vector<16xf32>
    %mul3A_1676 = arith.mulf %mul3A_1658, %add3A_1675 : vector<16xf32>
    %add3A_1677 = arith.constant 1.000000e+00 : f32
    %add3A_1678 = vector.broadcast %add3A_1677 : f32 to vector<16xf32>
    %add3A_1679 = arith.addf %add3A_1678, %mul3A_1676 : vector<16xf32>
    %mul3A_1680 = arith.mulf %mul3A_1661, %add3A_1679 : vector<16xf32>
    %convert_element_type3A_1681 = arith.sitofp %add3A_1650 : vector<16xi32> to vector<16xf32>
    %mul3A_1682 = arith.constant 0.693147182 : f32
    %mul3A_1683 = vector.broadcast %mul3A_1682 : f32 to vector<16xf32>
    %mul3A_1684 = arith.mulf %convert_element_type3A_1681, %mul3A_1683 : vector<16xf32>
    %add3A_1685 = arith.addf %mul3A_1684, %mul3A_1680 : vector<16xf32>
    %lt3A_1686 = arith.constant 0x7F800000 : f32
    %lt3A_1687 = vector.broadcast %lt3A_1686 : f32 to vector<16xf32>
    %lt3A_1688 = arith.cmpf olt, %add3A_1624, %lt3A_1687 : vector<16xf32>
    %not3A_1689 = arith.constant dense<true> : vector<16xi1>
    %not3A_1690 = arith.xori %lt3A_1688, %not3A_1689 : vector<16xi1>
    %select_n3A_1691 = arith.select %not3A_1690, %add3A_1624, %add3A_1685 : vector<16xi1>, vector<16xf32>
    %swap3A_1692 = arith.constant 320 : index
    %swap3A_1693 = tpu.vector_load %arg11[%swap3A_1692] {strides = array<i32>} : memref<512xf32, #tpu.memory_space<vmem>>, vector<16xf32>,
    tpu.vector_store %arg11[%swap3A_1692], %select_n3A_1691 {strides = array<i32>} : memref<512xf32, #tpu.memory_space<vmem>>, vector<16xf32>,
    %get3A_1694 = arith.constant 336 : index
    %get3A_1695 = tpu.vector_load %arg12[%get3A_1694] {strides = array<i32>} : memref<512xf32, #tpu.memory_space<vmem>>, vector<16xf32>,
    %get3A_1696 = arith.constant 336 : index
    %get3A_1697 = tpu.vector_load %arg11[%get3A_1696] {strides = array<i32>} : memref<512xf32, #tpu.memory_space<vmem>>, vector<16xf32>,
    %mul3A_1698 = arith.constant 5.000000e+03 : f32
    %mul3A_1699 = vector.broadcast %mul3A_1698 : f32 to vector<16xf32>
    %mul3A_1700 = arith.mulf %mul3A_1699, %get3A_1697 : vector<16xf32>
    %div3A_1701 = arith.divf %get3A_1695, %mul3A_1700 : vector<16xf32>
    %add3A_1702 = arith.constant 9.99999997E-7 : f32
    %add3A_1703 = vector.broadcast %add3A_1702 : f32 to vector<16xf32>
    %add3A_1704 = arith.addf %add3A_1703, %div3A_1701 : vector<16xf32>
    %bitcast_convert_type3A_1705 = tpu.bitcast %add3A_1704 : vector<16xf32> -> vector<16xi32>
    %shift_right_arithmetic3A_1706 = arith.constant 23 : i32
    %shift_right_arithmetic3A_1707 = vector.broadcast %shift_right_arithmetic3A_1706 : i32 to vector<16xi32>
    %shift_right_arithmetic3A_1708 = arith.shrsi %bitcast_convert_type3A_1705, %shift_right_arithmetic3A_1707 : vector<16xi32>
    %and3A_1709 = arith.constant 255 : i32
    %and3A_1710 = vector.broadcast %and3A_1709 : i32 to vector<16xi32>
    %and3A_1711 = arith.andi %shift_right_arithmetic3A_1708, %and3A_1710 : vector<16xi32>
    %sub3A_1712 = arith.constant 127 : i32
    %sub3A_1713 = vector.broadcast %sub3A_1712 : i32 to vector<16xi32>
    %sub3A_1714 = arith.subi %and3A_1711, %sub3A_1713 : vector<16xi32>
    %and3A_1715 = arith.constant 8388607 : i32
    %and3A_1716 = vector.broadcast %and3A_1715 : i32 to vector<16xi32>
    %and3A_1717 = arith.andi %bitcast_convert_type3A_1705, %and3A_1716 : vector<16xi32>
    %or3A_1718 = arith.constant 1065353216 : i32
    %or3A_1719 = vector.broadcast %or3A_1718 : i32 to vector<16xi32>
    %or3A_1720 = arith.ori %and3A_1717, %or3A_1719 : vector<16xi32>
    %bitcast_convert_type3A_1721 = tpu.bitcast %or3A_1720 : vector<16xi32> -> vector<16xf32>
    %gt3A_1722 = arith.constant 1.41421354 : f32
    %gt3A_1723 = vector.broadcast %gt3A_1722 : f32 to vector<16xf32>
    %gt3A_1724 = arith.cmpf ogt, %bitcast_convert_type3A_1721, %gt3A_1723 : vector<16xf32>
    %mul3A_1725 = arith.constant 5.000000e-01 : f32
    %mul3A_1726 = vector.broadcast %mul3A_1725 : f32 to vector<16xf32>
    %mul3A_1727 = arith.mulf %bitcast_convert_type3A_1721, %mul3A_1726 : vector<16xf32>
    %select_n3A_1728 = arith.select %gt3A_1724, %mul3A_1727, %bitcast_convert_type3A_1721 : vector<16xi1>, vector<16xf32>
    %convert_element_type3A_1729 = arith.extui %gt3A_1724 : vector<16xi1> to vector<16xi32>
    %add3A_1730 = arith.addi %sub3A_1714, %convert_element_type3A_1729 : vector<16xi32>
    %sub3A_1731 = arith.constant 1.000000e+00 : f32
    %sub3A_1732 = vector.broadcast %sub3A_1731 : f32 to vector<16xf32>
    %sub3A_1733 = arith.subf %select_n3A_1728, %sub3A_1732 : vector<16xf32>
    %add3A_1734 = arith.constant 1.000000e+00 : f32
    %add3A_1735 = vector.broadcast %add3A_1734 : f32 to vector<16xf32>
    %add3A_1736 = arith.addf %select_n3A_1728, %add3A_1735 : vector<16xf32>
    %div3A_1737 = arith.divf %sub3A_1733, %add3A_1736 : vector<16xf32>
    %mul3A_1738 = arith.mulf %div3A_1737, %div3A_1737 : vector<16xf32>
    %mul3A_1739 = arith.constant 2.000000e+00 : f32
    %mul3A_1740 = vector.broadcast %mul3A_1739 : f32 to vector<16xf32>
    %mul3A_1741 = arith.mulf %mul3A_1740, %div3A_1737 : vector<16xf32>
    %mul3A_1742 = arith.constant 0.111111112 : f32
    %mul3A_1743 = vector.broadcast %mul3A_1742 : f32 to vector<16xf32>
    %mul3A_1744 = arith.mulf %mul3A_1738, %mul3A_1743 : vector<16xf32>
    %add3A_1745 = arith.constant 0.142857149 : f32
    %add3A_1746 = vector.broadcast %add3A_1745 : f32 to vector<16xf32>
    %add3A_1747 = arith.addf %add3A_1746, %mul3A_1744 : vector<16xf32>
    %mul3A_1748 = arith.mulf %mul3A_1738, %add3A_1747 : vector<16xf32>
    %add3A_1749 = arith.constant 2.000000e-01 : f32
    %add3A_1750 = vector.broadcast %add3A_1749 : f32 to vector<16xf32>
    %add3A_1751 = arith.addf %add3A_1750, %mul3A_1748 : vector<16xf32>
    %mul3A_1752 = arith.mulf %mul3A_1738, %add3A_1751 : vector<16xf32>
    %add3A_1753 = arith.constant 0.333333343 : f32
    %add3A_1754 = vector.broadcast %add3A_1753 : f32 to vector<16xf32>
    %add3A_1755 = arith.addf %add3A_1754, %mul3A_1752 : vector<16xf32>
    %mul3A_1756 = arith.mulf %mul3A_1738, %add3A_1755 : vector<16xf32>
    %add3A_1757 = arith.constant 1.000000e+00 : f32
    %add3A_1758 = vector.broadcast %add3A_1757 : f32 to vector<16xf32>
    %add3A_1759 = arith.addf %add3A_1758, %mul3A_1756 : vector<16xf32>
    %mul3A_1760 = arith.mulf %mul3A_1741, %add3A_1759 : vector<16xf32>
    %convert_element_type3A_1761 = arith.sitofp %add3A_1730 : vector<16xi32> to vector<16xf32>
    %mul3A_1762 = arith.constant 0.693147182 : f32
    %mul3A_1763 = vector.broadcast %mul3A_1762 : f32 to vector<16xf32>
    %mul3A_1764 = arith.mulf %convert_element_type3A_1761, %mul3A_1763 : vector<16xf32>
    %add3A_1765 = arith.addf %mul3A_1764, %mul3A_1760 : vector<16xf32>
    %lt3A_1766 = arith.constant 0x7F800000 : f32
    %lt3A_1767 = vector.broadcast %lt3A_1766 : f32 to vector<16xf32>
    %lt3A_1768 = arith.cmpf olt, %add3A_1704, %lt3A_1767 : vector<16xf32>
    %not3A_1769 = arith.constant dense<true> : vector<16xi1>
    %not3A_1770 = arith.xori %lt3A_1768, %not3A_1769 : vector<16xi1>
    %select_n3A_1771 = arith.select %not3A_1770, %add3A_1704, %add3A_1765 : vector<16xi1>, vector<16xf32>
    %swap3A_1772 = arith.constant 336 : index
    %swap3A_1773 = tpu.vector_load %arg11[%swap3A_1772] {strides = array<i32>} : memref<512xf32, #tpu.memory_space<vmem>>, vector<16xf32>,
    tpu.vector_store %arg11[%swap3A_1772], %select_n3A_1771 {strides = array<i32>} : memref<512xf32, #tpu.memory_space<vmem>>, vector<16xf32>,
    %get3A_1774 = arith.constant 352 : index
    %get3A_1775 = tpu.vector_load %arg12[%get3A_1774] {strides = array<i32>} : memref<512xf32, #tpu.memory_space<vmem>>, vector<16xf32>,
    %get3A_1776 = arith.constant 352 : index
    %get3A_1777 = tpu.vector_load %arg11[%get3A_1776] {strides = array<i32>} : memref<512xf32, #tpu.memory_space<vmem>>, vector<16xf32>,
    %mul3A_1778 = arith.constant 5.000000e+03 : f32
    %mul3A_1779 = vector.broadcast %mul3A_1778 : f32 to vector<16xf32>
    %mul3A_1780 = arith.mulf %mul3A_1779, %get3A_1777 : vector<16xf32>
    %div3A_1781 = arith.divf %get3A_1775, %mul3A_1780 : vector<16xf32>
    %add3A_1782 = arith.constant 9.99999997E-7 : f32
    %add3A_1783 = vector.broadcast %add3A_1782 : f32 to vector<16xf32>
    %add3A_1784 = arith.addf %add3A_1783, %div3A_1781 : vector<16xf32>
    %bitcast_convert_type3A_1785 = tpu.bitcast %add3A_1784 : vector<16xf32> -> vector<16xi32>
    %shift_right_arithmetic3A_1786 = arith.constant 23 : i32
    %shift_right_arithmetic3A_1787 = vector.broadcast %shift_right_arithmetic3A_1786 : i32 to vector<16xi32>
    %shift_right_arithmetic3A_1788 = arith.shrsi %bitcast_convert_type3A_1785, %shift_right_arithmetic3A_1787 : vector<16xi32>
    %and3A_1789 = arith.constant 255 : i32
    %and3A_1790 = vector.broadcast %and3A_1789 : i32 to vector<16xi32>
    %and3A_1791 = arith.andi %shift_right_arithmetic3A_1788, %and3A_1790 : vector<16xi32>
    %sub3A_1792 = arith.constant 127 : i32
    %sub3A_1793 = vector.broadcast %sub3A_1792 : i32 to vector<16xi32>
    %sub3A_1794 = arith.subi %and3A_1791, %sub3A_1793 : vector<16xi32>
    %and3A_1795 = arith.constant 8388607 : i32
    %and3A_1796 = vector.broadcast %and3A_1795 : i32 to vector<16xi32>
    %and3A_1797 = arith.andi %bitcast_convert_type3A_1785, %and3A_1796 : vector<16xi32>
    %or3A_1798 = arith.constant 1065353216 : i32
    %or3A_1799 = vector.broadcast %or3A_1798 : i32 to vector<16xi32>
    %or3A_1800 = arith.ori %and3A_1797, %or3A_1799 : vector<16xi32>
    %bitcast_convert_type3A_1801 = tpu.bitcast %or3A_1800 : vector<16xi32> -> vector<16xf32>
    %gt3A_1802 = arith.constant 1.41421354 : f32
    %gt3A_1803 = vector.broadcast %gt3A_1802 : f32 to vector<16xf32>
    %gt3A_1804 = arith.cmpf ogt, %bitcast_convert_type3A_1801, %gt3A_1803 : vector<16xf32>
    %mul3A_1805 = arith.constant 5.000000e-01 : f32
    %mul3A_1806 = vector.broadcast %mul3A_1805 : f32 to vector<16xf32>
    %mul3A_1807 = arith.mulf %bitcast_convert_type3A_1801, %mul3A_1806 : vector<16xf32>
    %select_n3A_1808 = arith.select %gt3A_1804, %mul3A_1807, %bitcast_convert_type3A_1801 : vector<16xi1>, vector<16xf32>
    %convert_element_type3A_1809 = arith.extui %gt3A_1804 : vector<16xi1> to vector<16xi32>
    %add3A_1810 = arith.addi %sub3A_1794, %convert_element_type3A_1809 : vector<16xi32>
    %sub3A_1811 = arith.constant 1.000000e+00 : f32
    %sub3A_1812 = vector.broadcast %sub3A_1811 : f32 to vector<16xf32>
    %sub3A_1813 = arith.subf %select_n3A_1808, %sub3A_1812 : vector<16xf32>
    %add3A_1814 = arith.constant 1.000000e+00 : f32
    %add3A_1815 = vector.broadcast %add3A_1814 : f32 to vector<16xf32>
    %add3A_1816 = arith.addf %select_n3A_1808, %add3A_1815 : vector<16xf32>
    %div3A_1817 = arith.divf %sub3A_1813, %add3A_1816 : vector<16xf32>
    %mul3A_1818 = arith.mulf %div3A_1817, %div3A_1817 : vector<16xf32>
    %mul3A_1819 = arith.constant 2.000000e+00 : f32
    %mul3A_1820 = vector.broadcast %mul3A_1819 : f32 to vector<16xf32>
    %mul3A_1821 = arith.mulf %mul3A_1820, %div3A_1817 : vector<16xf32>
    %mul3A_1822 = arith.constant 0.111111112 : f32
    %mul3A_1823 = vector.broadcast %mul3A_1822 : f32 to vector<16xf32>
    %mul3A_1824 = arith.mulf %mul3A_1818, %mul3A_1823 : vector<16xf32>
    %add3A_1825 = arith.constant 0.142857149 : f32
    %add3A_1826 = vector.broadcast %add3A_1825 : f32 to vector<16xf32>
    %add3A_1827 = arith.addf %add3A_1826, %mul3A_1824 : vector<16xf32>
    %mul3A_1828 = arith.mulf %mul3A_1818, %add3A_1827 : vector<16xf32>
    %add3A_1829 = arith.constant 2.000000e-01 : f32
    %add3A_1830 = vector.broadcast %add3A_1829 : f32 to vector<16xf32>
    %add3A_1831 = arith.addf %add3A_1830, %mul3A_1828 : vector<16xf32>
    %mul3A_1832 = arith.mulf %mul3A_1818, %add3A_1831 : vector<16xf32>
    %add3A_1833 = arith.constant 0.333333343 : f32
    %add3A_1834 = vector.broadcast %add3A_1833 : f32 to vector<16xf32>
    %add3A_1835 = arith.addf %add3A_1834, %mul3A_1832 : vector<16xf32>
    %mul3A_1836 = arith.mulf %mul3A_1818, %add3A_1835 : vector<16xf32>
    %add3A_1837 = arith.constant 1.000000e+00 : f32
    %add3A_1838 = vector.broadcast %add3A_1837 : f32 to vector<16xf32>
    %add3A_1839 = arith.addf %add3A_1838, %mul3A_1836 : vector<16xf32>
    %mul3A_1840 = arith.mulf %mul3A_1821, %add3A_1839 : vector<16xf32>
    %convert_element_type3A_1841 = arith.sitofp %add3A_1810 : vector<16xi32> to vector<16xf32>
    %mul3A_1842 = arith.constant 0.693147182 : f32
    %mul3A_1843 = vector.broadcast %mul3A_1842 : f32 to vector<16xf32>
    %mul3A_1844 = arith.mulf %convert_element_type3A_1841, %mul3A_1843 : vector<16xf32>
    %add3A_1845 = arith.addf %mul3A_1844, %mul3A_1840 : vector<16xf32>
    %lt3A_1846 = arith.constant 0x7F800000 : f32
    %lt3A_1847 = vector.broadcast %lt3A_1846 : f32 to vector<16xf32>
    %lt3A_1848 = arith.cmpf olt, %add3A_1784, %lt3A_1847 : vector<16xf32>
    %not3A_1849 = arith.constant dense<true> : vector<16xi1>
    %not3A_1850 = arith.xori %lt3A_1848, %not3A_1849 : vector<16xi1>
    %select_n3A_1851 = arith.select %not3A_1850, %add3A_1784, %add3A_1845 : vector<16xi1>, vector<16xf32>
    %swap3A_1852 = arith.constant 352 : index
    %swap3A_1853 = tpu.vector_load %arg11[%swap3A_1852] {strides = array<i32>} : memref<512xf32, #tpu.memory_space<vmem>>, vector<16xf32>,
    tpu.vector_store %arg11[%swap3A_1852], %select_n3A_1851 {strides = array<i32>} : memref<512xf32, #tpu.memory_space<vmem>>, vector<16xf32>,
    %get3A_1854 = arith.constant 368 : index
    %get3A_1855 = tpu.vector_load %arg12[%get3A_1854] {strides = array<i32>} : memref<512xf32, #tpu.memory_space<vmem>>, vector<16xf32>,
    %get3A_1856 = arith.constant 368 : index
    %get3A_1857 = tpu.vector_load %arg11[%get3A_1856] {strides = array<i32>} : memref<512xf32, #tpu.memory_space<vmem>>, vector<16xf32>,
    %mul3A_1858 = arith.constant 5.000000e+03 : f32
    %mul3A_1859 = vector.broadcast %mul3A_1858 : f32 to vector<16xf32>
    %mul3A_1860 = arith.mulf %mul3A_1859, %get3A_1857 : vector<16xf32>
    %div3A_1861 = arith.divf %get3A_1855, %mul3A_1860 : vector<16xf32>
    %add3A_1862 = arith.constant 9.99999997E-7 : f32
    %add3A_1863 = vector.broadcast %add3A_1862 : f32 to vector<16xf32>
    %add3A_1864 = arith.addf %add3A_1863, %div3A_1861 : vector<16xf32>
    %bitcast_convert_type3A_1865 = tpu.bitcast %add3A_1864 : vector<16xf32> -> vector<16xi32>
    %shift_right_arithmetic3A_1866 = arith.constant 23 : i32
    %shift_right_arithmetic3A_1867 = vector.broadcast %shift_right_arithmetic3A_1866 : i32 to vector<16xi32>
    %shift_right_arithmetic3A_1868 = arith.shrsi %bitcast_convert_type3A_1865, %shift_right_arithmetic3A_1867 : vector<16xi32>
    %and3A_1869 = arith.constant 255 : i32
    %and3A_1870 = vector.broadcast %and3A_1869 : i32 to vector<16xi32>
    %and3A_1871 = arith.andi %shift_right_arithmetic3A_1868, %and3A_1870 : vector<16xi32>
    %sub3A_1872 = arith.constant 127 : i32
    %sub3A_1873 = vector.broadcast %sub3A_1872 : i32 to vector<16xi32>
    %sub3A_1874 = arith.subi %and3A_1871, %sub3A_1873 : vector<16xi32>
    %and3A_1875 = arith.constant 8388607 : i32
    %and3A_1876 = vector.broadcast %and3A_1875 : i32 to vector<16xi32>
    %and3A_1877 = arith.andi %bitcast_convert_type3A_1865, %and3A_1876 : vector<16xi32>
    %or3A_1878 = arith.constant 1065353216 : i32
    %or3A_1879 = vector.broadcast %or3A_1878 : i32 to vector<16xi32>
    %or3A_1880 = arith.ori %and3A_1877, %or3A_1879 : vector<16xi32>
    %bitcast_convert_type3A_1881 = tpu.bitcast %or3A_1880 : vector<16xi32> -> vector<16xf32>
    %gt3A_1882 = arith.constant 1.41421354 : f32
    %gt3A_1883 = vector.broadcast %gt3A_1882 : f32 to vector<16xf32>
    %gt3A_1884 = arith.cmpf ogt, %bitcast_convert_type3A_1881, %gt3A_1883 : vector<16xf32>
    %mul3A_1885 = arith.constant 5.000000e-01 : f32
    %mul3A_1886 = vector.broadcast %mul3A_1885 : f32 to vector<16xf32>
    %mul3A_1887 = arith.mulf %bitcast_convert_type3A_1881, %mul3A_1886 : vector<16xf32>
    %select_n3A_1888 = arith.select %gt3A_1884, %mul3A_1887, %bitcast_convert_type3A_1881 : vector<16xi1>, vector<16xf32>
    %convert_element_type3A_1889 = arith.extui %gt3A_1884 : vector<16xi1> to vector<16xi32>
    %add3A_1890 = arith.addi %sub3A_1874, %convert_element_type3A_1889 : vector<16xi32>
    %sub3A_1891 = arith.constant 1.000000e+00 : f32
    %sub3A_1892 = vector.broadcast %sub3A_1891 : f32 to vector<16xf32>
    %sub3A_1893 = arith.subf %select_n3A_1888, %sub3A_1892 : vector<16xf32>
    %add3A_1894 = arith.constant 1.000000e+00 : f32
    %add3A_1895 = vector.broadcast %add3A_1894 : f32 to vector<16xf32>
    %add3A_1896 = arith.addf %select_n3A_1888, %add3A_1895 : vector<16xf32>
    %div3A_1897 = arith.divf %sub3A_1893, %add3A_1896 : vector<16xf32>
    %mul3A_1898 = arith.mulf %div3A_1897, %div3A_1897 : vector<16xf32>
    %mul3A_1899 = arith.constant 2.000000e+00 : f32
    %mul3A_1900 = vector.broadcast %mul3A_1899 : f32 to vector<16xf32>
    %mul3A_1901 = arith.mulf %mul3A_1900, %div3A_1897 : vector<16xf32>
    %mul3A_1902 = arith.constant 0.111111112 : f32
    %mul3A_1903 = vector.broadcast %mul3A_1902 : f32 to vector<16xf32>
    %mul3A_1904 = arith.mulf %mul3A_1898, %mul3A_1903 : vector<16xf32>
    %add3A_1905 = arith.constant 0.142857149 : f32
    %add3A_1906 = vector.broadcast %add3A_1905 : f32 to vector<16xf32>
    %add3A_1907 = arith.addf %add3A_1906, %mul3A_1904 : vector<16xf32>
    %mul3A_1908 = arith.mulf %mul3A_1898, %add3A_1907 : vector<16xf32>
    %add3A_1909 = arith.constant 2.000000e-01 : f32
    %add3A_1910 = vector.broadcast %add3A_1909 : f32 to vector<16xf32>
    %add3A_1911 = arith.addf %add3A_1910, %mul3A_1908 : vector<16xf32>
    %mul3A_1912 = arith.mulf %mul3A_1898, %add3A_1911 : vector<16xf32>
    %add3A_1913 = arith.constant 0.333333343 : f32
    %add3A_1914 = vector.broadcast %add3A_1913 : f32 to vector<16xf32>
    %add3A_1915 = arith.addf %add3A_1914, %mul3A_1912 : vector<16xf32>
    %mul3A_1916 = arith.mulf %mul3A_1898, %add3A_1915 : vector<16xf32>
    %add3A_1917 = arith.constant 1.000000e+00 : f32
    %add3A_1918 = vector.broadcast %add3A_1917 : f32 to vector<16xf32>
    %add3A_1919 = arith.addf %add3A_1918, %mul3A_1916 : vector<16xf32>
    %mul3A_1920 = arith.mulf %mul3A_1901, %add3A_1919 : vector<16xf32>
    %convert_element_type3A_1921 = arith.sitofp %add3A_1890 : vector<16xi32> to vector<16xf32>
    %mul3A_1922 = arith.constant 0.693147182 : f32
    %mul3A_1923 = vector.broadcast %mul3A_1922 : f32 to vector<16xf32>
    %mul3A_1924 = arith.mulf %convert_element_type3A_1921, %mul3A_1923 : vector<16xf32>
    %add3A_1925 = arith.addf %mul3A_1924, %mul3A_1920 : vector<16xf32>
    %lt3A_1926 = arith.constant 0x7F800000 : f32
    %lt3A_1927 = vector.broadcast %lt3A_1926 : f32 to vector<16xf32>
    %lt3A_1928 = arith.cmpf olt, %add3A_1864, %lt3A_1927 : vector<16xf32>
    %not3A_1929 = arith.constant dense<true> : vector<16xi1>
    %not3A_1930 = arith.xori %lt3A_1928, %not3A_1929 : vector<16xi1>
    %select_n3A_1931 = arith.select %not3A_1930, %add3A_1864, %add3A_1925 : vector<16xi1>, vector<16xf32>
    %swap3A_1932 = arith.constant 368 : index
    %swap3A_1933 = tpu.vector_load %arg11[%swap3A_1932] {strides = array<i32>} : memref<512xf32, #tpu.memory_space<vmem>>, vector<16xf32>,
    tpu.vector_store %arg11[%swap3A_1932], %select_n3A_1931 {strides = array<i32>} : memref<512xf32, #tpu.memory_space<vmem>>, vector<16xf32>,
    %get3A_1934 = arith.constant 384 : index
    %get3A_1935 = tpu.vector_load %arg12[%get3A_1934] {strides = array<i32>} : memref<512xf32, #tpu.memory_space<vmem>>, vector<16xf32>,
    %get3A_1936 = arith.constant 384 : index
    %get3A_1937 = tpu.vector_load %arg11[%get3A_1936] {strides = array<i32>} : memref<512xf32, #tpu.memory_space<vmem>>, vector<16xf32>,
    %mul3A_1938 = arith.constant 5.000000e+03 : f32
    %mul3A_1939 = vector.broadcast %mul3A_1938 : f32 to vector<16xf32>
    %mul3A_1940 = arith.mulf %mul3A_1939, %get3A_1937 : vector<16xf32>
    %div3A_1941 = arith.divf %get3A_1935, %mul3A_1940 : vector<16xf32>
    %add3A_1942 = arith.constant 9.99999997E-7 : f32
    %add3A_1943 = vector.broadcast %add3A_1942 : f32 to vector<16xf32>
    %add3A_1944 = arith.addf %add3A_1943, %div3A_1941 : vector<16xf32>
    %bitcast_convert_type3A_1945 = tpu.bitcast %add3A_1944 : vector<16xf32> -> vector<16xi32>
    %shift_right_arithmetic3A_1946 = arith.constant 23 : i32
    %shift_right_arithmetic3A_1947 = vector.broadcast %shift_right_arithmetic3A_1946 : i32 to vector<16xi32>
    %shift_right_arithmetic3A_1948 = arith.shrsi %bitcast_convert_type3A_1945, %shift_right_arithmetic3A_1947 : vector<16xi32>
    %and3A_1949 = arith.constant 255 : i32
    %and3A_1950 = vector.broadcast %and3A_1949 : i32 to vector<16xi32>
    %and3A_1951 = arith.andi %shift_right_arithmetic3A_1948, %and3A_1950 : vector<16xi32>
    %sub3A_1952 = arith.constant 127 : i32
    %sub3A_1953 = vector.broadcast %sub3A_1952 : i32 to vector<16xi32>
    %sub3A_1954 = arith.subi %and3A_1951, %sub3A_1953 : vector<16xi32>
    %and3A_1955 = arith.constant 8388607 : i32
    %and3A_1956 = vector.broadcast %and3A_1955 : i32 to vector<16xi32>
    %and3A_1957 = arith.andi %bitcast_convert_type3A_1945, %and3A_1956 : vector<16xi32>
    %or3A_1958 = arith.constant 1065353216 : i32
    %or3A_1959 = vector.broadcast %or3A_1958 : i32 to vector<16xi32>
    %or3A_1960 = arith.ori %and3A_1957, %or3A_1959 : vector<16xi32>
    %bitcast_convert_type3A_1961 = tpu.bitcast %or3A_1960 : vector<16xi32> -> vector<16xf32>
    %gt3A_1962 = arith.constant 1.41421354 : f32
    %gt3A_1963 = vector.broadcast %gt3A_1962 : f32 to vector<16xf32>
    %gt3A_1964 = arith.cmpf ogt, %bitcast_convert_type3A_1961, %gt3A_1963 : vector<16xf32>
    %mul3A_1965 = arith.constant 5.000000e-01 : f32
    %mul3A_1966 = vector.broadcast %mul3A_1965 : f32 to vector<16xf32>
    %mul3A_1967 = arith.mulf %bitcast_convert_type3A_1961, %mul3A_1966 : vector<16xf32>
    %select_n3A_1968 = arith.select %gt3A_1964, %mul3A_1967, %bitcast_convert_type3A_1961 : vector<16xi1>, vector<16xf32>
    %convert_element_type3A_1969 = arith.extui %gt3A_1964 : vector<16xi1> to vector<16xi32>
    %add3A_1970 = arith.addi %sub3A_1954, %convert_element_type3A_1969 : vector<16xi32>
    %sub3A_1971 = arith.constant 1.000000e+00 : f32
    %sub3A_1972 = vector.broadcast %sub3A_1971 : f32 to vector<16xf32>
    %sub3A_1973 = arith.subf %select_n3A_1968, %sub3A_1972 : vector<16xf32>
    %add3A_1974 = arith.constant 1.000000e+00 : f32
    %add3A_1975 = vector.broadcast %add3A_1974 : f32 to vector<16xf32>
    %add3A_1976 = arith.addf %select_n3A_1968, %add3A_1975 : vector<16xf32>
    %div3A_1977 = arith.divf %sub3A_1973, %add3A_1976 : vector<16xf32>
    %mul3A_1978 = arith.mulf %div3A_1977, %div3A_1977 : vector<16xf32>
    %mul3A_1979 = arith.constant 2.000000e+00 : f32
    %mul3A_1980 = vector.broadcast %mul3A_1979 : f32 to vector<16xf32>
    %mul3A_1981 = arith.mulf %mul3A_1980, %div3A_1977 : vector<16xf32>
    %mul3A_1982 = arith.constant 0.111111112 : f32
    %mul3A_1983 = vector.broadcast %mul3A_1982 : f32 to vector<16xf32>
    %mul3A_1984 = arith.mulf %mul3A_1978, %mul3A_1983 : vector<16xf32>
    %add3A_1985 = arith.constant 0.142857149 : f32
    %add3A_1986 = vector.broadcast %add3A_1985 : f32 to vector<16xf32>
    %add3A_1987 = arith.addf %add3A_1986, %mul3A_1984 : vector<16xf32>
    %mul3A_1988 = arith.mulf %mul3A_1978, %add3A_1987 : vector<16xf32>
    %add3A_1989 = arith.constant 2.000000e-01 : f32
    %add3A_1990 = vector.broadcast %add3A_1989 : f32 to vector<16xf32>
    %add3A_1991 = arith.addf %add3A_1990, %mul3A_1988 : vector<16xf32>
    %mul3A_1992 = arith.mulf %mul3A_1978, %add3A_1991 : vector<16xf32>
    %add3A_1993 = arith.constant 0.333333343 : f32
    %add3A_1994 = vector.broadcast %add3A_1993 : f32 to vector<16xf32>
    %add3A_1995 = arith.addf %add3A_1994, %mul3A_1992 : vector<16xf32>
    %mul3A_1996 = arith.mulf %mul3A_1978, %add3A_1995 : vector<16xf32>
    %add3A_1997 = arith.constant 1.000000e+00 : f32
    %add3A_1998 = vector.broadcast %add3A_1997 : f32 to vector<16xf32>
    %add3A_1999 = arith.addf %add3A_1998, %mul3A_1996 : vector<16xf32>
    %mul3A_2000 = arith.mulf %mul3A_1981, %add3A_1999 : vector<16xf32>
    %convert_element_type3A_2001 = arith.sitofp %add3A_1970 : vector<16xi32> to vector<16xf32>
    %mul3A_2002 = arith.constant 0.693147182 : f32
    %mul3A_2003 = vector.broadcast %mul3A_2002 : f32 to vector<16xf32>
    %mul3A_2004 = arith.mulf %convert_element_type3A_2001, %mul3A_2003 : vector<16xf32>
    %add3A_2005 = arith.addf %mul3A_2004, %mul3A_2000 : vector<16xf32>
    %lt3A_2006 = arith.constant 0x7F800000 : f32
    %lt3A_2007 = vector.broadcast %lt3A_2006 : f32 to vector<16xf32>
    %lt3A_2008 = arith.cmpf olt, %add3A_1944, %lt3A_2007 : vector<16xf32>
    %not3A_2009 = arith.constant dense<true> : vector<16xi1>
    %not3A_2010 = arith.xori %lt3A_2008, %not3A_2009 : vector<16xi1>
    %select_n3A_2011 = arith.select %not3A_2010, %add3A_1944, %add3A_2005 : vector<16xi1>, vector<16xf32>
    %swap3A_2012 = arith.constant 384 : index
    %swap3A_2013 = tpu.vector_load %arg11[%swap3A_2012] {strides = array<i32>} : memref<512xf32, #tpu.memory_space<vmem>>, vector<16xf32>,
    tpu.vector_store %arg11[%swap3A_2012], %select_n3A_2011 {strides = array<i32>} : memref<512xf32, #tpu.memory_space<vmem>>, vector<16xf32>,
    %get3A_2014 = arith.constant 400 : index
    %get3A_2015 = tpu.vector_load %arg12[%get3A_2014] {strides = array<i32>} : memref<512xf32, #tpu.memory_space<vmem>>, vector<16xf32>,
    %get3A_2016 = arith.constant 400 : index
    %get3A_2017 = tpu.vector_load %arg11[%get3A_2016] {strides = array<i32>} : memref<512xf32, #tpu.memory_space<vmem>>, vector<16xf32>,
    %mul3A_2018 = arith.constant 5.000000e+03 : f32
    %mul3A_2019 = vector.broadcast %mul3A_2018 : f32 to vector<16xf32>
    %mul3A_2020 = arith.mulf %mul3A_2019, %get3A_2017 : vector<16xf32>
    %div3A_2021 = arith.divf %get3A_2015, %mul3A_2020 : vector<16xf32>
    %add3A_2022 = arith.constant 9.99999997E-7 : f32
    %add3A_2023 = vector.broadcast %add3A_2022 : f32 to vector<16xf32>
    %add3A_2024 = arith.addf %add3A_2023, %div3A_2021 : vector<16xf32>
    %bitcast_convert_type3A_2025 = tpu.bitcast %add3A_2024 : vector<16xf32> -> vector<16xi32>
    %shift_right_arithmetic3A_2026 = arith.constant 23 : i32
    %shift_right_arithmetic3A_2027 = vector.broadcast %shift_right_arithmetic3A_2026 : i32 to vector<16xi32>
    %shift_right_arithmetic3A_2028 = arith.shrsi %bitcast_convert_type3A_2025, %shift_right_arithmetic3A_2027 : vector<16xi32>
    %and3A_2029 = arith.constant 255 : i32
    %and3A_2030 = vector.broadcast %and3A_2029 : i32 to vector<16xi32>
    %and3A_2031 = arith.andi %shift_right_arithmetic3A_2028, %and3A_2030 : vector<16xi32>
    %sub3A_2032 = arith.constant 127 : i32
    %sub3A_2033 = vector.broadcast %sub3A_2032 : i32 to vector<16xi32>
    %sub3A_2034 = arith.subi %and3A_2031, %sub3A_2033 : vector<16xi32>
    %and3A_2035 = arith.constant 8388607 : i32
    %and3A_2036 = vector.broadcast %and3A_2035 : i32 to vector<16xi32>
    %and3A_2037 = arith.andi %bitcast_convert_type3A_2025, %and3A_2036 : vector<16xi32>
    %or3A_2038 = arith.constant 1065353216 : i32
    %or3A_2039 = vector.broadcast %or3A_2038 : i32 to vector<16xi32>
    %or3A_2040 = arith.ori %and3A_2037, %or3A_2039 : vector<16xi32>
    %bitcast_convert_type3A_2041 = tpu.bitcast %or3A_2040 : vector<16xi32> -> vector<16xf32>
    %gt3A_2042 = arith.constant 1.41421354 : f32
    %gt3A_2043 = vector.broadcast %gt3A_2042 : f32 to vector<16xf32>
    %gt3A_2044 = arith.cmpf ogt, %bitcast_convert_type3A_2041, %gt3A_2043 : vector<16xf32>
    %mul3A_2045 = arith.constant 5.000000e-01 : f32
    %mul3A_2046 = vector.broadcast %mul3A_2045 : f32 to vector<16xf32>
    %mul3A_2047 = arith.mulf %bitcast_convert_type3A_2041, %mul3A_2046 : vector<16xf32>
    %select_n3A_2048 = arith.select %gt3A_2044, %mul3A_2047, %bitcast_convert_type3A_2041 : vector<16xi1>, vector<16xf32>
    %convert_element_type3A_2049 = arith.extui %gt3A_2044 : vector<16xi1> to vector<16xi32>
    %add3A_2050 = arith.addi %sub3A_2034, %convert_element_type3A_2049 : vector<16xi32>
    %sub3A_2051 = arith.constant 1.000000e+00 : f32
    %sub3A_2052 = vector.broadcast %sub3A_2051 : f32 to vector<16xf32>
    %sub3A_2053 = arith.subf %select_n3A_2048, %sub3A_2052 : vector<16xf32>
    %add3A_2054 = arith.constant 1.000000e+00 : f32
    %add3A_2055 = vector.broadcast %add3A_2054 : f32 to vector<16xf32>
    %add3A_2056 = arith.addf %select_n3A_2048, %add3A_2055 : vector<16xf32>
    %div3A_2057 = arith.divf %sub3A_2053, %add3A_2056 : vector<16xf32>
    %mul3A_2058 = arith.mulf %div3A_2057, %div3A_2057 : vector<16xf32>
    %mul3A_2059 = arith.constant 2.000000e+00 : f32
    %mul3A_2060 = vector.broadcast %mul3A_2059 : f32 to vector<16xf32>
    %mul3A_2061 = arith.mulf %mul3A_2060, %div3A_2057 : vector<16xf32>
    %mul3A_2062 = arith.constant 0.111111112 : f32
    %mul3A_2063 = vector.broadcast %mul3A_2062 : f32 to vector<16xf32>
    %mul3A_2064 = arith.mulf %mul3A_2058, %mul3A_2063 : vector<16xf32>
    %add3A_2065 = arith.constant 0.142857149 : f32
    %add3A_2066 = vector.broadcast %add3A_2065 : f32 to vector<16xf32>
    %add3A_2067 = arith.addf %add3A_2066, %mul3A_2064 : vector<16xf32>
    %mul3A_2068 = arith.mulf %mul3A_2058, %add3A_2067 : vector<16xf32>
    %add3A_2069 = arith.constant 2.000000e-01 : f32
    %add3A_2070 = vector.broadcast %add3A_2069 : f32 to vector<16xf32>
    %add3A_2071 = arith.addf %add3A_2070, %mul3A_2068 : vector<16xf32>
    %mul3A_2072 = arith.mulf %mul3A_2058, %add3A_2071 : vector<16xf32>
    %add3A_2073 = arith.constant 0.333333343 : f32
    %add3A_2074 = vector.broadcast %add3A_2073 : f32 to vector<16xf32>
    %add3A_2075 = arith.addf %add3A_2074, %mul3A_2072 : vector<16xf32>
    %mul3A_2076 = arith.mulf %mul3A_2058, %add3A_2075 : vector<16xf32>
    %add3A_2077 = arith.constant 1.000000e+00 : f32
    %add3A_2078 = vector.broadcast %add3A_2077 : f32 to vector<16xf32>
    %add3A_2079 = arith.addf %add3A_2078, %mul3A_2076 : vector<16xf32>
    %mul3A_2080 = arith.mulf %mul3A_2061, %add3A_2079 : vector<16xf32>
    %convert_element_type3A_2081 = arith.sitofp %add3A_2050 : vector<16xi32> to vector<16xf32>
    %mul3A_2082 = arith.constant 0.693147182 : f32
    %mul3A_2083 = vector.broadcast %mul3A_2082 : f32 to vector<16xf32>
    %mul3A_2084 = arith.mulf %convert_element_type3A_2081, %mul3A_2083 : vector<16xf32>
    %add3A_2085 = arith.addf %mul3A_2084, %mul3A_2080 : vector<16xf32>
    %lt3A_2086 = arith.constant 0x7F800000 : f32
    %lt3A_2087 = vector.broadcast %lt3A_2086 : f32 to vector<16xf32>
    %lt3A_2088 = arith.cmpf olt, %add3A_2024, %lt3A_2087 : vector<16xf32>
    %not3A_2089 = arith.constant dense<true> : vector<16xi1>
    %not3A_2090 = arith.xori %lt3A_2088, %not3A_2089 : vector<16xi1>
    %select_n3A_2091 = arith.select %not3A_2090, %add3A_2024, %add3A_2085 : vector<16xi1>, vector<16xf32>
    %swap3A_2092 = arith.constant 400 : index
    %swap3A_2093 = tpu.vector_load %arg11[%swap3A_2092] {strides = array<i32>} : memref<512xf32, #tpu.memory_space<vmem>>, vector<16xf32>,
    tpu.vector_store %arg11[%swap3A_2092], %select_n3A_2091 {strides = array<i32>} : memref<512xf32, #tpu.memory_space<vmem>>, vector<16xf32>,
    %get3A_2094 = arith.constant 416 : index
    %get3A_2095 = tpu.vector_load %arg12[%get3A_2094] {strides = array<i32>} : memref<512xf32, #tpu.memory_space<vmem>>, vector<16xf32>,
    %get3A_2096 = arith.constant 416 : index
    %get3A_2097 = tpu.vector_load %arg11[%get3A_2096] {strides = array<i32>} : memref<512xf32, #tpu.memory_space<vmem>>, vector<16xf32>,
    %mul3A_2098 = arith.constant 5.000000e+03 : f32
    %mul3A_2099 = vector.broadcast %mul3A_2098 : f32 to vector<16xf32>
    %mul3A_2100 = arith.mulf %mul3A_2099, %get3A_2097 : vector<16xf32>
    %div3A_2101 = arith.divf %get3A_2095, %mul3A_2100 : vector<16xf32>
    %add3A_2102 = arith.constant 9.99999997E-7 : f32
    %add3A_2103 = vector.broadcast %add3A_2102 : f32 to vector<16xf32>
    %add3A_2104 = arith.addf %add3A_2103, %div3A_2101 : vector<16xf32>
    %bitcast_convert_type3A_2105 = tpu.bitcast %add3A_2104 : vector<16xf32> -> vector<16xi32>
    %shift_right_arithmetic3A_2106 = arith.constant 23 : i32
    %shift_right_arithmetic3A_2107 = vector.broadcast %shift_right_arithmetic3A_2106 : i32 to vector<16xi32>
    %shift_right_arithmetic3A_2108 = arith.shrsi %bitcast_convert_type3A_2105, %shift_right_arithmetic3A_2107 : vector<16xi32>
    %and3A_2109 = arith.constant 255 : i32
    %and3A_2110 = vector.broadcast %and3A_2109 : i32 to vector<16xi32>
    %and3A_2111 = arith.andi %shift_right_arithmetic3A_2108, %and3A_2110 : vector<16xi32>
    %sub3A_2112 = arith.constant 127 : i32
    %sub3A_2113 = vector.broadcast %sub3A_2112 : i32 to vector<16xi32>
    %sub3A_2114 = arith.subi %and3A_2111, %sub3A_2113 : vector<16xi32>
    %and3A_2115 = arith.constant 8388607 : i32
    %and3A_2116 = vector.broadcast %and3A_2115 : i32 to vector<16xi32>
    %and3A_2117 = arith.andi %bitcast_convert_type3A_2105, %and3A_2116 : vector<16xi32>
    %or3A_2118 = arith.constant 1065353216 : i32
    %or3A_2119 = vector.broadcast %or3A_2118 : i32 to vector<16xi32>
    %or3A_2120 = arith.ori %and3A_2117, %or3A_2119 : vector<16xi32>
    %bitcast_convert_type3A_2121 = tpu.bitcast %or3A_2120 : vector<16xi32> -> vector<16xf32>
    %gt3A_2122 = arith.constant 1.41421354 : f32
    %gt3A_2123 = vector.broadcast %gt3A_2122 : f32 to vector<16xf32>
    %gt3A_2124 = arith.cmpf ogt, %bitcast_convert_type3A_2121, %gt3A_2123 : vector<16xf32>
    %mul3A_2125 = arith.constant 5.000000e-01 : f32
    %mul3A_2126 = vector.broadcast %mul3A_2125 : f32 to vector<16xf32>
    %mul3A_2127 = arith.mulf %bitcast_convert_type3A_2121, %mul3A_2126 : vector<16xf32>
    %select_n3A_2128 = arith.select %gt3A_2124, %mul3A_2127, %bitcast_convert_type3A_2121 : vector<16xi1>, vector<16xf32>
    %convert_element_type3A_2129 = arith.extui %gt3A_2124 : vector<16xi1> to vector<16xi32>
    %add3A_2130 = arith.addi %sub3A_2114, %convert_element_type3A_2129 : vector<16xi32>
    %sub3A_2131 = arith.constant 1.000000e+00 : f32
    %sub3A_2132 = vector.broadcast %sub3A_2131 : f32 to vector<16xf32>
    %sub3A_2133 = arith.subf %select_n3A_2128, %sub3A_2132 : vector<16xf32>
    %add3A_2134 = arith.constant 1.000000e+00 : f32
    %add3A_2135 = vector.broadcast %add3A_2134 : f32 to vector<16xf32>
    %add3A_2136 = arith.addf %select_n3A_2128, %add3A_2135 : vector<16xf32>
    %div3A_2137 = arith.divf %sub3A_2133, %add3A_2136 : vector<16xf32>
    %mul3A_2138 = arith.mulf %div3A_2137, %div3A_2137 : vector<16xf32>
    %mul3A_2139 = arith.constant 2.000000e+00 : f32
    %mul3A_2140 = vector.broadcast %mul3A_2139 : f32 to vector<16xf32>
    %mul3A_2141 = arith.mulf %mul3A_2140, %div3A_2137 : vector<16xf32>
    %mul3A_2142 = arith.constant 0.111111112 : f32
    %mul3A_2143 = vector.broadcast %mul3A_2142 : f32 to vector<16xf32>
    %mul3A_2144 = arith.mulf %mul3A_2138, %mul3A_2143 : vector<16xf32>
    %add3A_2145 = arith.constant 0.142857149 : f32
    %add3A_2146 = vector.broadcast %add3A_2145 : f32 to vector<16xf32>
    %add3A_2147 = arith.addf %add3A_2146, %mul3A_2144 : vector<16xf32>
    %mul3A_2148 = arith.mulf %mul3A_2138, %add3A_2147 : vector<16xf32>
    %add3A_2149 = arith.constant 2.000000e-01 : f32
    %add3A_2150 = vector.broadcast %add3A_2149 : f32 to vector<16xf32>
    %add3A_2151 = arith.addf %add3A_2150, %mul3A_2148 : vector<16xf32>
    %mul3A_2152 = arith.mulf %mul3A_2138, %add3A_2151 : vector<16xf32>
    %add3A_2153 = arith.constant 0.333333343 : f32
    %add3A_2154 = vector.broadcast %add3A_2153 : f32 to vector<16xf32>
    %add3A_2155 = arith.addf %add3A_2154, %mul3A_2152 : vector<16xf32>
    %mul3A_2156 = arith.mulf %mul3A_2138, %add3A_2155 : vector<16xf32>
    %add3A_2157 = arith.constant 1.000000e+00 : f32
    %add3A_2158 = vector.broadcast %add3A_2157 : f32 to vector<16xf32>
    %add3A_2159 = arith.addf %add3A_2158, %mul3A_2156 : vector<16xf32>
    %mul3A_2160 = arith.mulf %mul3A_2141, %add3A_2159 : vector<16xf32>
    %convert_element_type3A_2161 = arith.sitofp %add3A_2130 : vector<16xi32> to vector<16xf32>
    %mul3A_2162 = arith.constant 0.693147182 : f32
    %mul3A_2163 = vector.broadcast %mul3A_2162 : f32 to vector<16xf32>
    %mul3A_2164 = arith.mulf %convert_element_type3A_2161, %mul3A_2163 : vector<16xf32>
    %add3A_2165 = arith.addf %mul3A_2164, %mul3A_2160 : vector<16xf32>
    %lt3A_2166 = arith.constant 0x7F800000 : f32
    %lt3A_2167 = vector.broadcast %lt3A_2166 : f32 to vector<16xf32>
    %lt3A_2168 = arith.cmpf olt, %add3A_2104, %lt3A_2167 : vector<16xf32>
    %not3A_2169 = arith.constant dense<true> : vector<16xi1>
    %not3A_2170 = arith.xori %lt3A_2168, %not3A_2169 : vector<16xi1>
    %select_n3A_2171 = arith.select %not3A_2170, %add3A_2104, %add3A_2165 : vector<16xi1>, vector<16xf32>
    %swap3A_2172 = arith.constant 416 : index
    %swap3A_2173 = tpu.vector_load %arg11[%swap3A_2172] {strides = array<i32>} : memref<512xf32, #tpu.memory_space<vmem>>, vector<16xf32>,
    tpu.vector_store %arg11[%swap3A_2172], %select_n3A_2171 {strides = array<i32>} : memref<512xf32, #tpu.memory_space<vmem>>, vector<16xf32>,
    %get3A_2174 = arith.constant 432 : index
    %get3A_2175 = tpu.vector_load %arg12[%get3A_2174] {strides = array<i32>} : memref<512xf32, #tpu.memory_space<vmem>>, vector<16xf32>,
    %get3A_2176 = arith.constant 432 : index
    %get3A_2177 = tpu.vector_load %arg11[%get3A_2176] {strides = array<i32>} : memref<512xf32, #tpu.memory_space<vmem>>, vector<16xf32>,
    %mul3A_2178 = arith.constant 5.000000e+03 : f32
    %mul3A_2179 = vector.broadcast %mul3A_2178 : f32 to vector<16xf32>
    %mul3A_2180 = arith.mulf %mul3A_2179, %get3A_2177 : vector<16xf32>
    %div3A_2181 = arith.divf %get3A_2175, %mul3A_2180 : vector<16xf32>
    %add3A_2182 = arith.constant 9.99999997E-7 : f32
    %add3A_2183 = vector.broadcast %add3A_2182 : f32 to vector<16xf32>
    %add3A_2184 = arith.addf %add3A_2183, %div3A_2181 : vector<16xf32>
    %bitcast_convert_type3A_2185 = tpu.bitcast %add3A_2184 : vector<16xf32> -> vector<16xi32>
    %shift_right_arithmetic3A_2186 = arith.constant 23 : i32
    %shift_right_arithmetic3A_2187 = vector.broadcast %shift_right_arithmetic3A_2186 : i32 to vector<16xi32>
    %shift_right_arithmetic3A_2188 = arith.shrsi %bitcast_convert_type3A_2185, %shift_right_arithmetic3A_2187 : vector<16xi32>
    %and3A_2189 = arith.constant 255 : i32
    %and3A_2190 = vector.broadcast %and3A_2189 : i32 to vector<16xi32>
    %and3A_2191 = arith.andi %shift_right_arithmetic3A_2188, %and3A_2190 : vector<16xi32>
    %sub3A_2192 = arith.constant 127 : i32
    %sub3A_2193 = vector.broadcast %sub3A_2192 : i32 to vector<16xi32>
    %sub3A_2194 = arith.subi %and3A_2191, %sub3A_2193 : vector<16xi32>
    %and3A_2195 = arith.constant 8388607 : i32
    %and3A_2196 = vector.broadcast %and3A_2195 : i32 to vector<16xi32>
    %and3A_2197 = arith.andi %bitcast_convert_type3A_2185, %and3A_2196 : vector<16xi32>
    %or3A_2198 = arith.constant 1065353216 : i32
    %or3A_2199 = vector.broadcast %or3A_2198 : i32 to vector<16xi32>
    %or3A_2200 = arith.ori %and3A_2197, %or3A_2199 : vector<16xi32>
    %bitcast_convert_type3A_2201 = tpu.bitcast %or3A_2200 : vector<16xi32> -> vector<16xf32>
    %gt3A_2202 = arith.constant 1.41421354 : f32
    %gt3A_2203 = vector.broadcast %gt3A_2202 : f32 to vector<16xf32>
    %gt3A_2204 = arith.cmpf ogt, %bitcast_convert_type3A_2201, %gt3A_2203 : vector<16xf32>
    %mul3A_2205 = arith.constant 5.000000e-01 : f32
    %mul3A_2206 = vector.broadcast %mul3A_2205 : f32 to vector<16xf32>
    %mul3A_2207 = arith.mulf %bitcast_convert_type3A_2201, %mul3A_2206 : vector<16xf32>
    %select_n3A_2208 = arith.select %gt3A_2204, %mul3A_2207, %bitcast_convert_type3A_2201 : vector<16xi1>, vector<16xf32>
    %convert_element_type3A_2209 = arith.extui %gt3A_2204 : vector<16xi1> to vector<16xi32>
    %add3A_2210 = arith.addi %sub3A_2194, %convert_element_type3A_2209 : vector<16xi32>
    %sub3A_2211 = arith.constant 1.000000e+00 : f32
    %sub3A_2212 = vector.broadcast %sub3A_2211 : f32 to vector<16xf32>
    %sub3A_2213 = arith.subf %select_n3A_2208, %sub3A_2212 : vector<16xf32>
    %add3A_2214 = arith.constant 1.000000e+00 : f32
    %add3A_2215 = vector.broadcast %add3A_2214 : f32 to vector<16xf32>
    %add3A_2216 = arith.addf %select_n3A_2208, %add3A_2215 : vector<16xf32>
    %div3A_2217 = arith.divf %sub3A_2213, %add3A_2216 : vector<16xf32>
    %mul3A_2218 = arith.mulf %div3A_2217, %div3A_2217 : vector<16xf32>
    %mul3A_2219 = arith.constant 2.000000e+00 : f32
    %mul3A_2220 = vector.broadcast %mul3A_2219 : f32 to vector<16xf32>
    %mul3A_2221 = arith.mulf %mul3A_2220, %div3A_2217 : vector<16xf32>
    %mul3A_2222 = arith.constant 0.111111112 : f32
    %mul3A_2223 = vector.broadcast %mul3A_2222 : f32 to vector<16xf32>
    %mul3A_2224 = arith.mulf %mul3A_2218, %mul3A_2223 : vector<16xf32>
    %add3A_2225 = arith.constant 0.142857149 : f32
    %add3A_2226 = vector.broadcast %add3A_2225 : f32 to vector<16xf32>
    %add3A_2227 = arith.addf %add3A_2226, %mul3A_2224 : vector<16xf32>
    %mul3A_2228 = arith.mulf %mul3A_2218, %add3A_2227 : vector<16xf32>
    %add3A_2229 = arith.constant 2.000000e-01 : f32
    %add3A_2230 = vector.broadcast %add3A_2229 : f32 to vector<16xf32>
    %add3A_2231 = arith.addf %add3A_2230, %mul3A_2228 : vector<16xf32>
    %mul3A_2232 = arith.mulf %mul3A_2218, %add3A_2231 : vector<16xf32>
    %add3A_2233 = arith.constant 0.333333343 : f32
    %add3A_2234 = vector.broadcast %add3A_2233 : f32 to vector<16xf32>
    %add3A_2235 = arith.addf %add3A_2234, %mul3A_2232 : vector<16xf32>
    %mul3A_2236 = arith.mulf %mul3A_2218, %add3A_2235 : vector<16xf32>
    %add3A_2237 = arith.constant 1.000000e+00 : f32
    %add3A_2238 = vector.broadcast %add3A_2237 : f32 to vector<16xf32>
    %add3A_2239 = arith.addf %add3A_2238, %mul3A_2236 : vector<16xf32>
    %mul3A_2240 = arith.mulf %mul3A_2221, %add3A_2239 : vector<16xf32>
    %convert_element_type3A_2241 = arith.sitofp %add3A_2210 : vector<16xi32> to vector<16xf32>
    %mul3A_2242 = arith.constant 0.693147182 : f32
    %mul3A_2243 = vector.broadcast %mul3A_2242 : f32 to vector<16xf32>
    %mul3A_2244 = arith.mulf %convert_element_type3A_2241, %mul3A_2243 : vector<16xf32>
    %add3A_2245 = arith.addf %mul3A_2244, %mul3A_2240 : vector<16xf32>
    %lt3A_2246 = arith.constant 0x7F800000 : f32
    %lt3A_2247 = vector.broadcast %lt3A_2246 : f32 to vector<16xf32>
    %lt3A_2248 = arith.cmpf olt, %add3A_2184, %lt3A_2247 : vector<16xf32>
    %not3A_2249 = arith.constant dense<true> : vector<16xi1>
    %not3A_2250 = arith.xori %lt3A_2248, %not3A_2249 : vector<16xi1>
    %select_n3A_2251 = arith.select %not3A_2250, %add3A_2184, %add3A_2245 : vector<16xi1>, vector<16xf32>
    %swap3A_2252 = arith.constant 432 : index
    %swap3A_2253 = tpu.vector_load %arg11[%swap3A_2252] {strides = array<i32>} : memref<512xf32, #tpu.memory_space<vmem>>, vector<16xf32>,
    tpu.vector_store %arg11[%swap3A_2252], %select_n3A_2251 {strides = array<i32>} : memref<512xf32, #tpu.memory_space<vmem>>, vector<16xf32>,
    %get3A_2254 = arith.constant 448 : index
    %get3A_2255 = tpu.vector_load %arg12[%get3A_2254] {strides = array<i32>} : memref<512xf32, #tpu.memory_space<vmem>>, vector<16xf32>,
    %get3A_2256 = arith.constant 448 : index
    %get3A_2257 = tpu.vector_load %arg11[%get3A_2256] {strides = array<i32>} : memref<512xf32, #tpu.memory_space<vmem>>, vector<16xf32>,
    %mul3A_2258 = arith.constant 5.000000e+03 : f32
    %mul3A_2259 = vector.broadcast %mul3A_2258 : f32 to vector<16xf32>
    %mul3A_2260 = arith.mulf %mul3A_2259, %get3A_2257 : vector<16xf32>
    %div3A_2261 = arith.divf %get3A_2255, %mul3A_2260 : vector<16xf32>
    %add3A_2262 = arith.constant 9.99999997E-7 : f32
    %add3A_2263 = vector.broadcast %add3A_2262 : f32 to vector<16xf32>
    %add3A_2264 = arith.addf %add3A_2263, %div3A_2261 : vector<16xf32>
    %bitcast_convert_type3A_2265 = tpu.bitcast %add3A_2264 : vector<16xf32> -> vector<16xi32>
    %shift_right_arithmetic3A_2266 = arith.constant 23 : i32
    %shift_right_arithmetic3A_2267 = vector.broadcast %shift_right_arithmetic3A_2266 : i32 to vector<16xi32>
    %shift_right_arithmetic3A_2268 = arith.shrsi %bitcast_convert_type3A_2265, %shift_right_arithmetic3A_2267 : vector<16xi32>
    %and3A_2269 = arith.constant 255 : i32
    %and3A_2270 = vector.broadcast %and3A_2269 : i32 to vector<16xi32>
    %and3A_2271 = arith.andi %shift_right_arithmetic3A_2268, %and3A_2270 : vector<16xi32>
    %sub3A_2272 = arith.constant 127 : i32
    %sub3A_2273 = vector.broadcast %sub3A_2272 : i32 to vector<16xi32>
    %sub3A_2274 = arith.subi %and3A_2271, %sub3A_2273 : vector<16xi32>
    %and3A_2275 = arith.constant 8388607 : i32
    %and3A_2276 = vector.broadcast %and3A_2275 : i32 to vector<16xi32>
    %and3A_2277 = arith.andi %bitcast_convert_type3A_2265, %and3A_2276 : vector<16xi32>
    %or3A_2278 = arith.constant 1065353216 : i32
    %or3A_2279 = vector.broadcast %or3A_2278 : i32 to vector<16xi32>
    %or3A_2280 = arith.ori %and3A_2277, %or3A_2279 : vector<16xi32>
    %bitcast_convert_type3A_2281 = tpu.bitcast %or3A_2280 : vector<16xi32> -> vector<16xf32>
    %gt3A_2282 = arith.constant 1.41421354 : f32
    %gt3A_2283 = vector.broadcast %gt3A_2282 : f32 to vector<16xf32>
    %gt3A_2284 = arith.cmpf ogt, %bitcast_convert_type3A_2281, %gt3A_2283 : vector<16xf32>
    %mul3A_2285 = arith.constant 5.000000e-01 : f32
    %mul3A_2286 = vector.broadcast %mul3A_2285 : f32 to vector<16xf32>
    %mul3A_2287 = arith.mulf %bitcast_convert_type3A_2281, %mul3A_2286 : vector<16xf32>
    %select_n3A_2288 = arith.select %gt3A_2284, %mul3A_2287, %bitcast_convert_type3A_2281 : vector<16xi1>, vector<16xf32>
    %convert_element_type3A_2289 = arith.extui %gt3A_2284 : vector<16xi1> to vector<16xi32>
    %add3A_2290 = arith.addi %sub3A_2274, %convert_element_type3A_2289 : vector<16xi32>
    %sub3A_2291 = arith.constant 1.000000e+00 : f32
    %sub3A_2292 = vector.broadcast %sub3A_2291 : f32 to vector<16xf32>
    %sub3A_2293 = arith.subf %select_n3A_2288, %sub3A_2292 : vector<16xf32>
    %add3A_2294 = arith.constant 1.000000e+00 : f32
    %add3A_2295 = vector.broadcast %add3A_2294 : f32 to vector<16xf32>
    %add3A_2296 = arith.addf %select_n3A_2288, %add3A_2295 : vector<16xf32>
    %div3A_2297 = arith.divf %sub3A_2293, %add3A_2296 : vector<16xf32>
    %mul3A_2298 = arith.mulf %div3A_2297, %div3A_2297 : vector<16xf32>
    %mul3A_2299 = arith.constant 2.000000e+00 : f32
    %mul3A_2300 = vector.broadcast %mul3A_2299 : f32 to vector<16xf32>
    %mul3A_2301 = arith.mulf %mul3A_2300, %div3A_2297 : vector<16xf32>
    %mul3A_2302 = arith.constant 0.111111112 : f32
    %mul3A_2303 = vector.broadcast %mul3A_2302 : f32 to vector<16xf32>
    %mul3A_2304 = arith.mulf %mul3A_2298, %mul3A_2303 : vector<16xf32>
    %add3A_2305 = arith.constant 0.142857149 : f32
    %add3A_2306 = vector.broadcast %add3A_2305 : f32 to vector<16xf32>
    %add3A_2307 = arith.addf %add3A_2306, %mul3A_2304 : vector<16xf32>
    %mul3A_2308 = arith.mulf %mul3A_2298, %add3A_2307 : vector<16xf32>
    %add3A_2309 = arith.constant 2.000000e-01 : f32
    %add3A_2310 = vector.broadcast %add3A_2309 : f32 to vector<16xf32>
    %add3A_2311 = arith.addf %add3A_2310, %mul3A_2308 : vector<16xf32>
    %mul3A_2312 = arith.mulf %mul3A_2298, %add3A_2311 : vector<16xf32>
    %add3A_2313 = arith.constant 0.333333343 : f32
    %add3A_2314 = vector.broadcast %add3A_2313 : f32 to vector<16xf32>
    %add3A_2315 = arith.addf %add3A_2314, %mul3A_2312 : vector<16xf32>
    %mul3A_2316 = arith.mulf %mul3A_2298, %add3A_2315 : vector<16xf32>
    %add3A_2317 = arith.constant 1.000000e+00 : f32
    %add3A_2318 = vector.broadcast %add3A_2317 : f32 to vector<16xf32>
    %add3A_2319 = arith.addf %add3A_2318, %mul3A_2316 : vector<16xf32>
    %mul3A_2320 = arith.mulf %mul3A_2301, %add3A_2319 : vector<16xf32>
    %convert_element_type3A_2321 = arith.sitofp %add3A_2290 : vector<16xi32> to vector<16xf32>
    %mul3A_2322 = arith.constant 0.693147182 : f32
    %mul3A_2323 = vector.broadcast %mul3A_2322 : f32 to vector<16xf32>
    %mul3A_2324 = arith.mulf %convert_element_type3A_2321, %mul3A_2323 : vector<16xf32>
    %add3A_2325 = arith.addf %mul3A_2324, %mul3A_2320 : vector<16xf32>
    %lt3A_2326 = arith.constant 0x7F800000 : f32
    %lt3A_2327 = vector.broadcast %lt3A_2326 : f32 to vector<16xf32>
    %lt3A_2328 = arith.cmpf olt, %add3A_2264, %lt3A_2327 : vector<16xf32>
    %not3A_2329 = arith.constant dense<true> : vector<16xi1>
    %not3A_2330 = arith.xori %lt3A_2328, %not3A_2329 : vector<16xi1>
    %select_n3A_2331 = arith.select %not3A_2330, %add3A_2264, %add3A_2325 : vector<16xi1>, vector<16xf32>
    %swap3A_2332 = arith.constant 448 : index
    %swap3A_2333 = tpu.vector_load %arg11[%swap3A_2332] {strides = array<i32>} : memref<512xf32, #tpu.memory_space<vmem>>, vector<16xf32>,
    tpu.vector_store %arg11[%swap3A_2332], %select_n3A_2331 {strides = array<i32>} : memref<512xf32, #tpu.memory_space<vmem>>, vector<16xf32>,
    %get3A_2334 = arith.constant 464 : index
    %get3A_2335 = tpu.vector_load %arg12[%get3A_2334] {strides = array<i32>} : memref<512xf32, #tpu.memory_space<vmem>>, vector<16xf32>,
    %get3A_2336 = arith.constant 464 : index
    %get3A_2337 = tpu.vector_load %arg11[%get3A_2336] {strides = array<i32>} : memref<512xf32, #tpu.memory_space<vmem>>, vector<16xf32>,
    %mul3A_2338 = arith.constant 5.000000e+03 : f32
    %mul3A_2339 = vector.broadcast %mul3A_2338 : f32 to vector<16xf32>
    %mul3A_2340 = arith.mulf %mul3A_2339, %get3A_2337 : vector<16xf32>
    %div3A_2341 = arith.divf %get3A_2335, %mul3A_2340 : vector<16xf32>
    %add3A_2342 = arith.constant 9.99999997E-7 : f32
    %add3A_2343 = vector.broadcast %add3A_2342 : f32 to vector<16xf32>
    %add3A_2344 = arith.addf %add3A_2343, %div3A_2341 : vector<16xf32>
    %bitcast_convert_type3A_2345 = tpu.bitcast %add3A_2344 : vector<16xf32> -> vector<16xi32>
    %shift_right_arithmetic3A_2346 = arith.constant 23 : i32
    %shift_right_arithmetic3A_2347 = vector.broadcast %shift_right_arithmetic3A_2346 : i32 to vector<16xi32>
    %shift_right_arithmetic3A_2348 = arith.shrsi %bitcast_convert_type3A_2345, %shift_right_arithmetic3A_2347 : vector<16xi32>
    %and3A_2349 = arith.constant 255 : i32
    %and3A_2350 = vector.broadcast %and3A_2349 : i32 to vector<16xi32>
    %and3A_2351 = arith.andi %shift_right_arithmetic3A_2348, %and3A_2350 : vector<16xi32>
    %sub3A_2352 = arith.constant 127 : i32
    %sub3A_2353 = vector.broadcast %sub3A_2352 : i32 to vector<16xi32>
    %sub3A_2354 = arith.subi %and3A_2351, %sub3A_2353 : vector<16xi32>
    %and3A_2355 = arith.constant 8388607 : i32
    %and3A_2356 = vector.broadcast %and3A_2355 : i32 to vector<16xi32>
    %and3A_2357 = arith.andi %bitcast_convert_type3A_2345, %and3A_2356 : vector<16xi32>
    %or3A_2358 = arith.constant 1065353216 : i32
    %or3A_2359 = vector.broadcast %or3A_2358 : i32 to vector<16xi32>
    %or3A_2360 = arith.ori %and3A_2357, %or3A_2359 : vector<16xi32>
    %bitcast_convert_type3A_2361 = tpu.bitcast %or3A_2360 : vector<16xi32> -> vector<16xf32>
    %gt3A_2362 = arith.constant 1.41421354 : f32
    %gt3A_2363 = vector.broadcast %gt3A_2362 : f32 to vector<16xf32>
    %gt3A_2364 = arith.cmpf ogt, %bitcast_convert_type3A_2361, %gt3A_2363 : vector<16xf32>
    %mul3A_2365 = arith.constant 5.000000e-01 : f32
    %mul3A_2366 = vector.broadcast %mul3A_2365 : f32 to vector<16xf32>
    %mul3A_2367 = arith.mulf %bitcast_convert_type3A_2361, %mul3A_2366 : vector<16xf32>
    %select_n3A_2368 = arith.select %gt3A_2364, %mul3A_2367, %bitcast_convert_type3A_2361 : vector<16xi1>, vector<16xf32>
    %convert_element_type3A_2369 = arith.extui %gt3A_2364 : vector<16xi1> to vector<16xi32>
    %add3A_2370 = arith.addi %sub3A_2354, %convert_element_type3A_2369 : vector<16xi32>
    %sub3A_2371 = arith.constant 1.000000e+00 : f32
    %sub3A_2372 = vector.broadcast %sub3A_2371 : f32 to vector<16xf32>
    %sub3A_2373 = arith.subf %select_n3A_2368, %sub3A_2372 : vector<16xf32>
    %add3A_2374 = arith.constant 1.000000e+00 : f32
    %add3A_2375 = vector.broadcast %add3A_2374 : f32 to vector<16xf32>
    %add3A_2376 = arith.addf %select_n3A_2368, %add3A_2375 : vector<16xf32>
    %div3A_2377 = arith.divf %sub3A_2373, %add3A_2376 : vector<16xf32>
    %mul3A_2378 = arith.mulf %div3A_2377, %div3A_2377 : vector<16xf32>
    %mul3A_2379 = arith.constant 2.000000e+00 : f32
    %mul3A_2380 = vector.broadcast %mul3A_2379 : f32 to vector<16xf32>
    %mul3A_2381 = arith.mulf %mul3A_2380, %div3A_2377 : vector<16xf32>
    %mul3A_2382 = arith.constant 0.111111112 : f32
    %mul3A_2383 = vector.broadcast %mul3A_2382 : f32 to vector<16xf32>
    %mul3A_2384 = arith.mulf %mul3A_2378, %mul3A_2383 : vector<16xf32>
    %add3A_2385 = arith.constant 0.142857149 : f32
    %add3A_2386 = vector.broadcast %add3A_2385 : f32 to vector<16xf32>
    %add3A_2387 = arith.addf %add3A_2386, %mul3A_2384 : vector<16xf32>
    %mul3A_2388 = arith.mulf %mul3A_2378, %add3A_2387 : vector<16xf32>
    %add3A_2389 = arith.constant 2.000000e-01 : f32
    %add3A_2390 = vector.broadcast %add3A_2389 : f32 to vector<16xf32>
    %add3A_2391 = arith.addf %add3A_2390, %mul3A_2388 : vector<16xf32>
    %mul3A_2392 = arith.mulf %mul3A_2378, %add3A_2391 : vector<16xf32>
    %add3A_2393 = arith.constant 0.333333343 : f32
    %add3A_2394 = vector.broadcast %add3A_2393 : f32 to vector<16xf32>
    %add3A_2395 = arith.addf %add3A_2394, %mul3A_2392 : vector<16xf32>
    %mul3A_2396 = arith.mulf %mul3A_2378, %add3A_2395 : vector<16xf32>
    %add3A_2397 = arith.constant 1.000000e+00 : f32
    %add3A_2398 = vector.broadcast %add3A_2397 : f32 to vector<16xf32>
    %add3A_2399 = arith.addf %add3A_2398, %mul3A_2396 : vector<16xf32>
    %mul3A_2400 = arith.mulf %mul3A_2381, %add3A_2399 : vector<16xf32>
    %convert_element_type3A_2401 = arith.sitofp %add3A_2370 : vector<16xi32> to vector<16xf32>
    %mul3A_2402 = arith.constant 0.693147182 : f32
    %mul3A_2403 = vector.broadcast %mul3A_2402 : f32 to vector<16xf32>
    %mul3A_2404 = arith.mulf %convert_element_type3A_2401, %mul3A_2403 : vector<16xf32>
    %add3A_2405 = arith.addf %mul3A_2404, %mul3A_2400 : vector<16xf32>
    %lt3A_2406 = arith.constant 0x7F800000 : f32
    %lt3A_2407 = vector.broadcast %lt3A_2406 : f32 to vector<16xf32>
    %lt3A_2408 = arith.cmpf olt, %add3A_2344, %lt3A_2407 : vector<16xf32>
    %not3A_2409 = arith.constant dense<true> : vector<16xi1>
    %not3A_2410 = arith.xori %lt3A_2408, %not3A_2409 : vector<16xi1>
    %select_n3A_2411 = arith.select %not3A_2410, %add3A_2344, %add3A_2405 : vector<16xi1>, vector<16xf32>
    %swap3A_2412 = arith.constant 464 : index
    %swap3A_2413 = tpu.vector_load %arg11[%swap3A_2412] {strides = array<i32>} : memref<512xf32, #tpu.memory_space<vmem>>, vector<16xf32>,
    tpu.vector_store %arg11[%swap3A_2412], %select_n3A_2411 {strides = array<i32>} : memref<512xf32, #tpu.memory_space<vmem>>, vector<16xf32>,
    %get3A_2414 = arith.constant 480 : index
    %get3A_2415 = tpu.vector_load %arg12[%get3A_2414] {strides = array<i32>} : memref<512xf32, #tpu.memory_space<vmem>>, vector<16xf32>,
    %get3A_2416 = arith.constant 480 : index
    %get3A_2417 = tpu.vector_load %arg11[%get3A_2416] {strides = array<i32>} : memref<512xf32, #tpu.memory_space<vmem>>, vector<16xf32>,
    %mul3A_2418 = arith.constant 5.000000e+03 : f32
    %mul3A_2419 = vector.broadcast %mul3A_2418 : f32 to vector<16xf32>
    %mul3A_2420 = arith.mulf %mul3A_2419, %get3A_2417 : vector<16xf32>
    %div3A_2421 = arith.divf %get3A_2415, %mul3A_2420 : vector<16xf32>
    %add3A_2422 = arith.constant 9.99999997E-7 : f32
    %add3A_2423 = vector.broadcast %add3A_2422 : f32 to vector<16xf32>
    %add3A_2424 = arith.addf %add3A_2423, %div3A_2421 : vector<16xf32>
    %bitcast_convert_type3A_2425 = tpu.bitcast %add3A_2424 : vector<16xf32> -> vector<16xi32>
    %shift_right_arithmetic3A_2426 = arith.constant 23 : i32
    %shift_right_arithmetic3A_2427 = vector.broadcast %shift_right_arithmetic3A_2426 : i32 to vector<16xi32>
    %shift_right_arithmetic3A_2428 = arith.shrsi %bitcast_convert_type3A_2425, %shift_right_arithmetic3A_2427 : vector<16xi32>
    %and3A_2429 = arith.constant 255 : i32
    %and3A_2430 = vector.broadcast %and3A_2429 : i32 to vector<16xi32>
    %and3A_2431 = arith.andi %shift_right_arithmetic3A_2428, %and3A_2430 : vector<16xi32>
    %sub3A_2432 = arith.constant 127 : i32
    %sub3A_2433 = vector.broadcast %sub3A_2432 : i32 to vector<16xi32>
    %sub3A_2434 = arith.subi %and3A_2431, %sub3A_2433 : vector<16xi32>
    %and3A_2435 = arith.constant 8388607 : i32
    %and3A_2436 = vector.broadcast %and3A_2435 : i32 to vector<16xi32>
    %and3A_2437 = arith.andi %bitcast_convert_type3A_2425, %and3A_2436 : vector<16xi32>
    %or3A_2438 = arith.constant 1065353216 : i32
    %or3A_2439 = vector.broadcast %or3A_2438 : i32 to vector<16xi32>
    %or3A_2440 = arith.ori %and3A_2437, %or3A_2439 : vector<16xi32>
    %bitcast_convert_type3A_2441 = tpu.bitcast %or3A_2440 : vector<16xi32> -> vector<16xf32>
    %gt3A_2442 = arith.constant 1.41421354 : f32
    %gt3A_2443 = vector.broadcast %gt3A_2442 : f32 to vector<16xf32>
    %gt3A_2444 = arith.cmpf ogt, %bitcast_convert_type3A_2441, %gt3A_2443 : vector<16xf32>
    %mul3A_2445 = arith.constant 5.000000e-01 : f32
    %mul3A_2446 = vector.broadcast %mul3A_2445 : f32 to vector<16xf32>
    %mul3A_2447 = arith.mulf %bitcast_convert_type3A_2441, %mul3A_2446 : vector<16xf32>
    %select_n3A_2448 = arith.select %gt3A_2444, %mul3A_2447, %bitcast_convert_type3A_2441 : vector<16xi1>, vector<16xf32>
    %convert_element_type3A_2449 = arith.extui %gt3A_2444 : vector<16xi1> to vector<16xi32>
    %add3A_2450 = arith.addi %sub3A_2434, %convert_element_type3A_2449 : vector<16xi32>
    %sub3A_2451 = arith.constant 1.000000e+00 : f32
    %sub3A_2452 = vector.broadcast %sub3A_2451 : f32 to vector<16xf32>
    %sub3A_2453 = arith.subf %select_n3A_2448, %sub3A_2452 : vector<16xf32>
    %add3A_2454 = arith.constant 1.000000e+00 : f32
    %add3A_2455 = vector.broadcast %add3A_2454 : f32 to vector<16xf32>
    %add3A_2456 = arith.addf %select_n3A_2448, %add3A_2455 : vector<16xf32>
    %div3A_2457 = arith.divf %sub3A_2453, %add3A_2456 : vector<16xf32>
    %mul3A_2458 = arith.mulf %div3A_2457, %div3A_2457 : vector<16xf32>
    %mul3A_2459 = arith.constant 2.000000e+00 : f32
    %mul3A_2460 = vector.broadcast %mul3A_2459 : f32 to vector<16xf32>
    %mul3A_2461 = arith.mulf %mul3A_2460, %div3A_2457 : vector<16xf32>
    %mul3A_2462 = arith.constant 0.111111112 : f32
    %mul3A_2463 = vector.broadcast %mul3A_2462 : f32 to vector<16xf32>
    %mul3A_2464 = arith.mulf %mul3A_2458, %mul3A_2463 : vector<16xf32>
    %add3A_2465 = arith.constant 0.142857149 : f32
    %add3A_2466 = vector.broadcast %add3A_2465 : f32 to vector<16xf32>
    %add3A_2467 = arith.addf %add3A_2466, %mul3A_2464 : vector<16xf32>
    %mul3A_2468 = arith.mulf %mul3A_2458, %add3A_2467 : vector<16xf32>
    %add3A_2469 = arith.constant 2.000000e-01 : f32
    %add3A_2470 = vector.broadcast %add3A_2469 : f32 to vector<16xf32>
    %add3A_2471 = arith.addf %add3A_2470, %mul3A_2468 : vector<16xf32>
    %mul3A_2472 = arith.mulf %mul3A_2458, %add3A_2471 : vector<16xf32>
    %add3A_2473 = arith.constant 0.333333343 : f32
    %add3A_2474 = vector.broadcast %add3A_2473 : f32 to vector<16xf32>
    %add3A_2475 = arith.addf %add3A_2474, %mul3A_2472 : vector<16xf32>
    %mul3A_2476 = arith.mulf %mul3A_2458, %add3A_2475 : vector<16xf32>
    %add3A_2477 = arith.constant 1.000000e+00 : f32
    %add3A_2478 = vector.broadcast %add3A_2477 : f32 to vector<16xf32>
    %add3A_2479 = arith.addf %add3A_2478, %mul3A_2476 : vector<16xf32>
    %mul3A_2480 = arith.mulf %mul3A_2461, %add3A_2479 : vector<16xf32>
    %convert_element_type3A_2481 = arith.sitofp %add3A_2450 : vector<16xi32> to vector<16xf32>
    %mul3A_2482 = arith.constant 0.693147182 : f32
    %mul3A_2483 = vector.broadcast %mul3A_2482 : f32 to vector<16xf32>
    %mul3A_2484 = arith.mulf %convert_element_type3A_2481, %mul3A_2483 : vector<16xf32>
    %add3A_2485 = arith.addf %mul3A_2484, %mul3A_2480 : vector<16xf32>
    %lt3A_2486 = arith.constant 0x7F800000 : f32
    %lt3A_2487 = vector.broadcast %lt3A_2486 : f32 to vector<16xf32>
    %lt3A_2488 = arith.cmpf olt, %add3A_2424, %lt3A_2487 : vector<16xf32>
    %not3A_2489 = arith.constant dense<true> : vector<16xi1>
    %not3A_2490 = arith.xori %lt3A_2488, %not3A_2489 : vector<16xi1>
    %select_n3A_2491 = arith.select %not3A_2490, %add3A_2424, %add3A_2485 : vector<16xi1>, vector<16xf32>
    %swap3A_2492 = arith.constant 480 : index
    %swap3A_2493 = tpu.vector_load %arg11[%swap3A_2492] {strides = array<i32>} : memref<512xf32, #tpu.memory_space<vmem>>, vector<16xf32>,
    tpu.vector_store %arg11[%swap3A_2492], %select_n3A_2491 {strides = array<i32>} : memref<512xf32, #tpu.memory_space<vmem>>, vector<16xf32>,
    %get3A_2494 = arith.constant 496 : index
    %get3A_2495 = tpu.vector_load %arg12[%get3A_2494] {strides = array<i32>} : memref<512xf32, #tpu.memory_space<vmem>>, vector<16xf32>,
    %get3A_2496 = arith.constant 496 : index
    %get3A_2497 = tpu.vector_load %arg11[%get3A_2496] {strides = array<i32>} : memref<512xf32, #tpu.memory_space<vmem>>, vector<16xf32>,
    %mul3A_2498 = arith.constant 5.000000e+03 : f32
    %mul3A_2499 = vector.broadcast %mul3A_2498 : f32 to vector<16xf32>
    %mul3A_2500 = arith.mulf %mul3A_2499, %get3A_2497 : vector<16xf32>
    %div3A_2501 = arith.divf %get3A_2495, %mul3A_2500 : vector<16xf32>
    %add3A_2502 = arith.constant 9.99999997E-7 : f32
    %add3A_2503 = vector.broadcast %add3A_2502 : f32 to vector<16xf32>
    %add3A_2504 = arith.addf %add3A_2503, %div3A_2501 : vector<16xf32>
    %bitcast_convert_type3A_2505 = tpu.bitcast %add3A_2504 : vector<16xf32> -> vector<16xi32>
    %shift_right_arithmetic3A_2506 = arith.constant 23 : i32
    %shift_right_arithmetic3A_2507 = vector.broadcast %shift_right_arithmetic3A_2506 : i32 to vector<16xi32>
    %shift_right_arithmetic3A_2508 = arith.shrsi %bitcast_convert_type3A_2505, %shift_right_arithmetic3A_2507 : vector<16xi32>
    %and3A_2509 = arith.constant 255 : i32
    %and3A_2510 = vector.broadcast %and3A_2509 : i32 to vector<16xi32>
    %and3A_2511 = arith.andi %shift_right_arithmetic3A_2508, %and3A_2510 : vector<16xi32>
    %sub3A_2512 = arith.constant 127 : i32
    %sub3A_2513 = vector.broadcast %sub3A_2512 : i32 to vector<16xi32>
    %sub3A_2514 = arith.subi %and3A_2511, %sub3A_2513 : vector<16xi32>
    %and3A_2515 = arith.constant 8388607 : i32
    %and3A_2516 = vector.broadcast %and3A_2515 : i32 to vector<16xi32>
    %and3A_2517 = arith.andi %bitcast_convert_type3A_2505, %and3A_2516 : vector<16xi32>
    %or3A_2518 = arith.constant 1065353216 : i32
    %or3A_2519 = vector.broadcast %or3A_2518 : i32 to vector<16xi32>
    %or3A_2520 = arith.ori %and3A_2517, %or3A_2519 : vector<16xi32>
    %bitcast_convert_type3A_2521 = tpu.bitcast %or3A_2520 : vector<16xi32> -> vector<16xf32>
    %gt3A_2522 = arith.constant 1.41421354 : f32
    %gt3A_2523 = vector.broadcast %gt3A_2522 : f32 to vector<16xf32>
    %gt3A_2524 = arith.cmpf ogt, %bitcast_convert_type3A_2521, %gt3A_2523 : vector<16xf32>
    %mul3A_2525 = arith.constant 5.000000e-01 : f32
    %mul3A_2526 = vector.broadcast %mul3A_2525 : f32 to vector<16xf32>
    %mul3A_2527 = arith.mulf %bitcast_convert_type3A_2521, %mul3A_2526 : vector<16xf32>
    %select_n3A_2528 = arith.select %gt3A_2524, %mul3A_2527, %bitcast_convert_type3A_2521 : vector<16xi1>, vector<16xf32>
    %convert_element_type3A_2529 = arith.extui %gt3A_2524 : vector<16xi1> to vector<16xi32>
    %add3A_2530 = arith.addi %sub3A_2514, %convert_element_type3A_2529 : vector<16xi32>
    %sub3A_2531 = arith.constant 1.000000e+00 : f32
    %sub3A_2532 = vector.broadcast %sub3A_2531 : f32 to vector<16xf32>
    %sub3A_2533 = arith.subf %select_n3A_2528, %sub3A_2532 : vector<16xf32>
    %add3A_2534 = arith.constant 1.000000e+00 : f32
    %add3A_2535 = vector.broadcast %add3A_2534 : f32 to vector<16xf32>
    %add3A_2536 = arith.addf %select_n3A_2528, %add3A_2535 : vector<16xf32>
    %div3A_2537 = arith.divf %sub3A_2533, %add3A_2536 : vector<16xf32>
    %mul3A_2538 = arith.mulf %div3A_2537, %div3A_2537 : vector<16xf32>
    %mul3A_2539 = arith.constant 2.000000e+00 : f32
    %mul3A_2540 = vector.broadcast %mul3A_2539 : f32 to vector<16xf32>
    %mul3A_2541 = arith.mulf %mul3A_2540, %div3A_2537 : vector<16xf32>
    %mul3A_2542 = arith.constant 0.111111112 : f32
    %mul3A_2543 = vector.broadcast %mul3A_2542 : f32 to vector<16xf32>
    %mul3A_2544 = arith.mulf %mul3A_2538, %mul3A_2543 : vector<16xf32>
    %add3A_2545 = arith.constant 0.142857149 : f32
    %add3A_2546 = vector.broadcast %add3A_2545 : f32 to vector<16xf32>
    %add3A_2547 = arith.addf %add3A_2546, %mul3A_2544 : vector<16xf32>
    %mul3A_2548 = arith.mulf %mul3A_2538, %add3A_2547 : vector<16xf32>
    %add3A_2549 = arith.constant 2.000000e-01 : f32
    %add3A_2550 = vector.broadcast %add3A_2549 : f32 to vector<16xf32>
    %add3A_2551 = arith.addf %add3A_2550, %mul3A_2548 : vector<16xf32>
    %mul3A_2552 = arith.mulf %mul3A_2538, %add3A_2551 : vector<16xf32>
    %add3A_2553 = arith.constant 0.333333343 : f32
    %add3A_2554 = vector.broadcast %add3A_2553 : f32 to vector<16xf32>
    %add3A_2555 = arith.addf %add3A_2554, %mul3A_2552 : vector<16xf32>
    %mul3A_2556 = arith.mulf %mul3A_2538, %add3A_2555 : vector<16xf32>
    %add3A_2557 = arith.constant 1.000000e+00 : f32
    %add3A_2558 = vector.broadcast %add3A_2557 : f32 to vector<16xf32>
    %add3A_2559 = arith.addf %add3A_2558, %mul3A_2556 : vector<16xf32>
    %mul3A_2560 = arith.mulf %mul3A_2541, %add3A_2559 : vector<16xf32>
    %convert_element_type3A_2561 = arith.sitofp %add3A_2530 : vector<16xi32> to vector<16xf32>
    %mul3A_2562 = arith.constant 0.693147182 : f32
    %mul3A_2563 = vector.broadcast %mul3A_2562 : f32 to vector<16xf32>
    %mul3A_2564 = arith.mulf %convert_element_type3A_2561, %mul3A_2563 : vector<16xf32>
    %add3A_2565 = arith.addf %mul3A_2564, %mul3A_2560 : vector<16xf32>
    %lt3A_2566 = arith.constant 0x7F800000 : f32
    %lt3A_2567 = vector.broadcast %lt3A_2566 : f32 to vector<16xf32>
    %lt3A_2568 = arith.cmpf olt, %add3A_2504, %lt3A_2567 : vector<16xf32>
    %not3A_2569 = arith.constant dense<true> : vector<16xi1>
    %not3A_2570 = arith.xori %lt3A_2568, %not3A_2569 : vector<16xi1>
    %select_n3A_2571 = arith.select %not3A_2570, %add3A_2504, %add3A_2565 : vector<16xi1>, vector<16xf32>
    %swap3A_2572 = arith.constant 496 : index
    %swap3A_2573 = tpu.vector_load %arg11[%swap3A_2572] {strides = array<i32>} : memref<512xf32, #tpu.memory_space<vmem>>, vector<16xf32>,
    tpu.vector_store %arg11[%swap3A_2572], %select_n3A_2571 {strides = array<i32>} : memref<512xf32, #tpu.memory_space<vmem>>, vector<16xf32>,
    %dma_wait3A_2574 = arith.constant 0 : i32
    %dma_wait3A_2575 = arith.constant 0 : i32
    %dma_wait3A_2576 = tpu.memref_slice %arg5[%dma_wait3A_2574, %dma_wait3A_2575] : memref<3x100000xf32, #tpu.memory_space<hbm>> -> memref<1x100000xf32, #tpu.memory_space<hbm>>
    %dma_wait3A_2577 = tpu.memref_squeeze %dma_wait3A_2576 : memref<1x100000xf32, #tpu.memory_space<hbm>> -> memref<100000xf32, #tpu.memory_space<hbm>>
    %dma_wait3A_2578 = arith.constant 0 : i32
    %dma_wait3A_2579 = tpu.memref_slice %dma_wait3A_2577[%dma_wait3A_2578] : memref<100000xf32, #tpu.memory_space<hbm>> -> memref<100000xf32, #tpu.memory_space<hbm>>
    tpu.wait_indirect_dma semaphore(%arg14 : memref<!tpu.dma_semaphore, #tpu.memory_space<semaphore_mem>>) src(%dma_wait3A_2579 : memref<100000xf32, #tpu.memory_space<hbm>>) dst(%arg8 : memref<512xf32, #tpu.memory_space<vmem>>)
    %get3A_2580 = arith.constant 0 : index
    %get3A_2581 = tpu.vector_load %arg8[%get3A_2580] {strides = array<i32>} : memref<512xf32, #tpu.memory_space<vmem>>, vector<16xf32>,
    %get3A_2582 = arith.constant 0 : index
    %get3A_2583 = tpu.vector_load %arg11[%get3A_2582] {strides = array<i32>} : memref<512xf32, #tpu.memory_space<vmem>>, vector<16xf32>,
    %add3A_2584 = arith.addf %get3A_2581, %get3A_2583 : vector<16xf32>
    %swap3A_2585 = arith.constant 0 : index
    %swap3A_2586 = tpu.vector_load %arg8[%swap3A_2585] {strides = array<i32>} : memref<512xf32, #tpu.memory_space<vmem>>, vector<16xf32>,
    tpu.vector_store %arg8[%swap3A_2585], %add3A_2584 {strides = array<i32>} : memref<512xf32, #tpu.memory_space<vmem>>, vector<16xf32>,
    %get3A_2587 = arith.constant 16 : index
    %get3A_2588 = tpu.vector_load %arg8[%get3A_2587] {strides = array<i32>} : memref<512xf32, #tpu.memory_space<vmem>>, vector<16xf32>,
    %get3A_2589 = arith.constant 16 : index
    %get3A_2590 = tpu.vector_load %arg11[%get3A_2589] {strides = array<i32>} : memref<512xf32, #tpu.memory_space<vmem>>, vector<16xf32>,
    %add3A_2591 = arith.addf %get3A_2588, %get3A_2590 : vector<16xf32>
    %swap3A_2592 = arith.constant 16 : index
    %swap3A_2593 = tpu.vector_load %arg8[%swap3A_2592] {strides = array<i32>} : memref<512xf32, #tpu.memory_space<vmem>>, vector<16xf32>,
    tpu.vector_store %arg8[%swap3A_2592], %add3A_2591 {strides = array<i32>} : memref<512xf32, #tpu.memory_space<vmem>>, vector<16xf32>,
    %get3A_2594 = arith.constant 32 : index
    %get3A_2595 = tpu.vector_load %arg8[%get3A_2594] {strides = array<i32>} : memref<512xf32, #tpu.memory_space<vmem>>, vector<16xf32>,
    %get3A_2596 = arith.constant 32 : index
    %get3A_2597 = tpu.vector_load %arg11[%get3A_2596] {strides = array<i32>} : memref<512xf32, #tpu.memory_space<vmem>>, vector<16xf32>,
    %add3A_2598 = arith.addf %get3A_2595, %get3A_2597 : vector<16xf32>
    %swap3A_2599 = arith.constant 32 : index
    %swap3A_2600 = tpu.vector_load %arg8[%swap3A_2599] {strides = array<i32>} : memref<512xf32, #tpu.memory_space<vmem>>, vector<16xf32>,
    tpu.vector_store %arg8[%swap3A_2599], %add3A_2598 {strides = array<i32>} : memref<512xf32, #tpu.memory_space<vmem>>, vector<16xf32>,
    %get3A_2601 = arith.constant 48 : index
    %get3A_2602 = tpu.vector_load %arg8[%get3A_2601] {strides = array<i32>} : memref<512xf32, #tpu.memory_space<vmem>>, vector<16xf32>,
    %get3A_2603 = arith.constant 48 : index
    %get3A_2604 = tpu.vector_load %arg11[%get3A_2603] {strides = array<i32>} : memref<512xf32, #tpu.memory_space<vmem>>, vector<16xf32>,
    %add3A_2605 = arith.addf %get3A_2602, %get3A_2604 : vector<16xf32>
    %swap3A_2606 = arith.constant 48 : index
    %swap3A_2607 = tpu.vector_load %arg8[%swap3A_2606] {strides = array<i32>} : memref<512xf32, #tpu.memory_space<vmem>>, vector<16xf32>,
    tpu.vector_store %arg8[%swap3A_2606], %add3A_2605 {strides = array<i32>} : memref<512xf32, #tpu.memory_space<vmem>>, vector<16xf32>,
    %get3A_2608 = arith.constant 64 : index
    %get3A_2609 = tpu.vector_load %arg8[%get3A_2608] {strides = array<i32>} : memref<512xf32, #tpu.memory_space<vmem>>, vector<16xf32>,
    %get3A_2610 = arith.constant 64 : index
    %get3A_2611 = tpu.vector_load %arg11[%get3A_2610] {strides = array<i32>} : memref<512xf32, #tpu.memory_space<vmem>>, vector<16xf32>,
    %add3A_2612 = arith.addf %get3A_2609, %get3A_2611 : vector<16xf32>
    %swap3A_2613 = arith.constant 64 : index
    %swap3A_2614 = tpu.vector_load %arg8[%swap3A_2613] {strides = array<i32>} : memref<512xf32, #tpu.memory_space<vmem>>, vector<16xf32>,
    tpu.vector_store %arg8[%swap3A_2613], %add3A_2612 {strides = array<i32>} : memref<512xf32, #tpu.memory_space<vmem>>, vector<16xf32>,
    %get3A_2615 = arith.constant 80 : index
    %get3A_2616 = tpu.vector_load %arg8[%get3A_2615] {strides = array<i32>} : memref<512xf32, #tpu.memory_space<vmem>>, vector<16xf32>,
    %get3A_2617 = arith.constant 80 : index
    %get3A_2618 = tpu.vector_load %arg11[%get3A_2617] {strides = array<i32>} : memref<512xf32, #tpu.memory_space<vmem>>, vector<16xf32>,
    %add3A_2619 = arith.addf %get3A_2616, %get3A_2618 : vector<16xf32>
    %swap3A_2620 = arith.constant 80 : index
    %swap3A_2621 = tpu.vector_load %arg8[%swap3A_2620] {strides = array<i32>} : memref<512xf32, #tpu.memory_space<vmem>>, vector<16xf32>,
    tpu.vector_store %arg8[%swap3A_2620], %add3A_2619 {strides = array<i32>} : memref<512xf32, #tpu.memory_space<vmem>>, vector<16xf32>,
    %get3A_2622 = arith.constant 96 : index
    %get3A_2623 = tpu.vector_load %arg8[%get3A_2622] {strides = array<i32>} : memref<512xf32, #tpu.memory_space<vmem>>, vector<16xf32>,
    %get3A_2624 = arith.constant 96 : index
    %get3A_2625 = tpu.vector_load %arg11[%get3A_2624] {strides = array<i32>} : memref<512xf32, #tpu.memory_space<vmem>>, vector<16xf32>,
    %add3A_2626 = arith.addf %get3A_2623, %get3A_2625 : vector<16xf32>
    %swap3A_2627 = arith.constant 96 : index
    %swap3A_2628 = tpu.vector_load %arg8[%swap3A_2627] {strides = array<i32>} : memref<512xf32, #tpu.memory_space<vmem>>, vector<16xf32>,
    tpu.vector_store %arg8[%swap3A_2627], %add3A_2626 {strides = array<i32>} : memref<512xf32, #tpu.memory_space<vmem>>, vector<16xf32>,
    %get3A_2629 = arith.constant 112 : index
    %get3A_2630 = tpu.vector_load %arg8[%get3A_2629] {strides = array<i32>} : memref<512xf32, #tpu.memory_space<vmem>>, vector<16xf32>,
    %get3A_2631 = arith.constant 112 : index
    %get3A_2632 = tpu.vector_load %arg11[%get3A_2631] {strides = array<i32>} : memref<512xf32, #tpu.memory_space<vmem>>, vector<16xf32>,
    %add3A_2633 = arith.addf %get3A_2630, %get3A_2632 : vector<16xf32>
    %swap3A_2634 = arith.constant 112 : index
    %swap3A_2635 = tpu.vector_load %arg8[%swap3A_2634] {strides = array<i32>} : memref<512xf32, #tpu.memory_space<vmem>>, vector<16xf32>,
    tpu.vector_store %arg8[%swap3A_2634], %add3A_2633 {strides = array<i32>} : memref<512xf32, #tpu.memory_space<vmem>>, vector<16xf32>,
    %get3A_2636 = arith.constant 128 : index
    %get3A_2637 = tpu.vector_load %arg8[%get3A_2636] {strides = array<i32>} : memref<512xf32, #tpu.memory_space<vmem>>, vector<16xf32>,
    %get3A_2638 = arith.constant 128 : index
    %get3A_2639 = tpu.vector_load %arg11[%get3A_2638] {strides = array<i32>} : memref<512xf32, #tpu.memory_space<vmem>>, vector<16xf32>,
    %add3A_2640 = arith.addf %get3A_2637, %get3A_2639 : vector<16xf32>
    %swap3A_2641 = arith.constant 128 : index
    %swap3A_2642 = tpu.vector_load %arg8[%swap3A_2641] {strides = array<i32>} : memref<512xf32, #tpu.memory_space<vmem>>, vector<16xf32>,
    tpu.vector_store %arg8[%swap3A_2641], %add3A_2640 {strides = array<i32>} : memref<512xf32, #tpu.memory_space<vmem>>, vector<16xf32>,
    %get3A_2643 = arith.constant 144 : index
    %get3A_2644 = tpu.vector_load %arg8[%get3A_2643] {strides = array<i32>} : memref<512xf32, #tpu.memory_space<vmem>>, vector<16xf32>,
    %get3A_2645 = arith.constant 144 : index
    %get3A_2646 = tpu.vector_load %arg11[%get3A_2645] {strides = array<i32>} : memref<512xf32, #tpu.memory_space<vmem>>, vector<16xf32>,
    %add3A_2647 = arith.addf %get3A_2644, %get3A_2646 : vector<16xf32>
    %swap3A_2648 = arith.constant 144 : index
    %swap3A_2649 = tpu.vector_load %arg8[%swap3A_2648] {strides = array<i32>} : memref<512xf32, #tpu.memory_space<vmem>>, vector<16xf32>,
    tpu.vector_store %arg8[%swap3A_2648], %add3A_2647 {strides = array<i32>} : memref<512xf32, #tpu.memory_space<vmem>>, vector<16xf32>,
    %get3A_2650 = arith.constant 160 : index
    %get3A_2651 = tpu.vector_load %arg8[%get3A_2650] {strides = array<i32>} : memref<512xf32, #tpu.memory_space<vmem>>, vector<16xf32>,
    %get3A_2652 = arith.constant 160 : index
    %get3A_2653 = tpu.vector_load %arg11[%get3A_2652] {strides = array<i32>} : memref<512xf32, #tpu.memory_space<vmem>>, vector<16xf32>,
    %add3A_2654 = arith.addf %get3A_2651, %get3A_2653 : vector<16xf32>
    %swap3A_2655 = arith.constant 160 : index
    %swap3A_2656 = tpu.vector_load %arg8[%swap3A_2655] {strides = array<i32>} : memref<512xf32, #tpu.memory_space<vmem>>, vector<16xf32>,
    tpu.vector_store %arg8[%swap3A_2655], %add3A_2654 {strides = array<i32>} : memref<512xf32, #tpu.memory_space<vmem>>, vector<16xf32>,
    %get3A_2657 = arith.constant 176 : index
    %get3A_2658 = tpu.vector_load %arg8[%get3A_2657] {strides = array<i32>} : memref<512xf32, #tpu.memory_space<vmem>>, vector<16xf32>,
    %get3A_2659 = arith.constant 176 : index
    %get3A_2660 = tpu.vector_load %arg11[%get3A_2659] {strides = array<i32>} : memref<512xf32, #tpu.memory_space<vmem>>, vector<16xf32>,
    %add3A_2661 = arith.addf %get3A_2658, %get3A_2660 : vector<16xf32>
    %swap3A_2662 = arith.constant 176 : index
    %swap3A_2663 = tpu.vector_load %arg8[%swap3A_2662] {strides = array<i32>} : memref<512xf32, #tpu.memory_space<vmem>>, vector<16xf32>,
    tpu.vector_store %arg8[%swap3A_2662], %add3A_2661 {strides = array<i32>} : memref<512xf32, #tpu.memory_space<vmem>>, vector<16xf32>,
    %get3A_2664 = arith.constant 192 : index
    %get3A_2665 = tpu.vector_load %arg8[%get3A_2664] {strides = array<i32>} : memref<512xf32, #tpu.memory_space<vmem>>, vector<16xf32>,
    %get3A_2666 = arith.constant 192 : index
    %get3A_2667 = tpu.vector_load %arg11[%get3A_2666] {strides = array<i32>} : memref<512xf32, #tpu.memory_space<vmem>>, vector<16xf32>,
    %add3A_2668 = arith.addf %get3A_2665, %get3A_2667 : vector<16xf32>
    %swap3A_2669 = arith.constant 192 : index
    %swap3A_2670 = tpu.vector_load %arg8[%swap3A_2669] {strides = array<i32>} : memref<512xf32, #tpu.memory_space<vmem>>, vector<16xf32>,
    tpu.vector_store %arg8[%swap3A_2669], %add3A_2668 {strides = array<i32>} : memref<512xf32, #tpu.memory_space<vmem>>, vector<16xf32>,
    %get3A_2671 = arith.constant 208 : index
    %get3A_2672 = tpu.vector_load %arg8[%get3A_2671] {strides = array<i32>} : memref<512xf32, #tpu.memory_space<vmem>>, vector<16xf32>,
    %get3A_2673 = arith.constant 208 : index
    %get3A_2674 = tpu.vector_load %arg11[%get3A_2673] {strides = array<i32>} : memref<512xf32, #tpu.memory_space<vmem>>, vector<16xf32>,
    %add3A_2675 = arith.addf %get3A_2672, %get3A_2674 : vector<16xf32>
    %swap3A_2676 = arith.constant 208 : index
    %swap3A_2677 = tpu.vector_load %arg8[%swap3A_2676] {strides = array<i32>} : memref<512xf32, #tpu.memory_space<vmem>>, vector<16xf32>,
    tpu.vector_store %arg8[%swap3A_2676], %add3A_2675 {strides = array<i32>} : memref<512xf32, #tpu.memory_space<vmem>>, vector<16xf32>,
    %get3A_2678 = arith.constant 224 : index
    %get3A_2679 = tpu.vector_load %arg8[%get3A_2678] {strides = array<i32>} : memref<512xf32, #tpu.memory_space<vmem>>, vector<16xf32>,
    %get3A_2680 = arith.constant 224 : index
    %get3A_2681 = tpu.vector_load %arg11[%get3A_2680] {strides = array<i32>} : memref<512xf32, #tpu.memory_space<vmem>>, vector<16xf32>,
    %add3A_2682 = arith.addf %get3A_2679, %get3A_2681 : vector<16xf32>
    %swap3A_2683 = arith.constant 224 : index
    %swap3A_2684 = tpu.vector_load %arg8[%swap3A_2683] {strides = array<i32>} : memref<512xf32, #tpu.memory_space<vmem>>, vector<16xf32>,
    tpu.vector_store %arg8[%swap3A_2683], %add3A_2682 {strides = array<i32>} : memref<512xf32, #tpu.memory_space<vmem>>, vector<16xf32>,
    %get3A_2685 = arith.constant 240 : index
    %get3A_2686 = tpu.vector_load %arg8[%get3A_2685] {strides = array<i32>} : memref<512xf32, #tpu.memory_space<vmem>>, vector<16xf32>,
    %get3A_2687 = arith.constant 240 : index
    %get3A_2688 = tpu.vector_load %arg11[%get3A_2687] {strides = array<i32>} : memref<512xf32, #tpu.memory_space<vmem>>, vector<16xf32>,
    %add3A_2689 = arith.addf %get3A_2686, %get3A_2688 : vector<16xf32>
    %swap3A_2690 = arith.constant 240 : index
    %swap3A_2691 = tpu.vector_load %arg8[%swap3A_2690] {strides = array<i32>} : memref<512xf32, #tpu.memory_space<vmem>>, vector<16xf32>,
    tpu.vector_store %arg8[%swap3A_2690], %add3A_2689 {strides = array<i32>} : memref<512xf32, #tpu.memory_space<vmem>>, vector<16xf32>,
    %get3A_2692 = arith.constant 256 : index
    %get3A_2693 = tpu.vector_load %arg8[%get3A_2692] {strides = array<i32>} : memref<512xf32, #tpu.memory_space<vmem>>, vector<16xf32>,
    %get3A_2694 = arith.constant 256 : index
    %get3A_2695 = tpu.vector_load %arg11[%get3A_2694] {strides = array<i32>} : memref<512xf32, #tpu.memory_space<vmem>>, vector<16xf32>,
    %add3A_2696 = arith.addf %get3A_2693, %get3A_2695 : vector<16xf32>
    %swap3A_2697 = arith.constant 256 : index
    %swap3A_2698 = tpu.vector_load %arg8[%swap3A_2697] {strides = array<i32>} : memref<512xf32, #tpu.memory_space<vmem>>, vector<16xf32>,
    tpu.vector_store %arg8[%swap3A_2697], %add3A_2696 {strides = array<i32>} : memref<512xf32, #tpu.memory_space<vmem>>, vector<16xf32>,
    %get3A_2699 = arith.constant 272 : index
    %get3A_2700 = tpu.vector_load %arg8[%get3A_2699] {strides = array<i32>} : memref<512xf32, #tpu.memory_space<vmem>>, vector<16xf32>,
    %get3A_2701 = arith.constant 272 : index
    %get3A_2702 = tpu.vector_load %arg11[%get3A_2701] {strides = array<i32>} : memref<512xf32, #tpu.memory_space<vmem>>, vector<16xf32>,
    %add3A_2703 = arith.addf %get3A_2700, %get3A_2702 : vector<16xf32>
    %swap3A_2704 = arith.constant 272 : index
    %swap3A_2705 = tpu.vector_load %arg8[%swap3A_2704] {strides = array<i32>} : memref<512xf32, #tpu.memory_space<vmem>>, vector<16xf32>,
    tpu.vector_store %arg8[%swap3A_2704], %add3A_2703 {strides = array<i32>} : memref<512xf32, #tpu.memory_space<vmem>>, vector<16xf32>,
    %get3A_2706 = arith.constant 288 : index
    %get3A_2707 = tpu.vector_load %arg8[%get3A_2706] {strides = array<i32>} : memref<512xf32, #tpu.memory_space<vmem>>, vector<16xf32>,
    %get3A_2708 = arith.constant 288 : index
    %get3A_2709 = tpu.vector_load %arg11[%get3A_2708] {strides = array<i32>} : memref<512xf32, #tpu.memory_space<vmem>>, vector<16xf32>,
    %add3A_2710 = arith.addf %get3A_2707, %get3A_2709 : vector<16xf32>
    %swap3A_2711 = arith.constant 288 : index
    %swap3A_2712 = tpu.vector_load %arg8[%swap3A_2711] {strides = array<i32>} : memref<512xf32, #tpu.memory_space<vmem>>, vector<16xf32>,
    tpu.vector_store %arg8[%swap3A_2711], %add3A_2710 {strides = array<i32>} : memref<512xf32, #tpu.memory_space<vmem>>, vector<16xf32>,
    %get3A_2713 = arith.constant 304 : index
    %get3A_2714 = tpu.vector_load %arg8[%get3A_2713] {strides = array<i32>} : memref<512xf32, #tpu.memory_space<vmem>>, vector<16xf32>,
    %get3A_2715 = arith.constant 304 : index
    %get3A_2716 = tpu.vector_load %arg11[%get3A_2715] {strides = array<i32>} : memref<512xf32, #tpu.memory_space<vmem>>, vector<16xf32>,
    %add3A_2717 = arith.addf %get3A_2714, %get3A_2716 : vector<16xf32>
    %swap3A_2718 = arith.constant 304 : index
    %swap3A_2719 = tpu.vector_load %arg8[%swap3A_2718] {strides = array<i32>} : memref<512xf32, #tpu.memory_space<vmem>>, vector<16xf32>,
    tpu.vector_store %arg8[%swap3A_2718], %add3A_2717 {strides = array<i32>} : memref<512xf32, #tpu.memory_space<vmem>>, vector<16xf32>,
    %get3A_2720 = arith.constant 320 : index
    %get3A_2721 = tpu.vector_load %arg8[%get3A_2720] {strides = array<i32>} : memref<512xf32, #tpu.memory_space<vmem>>, vector<16xf32>,
    %get3A_2722 = arith.constant 320 : index
    %get3A_2723 = tpu.vector_load %arg11[%get3A_2722] {strides = array<i32>} : memref<512xf32, #tpu.memory_space<vmem>>, vector<16xf32>,
    %add3A_2724 = arith.addf %get3A_2721, %get3A_2723 : vector<16xf32>
    %swap3A_2725 = arith.constant 320 : index
    %swap3A_2726 = tpu.vector_load %arg8[%swap3A_2725] {strides = array<i32>} : memref<512xf32, #tpu.memory_space<vmem>>, vector<16xf32>,
    tpu.vector_store %arg8[%swap3A_2725], %add3A_2724 {strides = array<i32>} : memref<512xf32, #tpu.memory_space<vmem>>, vector<16xf32>,
    %get3A_2727 = arith.constant 336 : index
    %get3A_2728 = tpu.vector_load %arg8[%get3A_2727] {strides = array<i32>} : memref<512xf32, #tpu.memory_space<vmem>>, vector<16xf32>,
    %get3A_2729 = arith.constant 336 : index
    %get3A_2730 = tpu.vector_load %arg11[%get3A_2729] {strides = array<i32>} : memref<512xf32, #tpu.memory_space<vmem>>, vector<16xf32>,
    %add3A_2731 = arith.addf %get3A_2728, %get3A_2730 : vector<16xf32>
    %swap3A_2732 = arith.constant 336 : index
    %swap3A_2733 = tpu.vector_load %arg8[%swap3A_2732] {strides = array<i32>} : memref<512xf32, #tpu.memory_space<vmem>>, vector<16xf32>,
    tpu.vector_store %arg8[%swap3A_2732], %add3A_2731 {strides = array<i32>} : memref<512xf32, #tpu.memory_space<vmem>>, vector<16xf32>,
    %get3A_2734 = arith.constant 352 : index
    %get3A_2735 = tpu.vector_load %arg8[%get3A_2734] {strides = array<i32>} : memref<512xf32, #tpu.memory_space<vmem>>, vector<16xf32>,
    %get3A_2736 = arith.constant 352 : index
    %get3A_2737 = tpu.vector_load %arg11[%get3A_2736] {strides = array<i32>} : memref<512xf32, #tpu.memory_space<vmem>>, vector<16xf32>,
    %add3A_2738 = arith.addf %get3A_2735, %get3A_2737 : vector<16xf32>
    %swap3A_2739 = arith.constant 352 : index
    %swap3A_2740 = tpu.vector_load %arg8[%swap3A_2739] {strides = array<i32>} : memref<512xf32, #tpu.memory_space<vmem>>, vector<16xf32>,
    tpu.vector_store %arg8[%swap3A_2739], %add3A_2738 {strides = array<i32>} : memref<512xf32, #tpu.memory_space<vmem>>, vector<16xf32>,
    %get3A_2741 = arith.constant 368 : index
    %get3A_2742 = tpu.vector_load %arg8[%get3A_2741] {strides = array<i32>} : memref<512xf32, #tpu.memory_space<vmem>>, vector<16xf32>,
    %get3A_2743 = arith.constant 368 : index
    %get3A_2744 = tpu.vector_load %arg11[%get3A_2743] {strides = array<i32>} : memref<512xf32, #tpu.memory_space<vmem>>, vector<16xf32>,
    %add3A_2745 = arith.addf %get3A_2742, %get3A_2744 : vector<16xf32>
    %swap3A_2746 = arith.constant 368 : index
    %swap3A_2747 = tpu.vector_load %arg8[%swap3A_2746] {strides = array<i32>} : memref<512xf32, #tpu.memory_space<vmem>>, vector<16xf32>,
    tpu.vector_store %arg8[%swap3A_2746], %add3A_2745 {strides = array<i32>} : memref<512xf32, #tpu.memory_space<vmem>>, vector<16xf32>,
    %get3A_2748 = arith.constant 384 : index
    %get3A_2749 = tpu.vector_load %arg8[%get3A_2748] {strides = array<i32>} : memref<512xf32, #tpu.memory_space<vmem>>, vector<16xf32>,
    %get3A_2750 = arith.constant 384 : index
    %get3A_2751 = tpu.vector_load %arg11[%get3A_2750] {strides = array<i32>} : memref<512xf32, #tpu.memory_space<vmem>>, vector<16xf32>,
    %add3A_2752 = arith.addf %get3A_2749, %get3A_2751 : vector<16xf32>
    %swap3A_2753 = arith.constant 384 : index
    %swap3A_2754 = tpu.vector_load %arg8[%swap3A_2753] {strides = array<i32>} : memref<512xf32, #tpu.memory_space<vmem>>, vector<16xf32>,
    tpu.vector_store %arg8[%swap3A_2753], %add3A_2752 {strides = array<i32>} : memref<512xf32, #tpu.memory_space<vmem>>, vector<16xf32>,
    %get3A_2755 = arith.constant 400 : index
    %get3A_2756 = tpu.vector_load %arg8[%get3A_2755] {strides = array<i32>} : memref<512xf32, #tpu.memory_space<vmem>>, vector<16xf32>,
    %get3A_2757 = arith.constant 400 : index
    %get3A_2758 = tpu.vector_load %arg11[%get3A_2757] {strides = array<i32>} : memref<512xf32, #tpu.memory_space<vmem>>, vector<16xf32>,
    %add3A_2759 = arith.addf %get3A_2756, %get3A_2758 : vector<16xf32>
    %swap3A_2760 = arith.constant 400 : index
    %swap3A_2761 = tpu.vector_load %arg8[%swap3A_2760] {strides = array<i32>} : memref<512xf32, #tpu.memory_space<vmem>>, vector<16xf32>,
    tpu.vector_store %arg8[%swap3A_2760], %add3A_2759 {strides = array<i32>} : memref<512xf32, #tpu.memory_space<vmem>>, vector<16xf32>,
    %get3A_2762 = arith.constant 416 : index
    %get3A_2763 = tpu.vector_load %arg8[%get3A_2762] {strides = array<i32>} : memref<512xf32, #tpu.memory_space<vmem>>, vector<16xf32>,
    %get3A_2764 = arith.constant 416 : index
    %get3A_2765 = tpu.vector_load %arg11[%get3A_2764] {strides = array<i32>} : memref<512xf32, #tpu.memory_space<vmem>>, vector<16xf32>,
    %add3A_2766 = arith.addf %get3A_2763, %get3A_2765 : vector<16xf32>
    %swap3A_2767 = arith.constant 416 : index
    %swap3A_2768 = tpu.vector_load %arg8[%swap3A_2767] {strides = array<i32>} : memref<512xf32, #tpu.memory_space<vmem>>, vector<16xf32>,
    tpu.vector_store %arg8[%swap3A_2767], %add3A_2766 {strides = array<i32>} : memref<512xf32, #tpu.memory_space<vmem>>, vector<16xf32>,
    %get3A_2769 = arith.constant 432 : index
    %get3A_2770 = tpu.vector_load %arg8[%get3A_2769] {strides = array<i32>} : memref<512xf32, #tpu.memory_space<vmem>>, vector<16xf32>,
    %get3A_2771 = arith.constant 432 : index
    %get3A_2772 = tpu.vector_load %arg11[%get3A_2771] {strides = array<i32>} : memref<512xf32, #tpu.memory_space<vmem>>, vector<16xf32>,
    %add3A_2773 = arith.addf %get3A_2770, %get3A_2772 : vector<16xf32>
    %swap3A_2774 = arith.constant 432 : index
    %swap3A_2775 = tpu.vector_load %arg8[%swap3A_2774] {strides = array<i32>} : memref<512xf32, #tpu.memory_space<vmem>>, vector<16xf32>,
    tpu.vector_store %arg8[%swap3A_2774], %add3A_2773 {strides = array<i32>} : memref<512xf32, #tpu.memory_space<vmem>>, vector<16xf32>,
    %get3A_2776 = arith.constant 448 : index
    %get3A_2777 = tpu.vector_load %arg8[%get3A_2776] {strides = array<i32>} : memref<512xf32, #tpu.memory_space<vmem>>, vector<16xf32>,
    %get3A_2778 = arith.constant 448 : index
    %get3A_2779 = tpu.vector_load %arg11[%get3A_2778] {strides = array<i32>} : memref<512xf32, #tpu.memory_space<vmem>>, vector<16xf32>,
    %add3A_2780 = arith.addf %get3A_2777, %get3A_2779 : vector<16xf32>
    %swap3A_2781 = arith.constant 448 : index
    %swap3A_2782 = tpu.vector_load %arg8[%swap3A_2781] {strides = array<i32>} : memref<512xf32, #tpu.memory_space<vmem>>, vector<16xf32>,
    tpu.vector_store %arg8[%swap3A_2781], %add3A_2780 {strides = array<i32>} : memref<512xf32, #tpu.memory_space<vmem>>, vector<16xf32>,
    %get3A_2783 = arith.constant 464 : index
    %get3A_2784 = tpu.vector_load %arg8[%get3A_2783] {strides = array<i32>} : memref<512xf32, #tpu.memory_space<vmem>>, vector<16xf32>,
    %get3A_2785 = arith.constant 464 : index
    %get3A_2786 = tpu.vector_load %arg11[%get3A_2785] {strides = array<i32>} : memref<512xf32, #tpu.memory_space<vmem>>, vector<16xf32>,
    %add3A_2787 = arith.addf %get3A_2784, %get3A_2786 : vector<16xf32>
    %swap3A_2788 = arith.constant 464 : index
    %swap3A_2789 = tpu.vector_load %arg8[%swap3A_2788] {strides = array<i32>} : memref<512xf32, #tpu.memory_space<vmem>>, vector<16xf32>,
    tpu.vector_store %arg8[%swap3A_2788], %add3A_2787 {strides = array<i32>} : memref<512xf32, #tpu.memory_space<vmem>>, vector<16xf32>,
    %get3A_2790 = arith.constant 480 : index
    %get3A_2791 = tpu.vector_load %arg8[%get3A_2790] {strides = array<i32>} : memref<512xf32, #tpu.memory_space<vmem>>, vector<16xf32>,
    %get3A_2792 = arith.constant 480 : index
    %get3A_2793 = tpu.vector_load %arg11[%get3A_2792] {strides = array<i32>} : memref<512xf32, #tpu.memory_space<vmem>>, vector<16xf32>,
    %add3A_2794 = arith.addf %get3A_2791, %get3A_2793 : vector<16xf32>
    %swap3A_2795 = arith.constant 480 : index
    %swap3A_2796 = tpu.vector_load %arg8[%swap3A_2795] {strides = array<i32>} : memref<512xf32, #tpu.memory_space<vmem>>, vector<16xf32>,
    tpu.vector_store %arg8[%swap3A_2795], %add3A_2794 {strides = array<i32>} : memref<512xf32, #tpu.memory_space<vmem>>, vector<16xf32>,
    %get3A_2797 = arith.constant 496 : index
    %get3A_2798 = tpu.vector_load %arg8[%get3A_2797] {strides = array<i32>} : memref<512xf32, #tpu.memory_space<vmem>>, vector<16xf32>,
    %get3A_2799 = arith.constant 496 : index
    %get3A_2800 = tpu.vector_load %arg11[%get3A_2799] {strides = array<i32>} : memref<512xf32, #tpu.memory_space<vmem>>, vector<16xf32>,
    %add3A_2801 = arith.addf %get3A_2798, %get3A_2800 : vector<16xf32>
    %swap3A_2802 = arith.constant 496 : index
    %swap3A_2803 = tpu.vector_load %arg8[%swap3A_2802] {strides = array<i32>} : memref<512xf32, #tpu.memory_space<vmem>>, vector<16xf32>,
    tpu.vector_store %arg8[%swap3A_2802], %add3A_2801 {strides = array<i32>} : memref<512xf32, #tpu.memory_space<vmem>>, vector<16xf32>,
    %dma_start3A_2804 = arith.constant 0 : i32
    %dma_start3A_2805 = arith.constant 0 : i32
    %dma_start3A_2806 = tpu.memref_slice %arg6[%dma_start3A_2804, %dma_start3A_2805] : memref<3x16384xf32, #tpu.memory_space<hbm>> -> memref<1x16384xf32, #tpu.memory_space<hbm>>
    %dma_start3A_2807 = tpu.memref_squeeze %dma_start3A_2806 : memref<1x16384xf32, #tpu.memory_space<hbm>> -> memref<16384xf32, #tpu.memory_space<hbm>>
    %dma_start3A_2808 = tpu.memref_slice %dma_start3A_2807[%mul3A_2] : memref<16384xf32, #tpu.memory_space<hbm>> -> memref<512xf32, #tpu.memory_space<hbm>>
    %dma_start3A_2809 = arith.constant 0 : i32
    %dma_start3A_2810 = tpu.memref_slice %arg6[%dma_start3A_2804, %dma_start3A_2809] : memref<3x16384xf32, #tpu.memory_space<hbm>> -> memref<1x16384xf32, #tpu.memory_space<hbm>>
    %dma_start3A_2811 = tpu.memref_squeeze %dma_start3A_2810 : memref<1x16384xf32, #tpu.memory_space<hbm>> -> memref<16384xf32, #tpu.memory_space<hbm>>
    %dma_start3A_2812 = tpu.memref_slice %dma_start3A_2811[%mul3A_2] : memref<16384xf32, #tpu.memory_space<hbm>> -> memref<512xf32, #tpu.memory_space<hbm>>
    tpu.enqueue_dma source(%arg8 : memref<512xf32, #tpu.memory_space<vmem>>) target(%dma_start3A_2812 : memref<512xf32, #tpu.memory_space<hbm>>) target_semaphore(%arg16 : memref<!tpu.dma_semaphore, #tpu.memory_space<semaphore_mem>>)
    %dma_wait3A_2813 = arith.constant 1 : i32
    %dma_wait3A_2814 = arith.constant 0 : i32
    %dma_wait3A_2815 = tpu.memref_slice %arg5[%dma_wait3A_2813, %dma_wait3A_2814] : memref<3x100000xf32, #tpu.memory_space<hbm>> -> memref<1x100000xf32, #tpu.memory_space<hbm>>
    %dma_wait3A_2816 = tpu.memref_squeeze %dma_wait3A_2815 : memref<1x100000xf32, #tpu.memory_space<hbm>> -> memref<100000xf32, #tpu.memory_space<hbm>>
    %dma_wait3A_2817 = arith.constant 0 : i32
    %dma_wait3A_2818 = tpu.memref_slice %dma_wait3A_2816[%dma_wait3A_2817] : memref<100000xf32, #tpu.memory_space<hbm>> -> memref<100000xf32, #tpu.memory_space<hbm>>
    tpu.wait_indirect_dma semaphore(%arg15 : memref<!tpu.dma_semaphore, #tpu.memory_space<semaphore_mem>>) src(%dma_wait3A_2818 : memref<100000xf32, #tpu.memory_space<hbm>>) dst(%arg9 : memref<512xf32, #tpu.memory_space<vmem>>)
    %dma_wait3A_2819 = arith.constant 2 : i32
    %dma_wait3A_2820 = arith.constant 0 : i32
    %dma_wait3A_2821 = tpu.memref_slice %arg5[%dma_wait3A_2819, %dma_wait3A_2820] : memref<3x100000xf32, #tpu.memory_space<hbm>> -> memref<1x100000xf32, #tpu.memory_space<hbm>>
    %dma_wait3A_2822 = tpu.memref_squeeze %dma_wait3A_2821 : memref<1x100000xf32, #tpu.memory_space<hbm>> -> memref<100000xf32, #tpu.memory_space<hbm>>
    %dma_wait3A_2823 = arith.constant 0 : i32
    %dma_wait3A_2824 = tpu.memref_slice %dma_wait3A_2822[%dma_wait3A_2823] : memref<100000xf32, #tpu.memory_space<hbm>> -> memref<100000xf32, #tpu.memory_space<hbm>>
    tpu.wait_indirect_dma semaphore(%arg15 : memref<!tpu.dma_semaphore, #tpu.memory_space<semaphore_mem>>) src(%dma_wait3A_2824 : memref<100000xf32, #tpu.memory_space<hbm>>) dst(%arg10 : memref<512xf32, #tpu.memory_space<vmem>>)
    %dma_start3A_2825 = arith.constant 1 : i32
    %dma_start3A_2826 = arith.constant 0 : i32
    %dma_start3A_2827 = tpu.memref_slice %arg6[%dma_start3A_2825, %dma_start3A_2826] : memref<3x16384xf32, #tpu.memory_space<hbm>> -> memref<1x16384xf32, #tpu.memory_space<hbm>>
    %dma_start3A_2828 = tpu.memref_squeeze %dma_start3A_2827 : memref<1x16384xf32, #tpu.memory_space<hbm>> -> memref<16384xf32, #tpu.memory_space<hbm>>
    %dma_start3A_2829 = tpu.memref_slice %dma_start3A_2828[%mul3A_2] : memref<16384xf32, #tpu.memory_space<hbm>> -> memref<512xf32, #tpu.memory_space<hbm>>
    %dma_start3A_2830 = arith.constant 0 : i32
    %dma_start3A_2831 = tpu.memref_slice %arg6[%dma_start3A_2825, %dma_start3A_2830] : memref<3x16384xf32, #tpu.memory_space<hbm>> -> memref<1x16384xf32, #tpu.memory_space<hbm>>
    %dma_start3A_2832 = tpu.memref_squeeze %dma_start3A_2831 : memref<1x16384xf32, #tpu.memory_space<hbm>> -> memref<16384xf32, #tpu.memory_space<hbm>>
    %dma_start3A_2833 = tpu.memref_slice %dma_start3A_2832[%mul3A_2] : memref<16384xf32, #tpu.memory_space<hbm>> -> memref<512xf32, #tpu.memory_space<hbm>>
    tpu.enqueue_dma source(%arg9 : memref<512xf32, #tpu.memory_space<vmem>>) target(%dma_start3A_2833 : memref<512xf32, #tpu.memory_space<hbm>>) target_semaphore(%arg16 : memref<!tpu.dma_semaphore, #tpu.memory_space<semaphore_mem>>)
    %dma_start3A_2834 = arith.constant 2 : i32
    %dma_start3A_2835 = arith.constant 0 : i32
    %dma_start3A_2836 = tpu.memref_slice %arg6[%dma_start3A_2834, %dma_start3A_2835] : memref<3x16384xf32, #tpu.memory_space<hbm>> -> memref<1x16384xf32, #tpu.memory_space<hbm>>
    %dma_start3A_2837 = tpu.memref_squeeze %dma_start3A_2836 : memref<1x16384xf32, #tpu.memory_space<hbm>> -> memref<16384xf32, #tpu.memory_space<hbm>>
    %dma_start3A_2838 = tpu.memref_slice %dma_start3A_2837[%mul3A_2] : memref<16384xf32, #tpu.memory_space<hbm>> -> memref<512xf32, #tpu.memory_space<hbm>>
    %dma_start3A_2839 = arith.constant 0 : i32
    %dma_start3A_2840 = tpu.memref_slice %arg6[%dma_start3A_2834, %dma_start3A_2839] : memref<3x16384xf32, #tpu.memory_space<hbm>> -> memref<1x16384xf32, #tpu.memory_space<hbm>>
    %dma_start3A_2841 = tpu.memref_squeeze %dma_start3A_2840 : memref<1x16384xf32, #tpu.memory_space<hbm>> -> memref<16384xf32, #tpu.memory_space<hbm>>
    %dma_start3A_2842 = tpu.memref_slice %dma_start3A_2841[%mul3A_2] : memref<16384xf32, #tpu.memory_space<hbm>> -> memref<512xf32, #tpu.memory_space<hbm>>
    tpu.enqueue_dma source(%arg10 : memref<512xf32, #tpu.memory_space<vmem>>) target(%dma_start3A_2842 : memref<512xf32, #tpu.memory_space<hbm>>) target_semaphore(%arg16 : memref<!tpu.dma_semaphore, #tpu.memory_space<semaphore_mem>>)
    %dma_wait3A_2843 = arith.constant 0 : i32
    %dma_wait3A_2844 = arith.constant 0 : i32
    %dma_wait3A_2845 = tpu.memref_slice %arg6[%dma_wait3A_2843, %dma_wait3A_2844] : memref<3x16384xf32, #tpu.memory_space<hbm>> -> memref<1x16384xf32, #tpu.memory_space<hbm>>
    %dma_wait3A_2846 = tpu.memref_squeeze %dma_wait3A_2845 : memref<1x16384xf32, #tpu.memory_space<hbm>> -> memref<16384xf32, #tpu.memory_space<hbm>>
    %dma_wait3A_2847 = tpu.memref_slice %dma_wait3A_2846[%mul3A_2] : memref<16384xf32, #tpu.memory_space<hbm>> -> memref<512xf32, #tpu.memory_space<hbm>>
    %dma_wait3A_2848 = arith.constant 0 : i32
    %dma_wait3A_2849 = tpu.memref_slice %arg6[%dma_wait3A_2843, %dma_wait3A_2848] : memref<3x16384xf32, #tpu.memory_space<hbm>> -> memref<1x16384xf32, #tpu.memory_space<hbm>>
    %dma_wait3A_2850 = tpu.memref_squeeze %dma_wait3A_2849 : memref<1x16384xf32, #tpu.memory_space<hbm>> -> memref<16384xf32, #tpu.memory_space<hbm>>
    %dma_wait3A_2851 = tpu.memref_slice %dma_wait3A_2850[%mul3A_2] : memref<16384xf32, #tpu.memory_space<hbm>> -> memref<512xf32, #tpu.memory_space<hbm>>
    tpu.wait_dma2 semaphore(%arg16 : memref<!tpu.dma_semaphore, #tpu.memory_space<semaphore_mem>>) src(%arg8 : memref<512xf32, #tpu.memory_space<vmem>>) dst(%dma_wait3A_2851 : memref<512xf32, #tpu.memory_space<hbm>>)
    %dma_wait3A_2852 = arith.constant 1 : i32
    %dma_wait3A_2853 = arith.constant 0 : i32
    %dma_wait3A_2854 = tpu.memref_slice %arg6[%dma_wait3A_2852, %dma_wait3A_2853] : memref<3x16384xf32, #tpu.memory_space<hbm>> -> memref<1x16384xf32, #tpu.memory_space<hbm>>
    %dma_wait3A_2855 = tpu.memref_squeeze %dma_wait3A_2854 : memref<1x16384xf32, #tpu.memory_space<hbm>> -> memref<16384xf32, #tpu.memory_space<hbm>>
    %dma_wait3A_2856 = tpu.memref_slice %dma_wait3A_2855[%mul3A_2] : memref<16384xf32, #tpu.memory_space<hbm>> -> memref<512xf32, #tpu.memory_space<hbm>>
    %dma_wait3A_2857 = arith.constant 0 : i32
    %dma_wait3A_2858 = tpu.memref_slice %arg6[%dma_wait3A_2852, %dma_wait3A_2857] : memref<3x16384xf32, #tpu.memory_space<hbm>> -> memref<1x16384xf32, #tpu.memory_space<hbm>>
    %dma_wait3A_2859 = tpu.memref_squeeze %dma_wait3A_2858 : memref<1x16384xf32, #tpu.memory_space<hbm>> -> memref<16384xf32, #tpu.memory_space<hbm>>
    %dma_wait3A_2860 = tpu.memref_slice %dma_wait3A_2859[%mul3A_2] : memref<16384xf32, #tpu.memory_space<hbm>> -> memref<512xf32, #tpu.memory_space<hbm>>
    tpu.wait_dma2 semaphore(%arg16 : memref<!tpu.dma_semaphore, #tpu.memory_space<semaphore_mem>>) src(%arg9 : memref<512xf32, #tpu.memory_space<vmem>>) dst(%dma_wait3A_2860 : memref<512xf32, #tpu.memory_space<hbm>>)
    %dma_wait3A_2861 = arith.constant 2 : i32
    %dma_wait3A_2862 = arith.constant 0 : i32
    %dma_wait3A_2863 = tpu.memref_slice %arg6[%dma_wait3A_2861, %dma_wait3A_2862] : memref<3x16384xf32, #tpu.memory_space<hbm>> -> memref<1x16384xf32, #tpu.memory_space<hbm>>
    %dma_wait3A_2864 = tpu.memref_squeeze %dma_wait3A_2863 : memref<1x16384xf32, #tpu.memory_space<hbm>> -> memref<16384xf32, #tpu.memory_space<hbm>>
    %dma_wait3A_2865 = tpu.memref_slice %dma_wait3A_2864[%mul3A_2] : memref<16384xf32, #tpu.memory_space<hbm>> -> memref<512xf32, #tpu.memory_space<hbm>>
    %dma_wait3A_2866 = arith.constant 0 : i32
    %dma_wait3A_2867 = tpu.memref_slice %arg6[%dma_wait3A_2861, %dma_wait3A_2866] : memref<3x16384xf32, #tpu.memory_space<hbm>> -> memref<1x16384xf32, #tpu.memory_space<hbm>>
    %dma_wait3A_2868 = tpu.memref_squeeze %dma_wait3A_2867 : memref<1x16384xf32, #tpu.memory_space<hbm>> -> memref<16384xf32, #tpu.memory_space<hbm>>
    %dma_wait3A_2869 = tpu.memref_slice %dma_wait3A_2868[%mul3A_2] : memref<16384xf32, #tpu.memory_space<hbm>> -> memref<512xf32, #tpu.memory_space<hbm>>
    tpu.wait_dma2 semaphore(%arg16 : memref<!tpu.dma_semaphore, #tpu.memory_space<semaphore_mem>>) src(%arg10 : memref<512xf32, #tpu.memory_space<vmem>>) dst(%dma_wait3A_2869 : memref<512xf32, #tpu.memory_space<hbm>>)
    return
  }
}

</mosaic_0001>

<sc_bundles>
// kernel: _sc_call.3.cloned.1.call-start
scs
__scs_entry_jumppad:
0x0: {  	(pc) =	sbr.rel $0x88, $3  }
0x1: {  	(tag) =	ssettag $0x0;
	lr =	simm.s32 $0x1  }
0x2: {  	[smem:$0x3F9D] =	sst lr;
	_ =	strace $0xD0000000  }
0x3: {  	_ = 	snop  }
0x4: {  	_ = 	snop  }
0x5: {  	_ = 	snop  }
0x6: {  	_ = 	snop  }
0x7: {  	_ = 	snop  }
__scs_overlays_trampoline_lowered:
0x8: {  	[smem:$0x3FAC] =	sst s0  }
0x9: {  	[smem:$0x3FAD] =	sst s1  }
0xa: {  	[smem:$0x3FAE] =	sst s2  }
0xb: {  	[smem:$0x3FAF] =	sst s3  }
0xc: {  	[smem:$0x3FB0] =	sst s4  }
0xd: {  	[smem:$0x3FB1] =	sst s5  }
0xe: {  	[smem:$0x3FB2] =	sst s6  }
0xf: {  	[smem:$0x3FB3] =	sst s7  }
0x10: {  	[smem:$0x3FB4] =	sst s8  }
0x11: {  	[smem:$0x3FB5] =	sst s9;
	s0 =	simm.s32 @!p0 $0x0  }
0x12: {  	s1 =	sld [smem:$0x3F9B];
	s0 =	simm.s32 @p0 $0x1  }
0x13: {  	[smem:$0x3FB6] =	sst s0;
	s0 =	simm.s32 @!p1 $0x0  }
0x14: {  	s2 =	sld [smem:$0x3F9A];
	s0 =	simm.s32 @p1 $0x1  }
0x15: {  	[smem:$0x3FB7] =	sst s0;
	s0 =	simm.s32 @!p2 $0x0  }
0x16: {  	s3 =	sld [smem:$0x3FDB];
	s0 =	simm.s32 @p2 $0x1  }
0x17: {  	s4 =	simm.s32 $0x1BF5;
	[smem:$0x3FB9] =	sst s0  }
0x18: {  	s0 =	sld [smem:$0x3F9C];
	_ =	swait.ge [sflag:s4], $0x0  }
0x19: {  	s7 =	sld [smem:$0x3F9D]  }
0x1a: {  	s8 =	sadd.s32 $0xFFFFE003, lr  }
0x1b: {  	s9 =	sadd.s32 $0xFFFFFEF7, lr;
	s5 =	simm.s32 $0xFFFFFFFF;
	p2 =	slt.u32 s8, $0xFFFFF086  }
0x1c: {  	p1 =	slt.u32 s9, $0xF7A;
	s5 =	simm.s32 @!p2 $0x0  }
0x1d: {  	s5 =	simm.s32 @p1 $0x1;
	p0 =	seq.s32 s7, s2  }
0x1e: {  	s7 =	smul.u32 @!p0 $0xF7A, s2;
	p2 =	seq.s32 @!p0 s5, $0x0  }
0x1f: {  	s9 =	smul.u32 $0xF7A, s1;
	s8 =	simm.s32 @!p0 $0x1BF5;
	p2 =	por !p2, p0  }
0x20: {  	[sflag:s8] =	ssyncset.s32 @!p0 $0xFFFFF086;
	s6 =	sadd.s32 @!p0 s3, s7;
	s7 =	simm.s32 @!p0 $0x108  }
0x21: {  	s3 =	sadd.s32 s3, s9;
	s6 =	sadd.s32 @!p0 $0x88, s6;
	s7 =	simm.s32 @p2 $0x1082  }
0x22: {  	[simem:s7], [sflag:s8] =	dma.local @!p0 [hbm:s6], $0xF7A  }
0x23: {  	s9 =	sor.u32 $0xD0000000, s2;
	s6 =	simm.s32 $0x108;
	_ =	swait.ge @!p0 [sflag:s8], $0x0  }
0x24: {  	s3 =	sadd.s32 $0x88, s3;
	s6 =	simm.s32 @!p1 $0x1082;
	[sflag:s4] =	ssyncset.s32 $0xFFFFF086  }
0x25: {  	[simem:s6], [sflag:s4] =	dma.local [hbm:s3], $0xF7A  }
0x26: {  	[smem:$0x3F9D] =	sst s1;
	(tag) =	ssettag s2;
	_ =	strace s9  }
0x27: {  	s1 =	sld [smem:$0x3FAD]  }
0x28: {  	s2 =	sld [smem:$0x3FAE]  }
0x29: {  	s4 =	sld [smem:$0x3FB0]  }
0x2a: {  	p0 =	seq.s32 s5, $0x0;
	s5 =	sld [smem:$0x3FB1]  }
0x2b: {  	s6 =	sld [smem:$0x3FB2]  }
0x2c: {  	s7 =	sld [smem:$0x3FB3]  }
0x2d: {  	s3 =	simm.s32 $0x108;
	s8 =	sld [smem:$0x3FB4]  }
0x2e: {  	s3 =	simm.s32 @!p0 $0x1082;
	s9 =	sld [smem:$0x3FB5]  }
0x2f: {  	lr =	sadd.s32 s0, s3;
	s0 =	sld [smem:$0x3FAC]  }
0x30: {  	s3 =	sld [smem:$0x3FAF]  }
0x31: {  	[smem:$0x3FB8] =	sst s10  }
0x32: {  	s10 =	sld [smem:$0x3FB6];
	_ =	sdelay $0x3  }
0x33: {  	p0 =	seq.s32 s10, $0x1;
	s10 =	sld [smem:$0x3FB8];
	_ =	sdelay $0x3  }
0x34: {  	[smem:$0x3FB8] =	sst s10  }
0x35: {  	s10 =	sld [smem:$0x3FB7];
	_ =	sdelay $0x3  }
0x36: {  	p1 =	seq.s32 s10, $0x1;
	s10 =	sld [smem:$0x3FB8];
	_ =	sdelay $0x3  }
0x37: {  	[smem:$0x3FB8] =	sst s10  }
0x38: {  	s10 =	sld [smem:$0x3FB9]  }
0x39: {  	_ = 	snop;
	(pc) =	sbr.ind lr, $3  }
0x3a: {  	_ = 	snop  }
0x3b: {  	_ = 	snop  }
0x3c: {  	p2 =	seq.s32 s10, $0x1;
	s10 =	sld [smem:$0x3FB8]  }
0x3d: {  	_ =	shalt  }
0x3e: {  	_ =	shalt  }
0x3f: {  	_ =	shalt  }
0x40: {  	_ =	shalt  }
0x41: {  	_ =	shalt  }
0x42: {  	_ =	shalt  }
0x43: {  	_ =	shalt  }
0x44: {  	_ =	shalt  }
0x45: {  	_ =	shalt  }
0x46: {  	_ =	shalt  }
0x47: {  	_ =	shalt  }
0x48: {  	_ =	shalt  }
0x49: {  	_ =	shalt  }
0x4a: {  	_ =	shalt  }
0x4b: {  	_ =	shalt  }
0x4c: {  	_ =	shalt  }
0x4d: {  	_ =	shalt  }
0x4e: {  	_ =	shalt  }
0x4f: {  	_ =	shalt  }
0x50: {  	_ =	shalt  }
0x51: {  	_ =	shalt  }
0x52: {  	_ =	shalt  }
0x53: {  	_ =	shalt  }
0x54: {  	_ =	shalt  }
0x55: {  	_ =	shalt  }
0x56: {  	_ =	shalt  }
0x57: {  	_ =	shalt  }
0x58: {  	_ =	shalt  }
0x59: {  	_ =	shalt  }
0x5a: {  	_ =	shalt  }
0x5b: {  	_ =	shalt  }
0x5c: {  	_ =	shalt  }
0x5d: {  	_ =	shalt  }
0x5e: {  	_ =	shalt  }
0x5f: {  	_ =	shalt  }
0x60: {  	_ =	shalt  }
0x61: {  	_ =	shalt  }
0x62: {  	_ =	shalt  }
0x63: {  	_ =	shalt  }
0x64: {  	_ =	shalt  }
0x65: {  	_ =	shalt  }
0x66: {  	_ =	shalt  }
0x67: {  	_ =	shalt  }
0x68: {  	_ =	shalt  }
0x69: {  	_ =	shalt  }
0x6a: {  	_ =	shalt  }
0x6b: {  	_ =	shalt  }
0x6c: {  	_ =	shalt  }
0x6d: {  	_ =	shalt  }
0x6e: {  	_ =	shalt  }
0x6f: {  	_ =	shalt  }
0x70: {  	_ =	shalt  }
0x71: {  	_ =	shalt  }
0x72: {  	_ =	shalt  }
0x73: {  	_ =	shalt  }
0x74: {  	_ =	shalt  }
0x75: {  	_ =	shalt  }
0x76: {  	_ =	shalt  }
0x77: {  	_ =	shalt  }
0x78: {  	_ =	shalt  }
0x79: {  	_ =	shalt  }
0x7a: {  	_ =	shalt  }
0x7b: {  	_ =	shalt  }
0x7c: {  	_ =	shalt  }
0x7d: {  	_ =	shalt  }
0x7e: {  	_ =	shalt  }
0x7f: {  	_ =	shalt  }
0x80: {  	_ =	shalt  }
0x81: {  	_ =	shalt  }
0x82: {  	_ =	shalt  }
0x83: {  	_ =	shalt  }
0x84: {  	_ =	shalt  }
0x85: {  	_ =	shalt  }
0x86: {  	_ =	shalt  }
0x87: {  	_ =	shalt  }
.Lfunc_end0:
.L_simem_size_0:
called_computation_lowered:
.L_overlay_start_0:
0x88: {  	s2 =	sld [smem:$0x3FD9]  }
0x89: {  	s3 =	sld [smem:$0x3FFE];
	_ =	sdelay $0x1  }
0x8a: {  	s1 =	srdreg.scid  }
0x8b: {  	s0 =	sand.u32 $0x1, s1  }
0x8c: {  	s17 =	sshll.u32 s0, $0xA;
	s2 =	sadd.s32 s3, s2  }
0x8d: {  	s2 =	sadd.s32 s2, s17  }
0x8e: {  	[smem:$0x3FC4] =	sst s2  }
0x8f: {  	_ = 	snop  }
0x90: {  	s2 =	sld [smem:$0x3FC9]  }
0x91: {  	s18 =	sld [smem:$0x3FC8]  }
0x92: {  	s4 =	sld [smem:$0x3FC7];
	(tm) =	ssettm $0x1  }
0x93: {  	s5 =	sld [smem:$0x3FFB];
	_ =	sdelay $0x3  }
0x94: {  	_ =	strace s5  }
0x95: {  	s5 =	sld [smem:$0x3FFC];
	_ =	sdelay $0x3  }
0x96: {  	_ =	strace s5  }
0x97: {  	s5 =	sld [smem:$0x3FFD];
	_ =	sdelay $0x3  }
0x98: {  	_ =	strace s5  }
0x99: {  	_ =	strace $0x8FFFFFFF  }
0x9a: {  	s19 =	sld [smem:$0x3FDB];
	_ =	sdelay $0x1  }
0x9b: {  	s6 =	simm.s32 $_scs_section_size  }
0x9c: {  	s7 =	simm.s32 $_size__tile_overlayer_lowered;
	s8 =	simm.s32 $_tile_overlayer_lowered  }
0x9d: {  	s22 =	simm.s32 $0x1BFF;
	s21 =	sshll.u32 s8, $0x1;
	s5 =	sadd.s32 s6, s19  }
0x9e: {  	s9 =	simm.s32 $0x0;
	s20 =	sshll.u32 s7, $0x1;
	s7 =	sadd.s32 s21, s5  }
0x9f: {  	[timem:s9], [sflag:s22] =	dma.local [hbm:s7], s20  }
0xa0: {  	_ =	swait.ge [sflag:s22], s20  }
0xa1: {  	s6 =	ssub.s32 $0x0, s20;
	[sflag:s22] =	ssyncset.done $0x0  }
0xa2: {  	[sflag:s22] =	ssyncadd.s32 s6;
	_ =	sdelay $0x1  }
0xa3: {  	s23 =	simm.s32 $0x1B8B  }
0xa4: {  	_ =	swait.ge [sflag:s23], $0x1  }
0xa5: {  	[sflag:s23] =	ssyncset.done $0x0  }
0xa6: {  	s25 =	simm.s32 $0x1B8E;
	s24 =	sld [smem:$0x3FFE];
	[sflag:s23] =	ssyncadd.s32 $0xFFFFFFFF  }
0xa7: {  	s26 =	simm.s32 $execute0_lowered;
	[smem:$0x3FD2] =	sst s25  }
0xa8: {  	s7 =	sshll.u32 s26, $0x1;
	_ =	strace $0x80000046;
	[dreg:$0x1] =	wrdreg $0xFFFFFFFF  }
0xa9: {  	s28 =	simm.s32 $_size_execute0_lowered;
	s5 =	sadd.s32 s5, s7;
	[dreg:$0x0] =	wrdreg $0x0  }
0xaa: {  	s7 =	sshll.u32 s28, $0x1;
	[dreg:$0x2] =	wrdreg s5  }
0xab: {  	[dreg:$0x3] =	wrdreg s7  }
0xac: {  	[dreg:$0x4] =	wrdreg $0xC0  }
0xad: {  	_ =	task [dreg:s9], $0x5FFFF  }
0xae: {  	[dreg:$0x1] =	wrdreg $0xFFFFFFFF  }
0xaf: {  	[dreg:$0x0] =	wrdreg $0x60  }
0xb0: {  	[dreg:$0x2] =	wrdreg s2  }
0xb1: {  	[dreg:$0x3] =	wrdreg s18  }
0xb2: {  	[dreg:$0x4] =	wrdreg s4  }
0xb3: {  	[dreg:$0x5] =	wrdreg s24  }
0xb4: {  	[dreg:$0x6] =	wrdreg $0x9  }
0xb5: {  	_ =	task.clear_ibuf [dreg:s9], $0x7FFFF;
	_ =	strace $0x90000046  }
0xb6: {  	s29 =	simm.s32 $0x9;
	_ =	strace $0x80000048  }
0xb7: {  	_ =	swait.ge [sflag:s29], $0x1  }
0xb8: {  	[sflag:s29] =	ssyncadd.s32 $0xFFFFFFFF  }
0xb9: {  	_ =	strace $0x90000048  }
0xba: {  	_ =	sfence  }
0xbb: {  	s30 =	sld [smem:$0x0];
	_ =	sdelay $0x2  }
0xbc: {  	s31 =	sshll.u32 s1, $0xD;
	s1 =	sshrl.u32 s1, $0x2  }
0xbd: {  	s3 =	sand.u32 $0x4000, s31;
	s1 =	sadd.s32 s1, s30  }
0xbe: {  	s0 =	sor.u32 s3, s0;
	s1 =	sshll.u32 s1, $0x11  }
0xbf: {  	s0 =	sor.u32 s1, s0  }
0xc0: {  	s0 =	sadd.s32 $0x8F2B, s0  }
0xc1: {  	[sflag:s0] =	ssyncadd.remote.s32 $0x1  }
0xc2: {  	_ =	sfence.sel $0xFFFF  }
0xc3: {  	[dreg:$0x0] =	wrdreg $0xFFFFFFFF;
	(pc) =	sbr.abs _section_cstart, $3  }
0xc4: {  	[dreg:$0x1] =	wrdreg $0xFFFFFFFF  }
0xc5: {  	_ =	task.clear_ibuf [dreg:s9], $0x2FFFF;
	_ =	strace $0x9FFFFFFF  }
0xc6: {  	(tm) =	ssettm $0x7FFFFFFF  }
0xc7: {  	_ =	shalt  }
tec
execute0_lowered:
.L_overlay_start_1:
0x0: {  	(tag) =	ssettag $0x1  }
0x1: {  	s6 =	rddreg [dreg:$0x0]  }
0x2: {  	s4 =	rddreg [dreg:$0x1]  }
0x3: {  	s5 =	rddreg [dreg:$0x2]  }
0x4: {  	s10 =	rddreg [dreg:$0x3]  }
0x5: {  	s0 =	rddreg [dreg:$0x4];
	s2 =	simm.s32 $0x0;
	s3 =	srdreg.scid  }
0x6: {  	s1 =	stileid.u32;
	s13 =	simm.s32 $0x5;
	s14 =	simm.s32 $0x200  }
0x7: {  	s15 =	simm.s32 $0x400;
	s16 =	simm.s32 $0x600;
	s17 =	simm.s32 $0x1  }
0x8: {  	s18 =	simm.s32 $0x2;
	s19 =	simm.s32 $0x3;
	[smem:$0x7FF] =	sst s2  }
0x9: {  	s3 =	sand.u32 $0x1, s3;
	s7 =	sshll.u32 s1, $0x7;
	s20 =	sadd.s32 $0xA000, s10  }
0xa: {  	s22 =	sadd.s32 $0xA800, s10;
	s8 =	sshll.u32 s3, $0x6;
	s9 =	ssub.s32 $0x2, s3  }
0xb: {  	_ =	strace $0x80000047;
	s3 =	sadd.s32 $0x400, s10;
	s21 =	sor.u32 s8, s7  }
0xc: {  	s31 =	sshrl.u32 s9, $0x1;
	s7 =	sadd.s32 $0x34D4, s10;
	s8 =	sadd.s32 $0x65A8, s10  }
0xd: {  	s11 =	sadd.s32 s21, s10;
	s12 =	ssub.s32 s9, s31;
	s4 =	sadd.s32 s4, s21  }
0xe: {  	s5 =	sadd.s32 s5, s21;
	s6 =	sadd.s32 s6, s21;
	s20 =	sadd.s32 s21, s20  }
0xf: {  	s21 =	sadd.s32 s21, s22;
	s22 =	simm.s32 $0x4;
	s9 =	sadd.s32 $0x9800, s11  }
0x10: {  	v0 =	vimm.s32 $0x0;
	s10 =	smax.u32 s12, $0x1;
	s11 =	simm.s32 $0x800;
	s12 =	simm.s32 $0xA00  }
.LBB2_1:
0x11: {  	[tilespmem:s11], [sflag:$0x1] =	stream.linear.gather [hbm4b:s4+s2], $0x200, $0x38;
	[tilespmem:$0xC00] =	vst v63  }
0x12: {  	_ = 	snop  }
0x13: {  	[tilespmem:s12], [sflag:$0x1] =	stream.linear.gather [hbm4b:s5+s2], $0x200, $0x38;
	[tilespmem:$0xC00] =	vst v63  }
0x14: {  	_ = 	snop  }
0x15: {  	[tilespmem:s2], [sflag:$0x5] =	stream.linear.gather [hbm4b:s6+s2], $0x200, $0x38;
	[tilespmem:$0xC00] =	vst v63  }
0x16: {  	_ =	swait.ge [sflag:s13], $0x200  }
0x17: {  	[sflag:s13] =	ssyncset.done $0x0  }
0x18: {  	[sflag:s13] =	ssyncadd.s32 $0xFFFFFE00  }
0x19: {  	[tilespmem:s14], [sflag:$0x2] =	stream.indirect.gather [hbm4b:s3+s14], $0x1, s2, s14, $0xb8;
	[tilespmem:$0xC00] =	vst v63  }
0x1a: {  	_ = 	snop  }
0x1b: {  	[tilespmem:s15], [sflag:$0x3] =	stream.indirect.gather [hbm4b:s7+s14], $0x1, s2, s14, $0xb8;
	[tilespmem:$0xC00] =	vst v63  }
0x1c: {  	_ = 	snop  }
0x1d: {  	[tilespmem:s16], [sflag:$0x3] =	stream.indirect.gather [hbm4b:s8+s14], $0x1, s2, s14, $0xb8;
	[tilespmem:$0xC00] =	vst v63  }
0x1e: {  	_ =	swait.ge [sflag:s17], $0x200  }
0x1f: {  	[sflag:s17] =	ssyncset.done $0x0  }
0x20: {  	[sflag:s17] =	ssyncadd.s32 $0xFFFFFE00  }
0x21: {  	_ =	swait.ge [sflag:s17], $0x200  }
0x22: {  	[sflag:s17] =	ssyncset.done $0x0  }
0x23: {  	[sflag:s17] =	ssyncadd.s32 $0xFFFFFE00  }
0x24: {  	v1 =	vld [tilespmem:$0x800];
	_ =	sdelay $0x4  }
0x25: {  	v1 =	vmul.f32 $5.000000000e+03, v1;
	_ =	sdelay $0x1  }
0x26: {  	(erf) = vrcp.f32 v1;
	_ =	sdelay $0x4  }
0x27: {  	v1 =	vld [tilespmem:$0xA00];
	_ =	sdelay $0x3  }
0x28: {  	v2 =	vpop (erf)  }
0x29: {  	v1 =	vmul.f32 v2, v1;
	_ =	sdelay $0x1  }
0x2a: {  	v1 =	vadd.f32 $9.999999970e-07, v1;
	_ =	sdelay $0x1  }
0x2b: {  	v2 =	vand.u32 $0x7FFFFF, v1  }
0x2c: {  	v3 =	vld [tilespmem:$0x810];
	v2 =	vor.u32 $0x3F800000, v2  }
0x2d: {  	v4 =	vmul.f32 $5.000000000e-01, v2  }
0x2e: {  	vm0 =	vgt.f32 v2, $1.414213540e+00  }
0x2f: {  	v10 =	vsel vm0, v4, v2  }
0x30: {  	v2 =	vadd.f32 $1.000000000e+00, v10  }
0x31: {  	v3 =	vmul.f32 $5.000000000e+03, v3  }
0x32: {  	(erf) = vrcp.f32 v2  }
0x33: {  	(erf) = vrcp.f32 v3;
	_ =	sdelay $0x4  }
0x34: {  	v2 =	vld [tilespmem:$0xA10];
	_ =	sdelay $0x2  }
0x35: {  	v24 =	vpop (erf)  }
0x36: {  	v3 =	vpop (erf)  }
0x37: {  	v2 =	vmul.f32 v3, v2;
	_ =	sdelay $0x1  }
0x38: {  	v2 =	vadd.f32 $9.999999970e-07, v2;
	_ =	sdelay $0x1  }
0x39: {  	v3 =	vand.u32 $0x7FFFFF, v2  }
0x3a: {  	v33 =	vld [tilespmem:$0x820];
	v3 =	vor.u32 $0x3F800000, v3  }
0x3b: {  	v5 =	vmul.f32 $5.000000000e-01, v3  }
0x3c: {  	vm2 =	vgt.f32 v3, $1.414213540e+00  }
0x3d: {  	v53 =	vsel vm2, v5, v3  }
0x3e: {  	v3 =	vadd.f32 $1.000000000e+00, v53  }
0x3f: {  	v4 =	vmul.f32 $5.000000000e+03, v33  }
0x40: {  	(erf) = vrcp.f32 v3  }
0x41: {  	(erf) = vrcp.f32 v4;
	_ =	sdelay $0x4  }
0x42: {  	v3 =	vld [tilespmem:$0xA20];
	_ =	sdelay $0x2  }
0x43: {  	v54 =	vpop (erf)  }
0x44: {  	v4 =	vpop (erf)  }
0x45: {  	v3 =	vmul.f32 v4, v3;
	_ =	sdelay $0x1  }
0x46: {  	v3 =	vadd.f32 $9.999999970e-07, v3;
	_ =	sdelay $0x1  }
0x47: {  	v34 =	vand.u32 $0x7FFFFF, v3  }
0x48: {  	v35 =	vld [tilespmem:$0x830];
	v4 =	vor.u32 $0x3F800000, v34  }
0x49: {  	v6 =	vmul.f32 $5.000000000e-01, v4  }
0x4a: {  	vm1 =	vgt.f32 v4, $1.414213540e+00  }
0x4b: {  	v9 =	vsel vm1, v6, v4  }
0x4c: {  	v4 =	vadd.f32 $1.000000000e+00, v9  }
0x4d: {  	v5 =	vmul.f32 $5.000000000e+03, v35  }
0x4e: {  	(erf) = vrcp.f32 v4  }
0x4f: {  	(erf) = vrcp.f32 v5;
	_ =	sdelay $0x4  }
0x50: {  	v36 =	vld [tilespmem:$0xA30];
	_ =	sdelay $0x2  }
0x51: {  	v28 =	vpop (erf)  }
0x52: {  	v5 =	vpop (erf)  }
0x53: {  	v4 =	vmul.f32 v5, v36;
	_ =	sdelay $0x1  }
0x54: {  	v4 =	vadd.f32 $9.999999970e-07, v4;
	_ =	sdelay $0x1  }
0x55: {  	v37 =	vand.u32 $0x7FFFFF, v4  }
0x56: {  	v38 =	vld [tilespmem:$0x840];
	v5 =	vor.u32 $0x3F800000, v37  }
0x57: {  	v7 =	vmul.f32 $5.000000000e-01, v5  }
0x58: {  	vm5 =	vgt.f32 v5, $1.414213540e+00  }
0x59: {  	v27 =	vsel vm5, v7, v5  }
0x5a: {  	v5 =	vadd.f32 $1.000000000e+00, v27  }
0x5b: {  	v6 =	vmul.f32 $5.000000000e+03, v38  }
0x5c: {  	(erf) = vrcp.f32 v5  }
0x5d: {  	(erf) = vrcp.f32 v6;
	_ =	sdelay $0x4  }
0x5e: {  	v39 =	vld [tilespmem:$0xA40];
	_ =	sdelay $0x2  }
0x5f: {  	v35 =	vpop (erf)  }
0x60: {  	v6 =	vpop (erf)  }
0x61: {  	v5 =	vmul.f32 v6, v39;
	_ =	sdelay $0x1  }
0x62: {  	v5 =	vadd.f32 $9.999999970e-07, v5;
	_ =	sdelay $0x1  }
0x63: {  	v40 =	vand.u32 $0x7FFFFF, v5  }
0x64: {  	v41 =	vld [tilespmem:$0x850];
	v6 =	vor.u32 $0x3F800000, v40  }
0x65: {  	v8 =	vmul.f32 $5.000000000e-01, v6  }
0x66: {  	vm15 =	vgt.f32 v6, $1.414213540e+00  }
0x67: {  	v34 =	vsel vm15, v8, v6  }
0x68: {  	v6 =	vadd.f32 $1.000000000e+00, v34  }
0x69: {  	v7 =	vmul.f32 $5.000000000e+03, v41  }
0x6a: {  	(erf) = vrcp.f32 v6  }
0x6b: {  	(erf) = vrcp.f32 v7;
	_ =	sdelay $0x4  }
0x6c: {  	v42 =	vld [tilespmem:$0xA50];
	_ =	sdelay $0x2  }
0x6d: {  	v16 =	vpop (erf)  }
0x6e: {  	v7 =	vpop (erf)  }
0x6f: {  	v6 =	vmul.f32 v7, v42;
	_ =	sdelay $0x1  }
0x70: {  	v13 =	vadd.f32 $9.999999970e-07, v6;
	_ =	sdelay $0x1  }
0x71: {  	v6 =	vand.u32 $0x7FFFFF, v13  }
0x72: {  	v43 =	vld [tilespmem:$0x860];
	v6 =	vor.u32 $0x3F800000, v6  }
0x73: {  	v44 =	vmul.f32 $5.000000000e-01, v6  }
0x74: {  	vm8 =	vgt.f32 v6, $1.414213540e+00  }
0x75: {  	v51 =	vsel vm8, v44, v6  }
0x76: {  	v6 =	vadd.f32 $1.000000000e+00, v51  }
0x77: {  	v7 =	vmul.f32 $5.000000000e+03, v43  }
0x78: {  	(erf) = vrcp.f32 v6  }
0x79: {  	(erf) = vrcp.f32 v7;
	_ =	sdelay $0x4  }
0x7a: {  	v45 =	vld [tilespmem:$0xA60];
	_ =	sdelay $0x2  }
0x7b: {  	v52 =	vpop (erf)  }
0x7c: {  	v7 =	vpop (erf)  }
0x7d: {  	v6 =	vmul.f32 v7, v45;
	_ =	sdelay $0x1  }
0x7e: {  	v7 =	vadd.f32 $9.999999970e-07, v6;
	_ =	sdelay $0x1  }
0x7f: {  	v6 =	vand.u32 $0x7FFFFF, v7  }
0x80: {  	v46 =	vld [tilespmem:$0x870];
	v6 =	vor.u32 $0x3F800000, v6  }
0x81: {  	v11 =	vmul.f32 $5.000000000e-01, v6  }
0x82: {  	vm3 =	vgt.f32 v6, $1.414213540e+00  }
0x83: {  	v41 =	vsel vm3, v11, v6  }
0x84: {  	v6 =	vadd.f32 $1.000000000e+00, v41  }
0x85: {  	v8 =	vmul.f32 $5.000000000e+03, v46  }
0x86: {  	(erf) = vrcp.f32 v6  }
0x87: {  	(erf) = vrcp.f32 v8;
	_ =	sdelay $0x4  }
0x88: {  	v47 =	vld [tilespmem:$0xA70];
	_ =	sdelay $0x2  }
0x89: {  	v21 =	vpop (erf)  }
0x8a: {  	v8 =	vpop (erf)  }
0x8b: {  	v6 =	vmul.f32 v8, v47;
	_ =	sdelay $0x1  }
0x8c: {  	v8 =	vadd.f32 $9.999999970e-07, v6;
	_ =	sdelay $0x1  }
0x8d: {  	v6 =	vand.u32 $0x7FFFFF, v8  }
0x8e: {  	v48 =	vld [tilespmem:$0x880];
	v6 =	vor.u32 $0x3F800000, v6  }
0x8f: {  	v12 =	vmul.f32 $5.000000000e-01, v6  }
0x90: {  	vm11 =	vgt.f32 v6, $1.414213540e+00  }
0x91: {  	v6 =	vsel vm11, v12, v6  }
0x92: {  	v12 =	vadd.f32 $1.000000000e+00, v6  }
0x93: {  	v11 =	vmul.f32 $5.000000000e+03, v48  }
0x94: {  	(erf) = vrcp.f32 v12  }
0x95: {  	(erf) = vrcp.f32 v11;
	_ =	sdelay $0x4  }
0x96: {  	v49 =	vld [tilespmem:$0xA80];
	_ =	sdelay $0x2  }
0x97: {  	v44 =	vpop (erf)  }
0x98: {  	v50 =	vpop (erf)  }
0x99: {  	v11 =	vmul.f32 v50, v49;
	_ =	sdelay $0x1  }
0x9a: {  	v12 =	vadd.f32 $9.999999970e-07, v11;
	_ =	sdelay $0x1  }
0x9b: {  	v11 =	vand.u32 $0x7FFFFF, v12  }
0x9c: {  	v14 =	vld [tilespmem:$0x890];
	v11 =	vor.u32 $0x3F800000, v11  }
0x9d: {  	v15 =	vmul.f32 $5.000000000e-01, v11  }
0x9e: {  	vm13 =	vgt.f32 v11, $1.414213540e+00  }
0x9f: {  	v49 =	vsel vm13, v15, v11  }
0xa0: {  	v11 =	vadd.f32 $1.000000000e+00, v49  }
0xa1: {  	v14 =	vmul.f32 $5.000000000e+03, v14  }
0xa2: {  	(erf) = vrcp.f32 v11  }
0xa3: {  	(erf) = vrcp.f32 v14;
	_ =	sdelay $0x4  }
0xa4: {  	v55 =	vld [tilespmem:$0xA90];
	_ =	sdelay $0x2  }
0xa5: {  	v23 =	vpop (erf)  }
0xa6: {  	v14 =	vpop (erf)  }
0xa7: {  	v11 =	vmul.f32 v14, v55;
	_ =	sdelay $0x1  }
0xa8: {  	v20 =	vadd.f32 $9.999999970e-07, v11;
	_ =	sdelay $0x1  }
0xa9: {  	v11 =	vand.u32 $0x7FFFFF, v20  }
0xaa: {  	v56 =	vld [tilespmem:$0x8A0];
	v11 =	vor.u32 $0x3F800000, v11  }
0xab: {  	v57 =	vmul.f32 $5.000000000e-01, v11  }
0xac: {  	vm14 =	vgt.f32 v11, $1.414213540e+00  }
0xad: {  	v48 =	vsel vm14, v57, v11  }
0xae: {  	v11 =	vadd.f32 $1.000000000e+00, v48  }
0xaf: {  	v14 =	vmul.f32 $5.000000000e+03, v56  }
0xb0: {  	(erf) = vrcp.f32 v11  }
0xb1: {  	(erf) = vrcp.f32 v14;
	_ =	sdelay $0x4  }
0xb2: {  	v58 =	vld [tilespmem:$0xAA0];
	_ =	sdelay $0x2  }
0xb3: {  	v50 =	vpop (erf)  }
0xb4: {  	v14 =	vpop (erf)  }
0xb5: {  	v11 =	vmul.f32 v14, v58;
	_ =	sdelay $0x1  }
0xb6: {  	v18 =	vadd.f32 $9.999999970e-07, v11;
	_ =	sdelay $0x1  }
0xb7: {  	v11 =	vand.u32 $0x7FFFFF, v18  }
0xb8: {  	v59 =	vld [tilespmem:$0x8B0];
	v11 =	vor.u32 $0x3F800000, v11  }
0xb9: {  	v60 =	vmul.f32 $5.000000000e-01, v11  }
0xba: {  	vm10 =	vgt.f32 v11, $1.414213540e+00  }
0xbb: {  	v46 =	vsel vm10, v60, v11  }
0xbc: {  	v11 =	vadd.f32 $1.000000000e+00, v46  }
0xbd: {  	v14 =	vmul.f32 $5.000000000e+03, v59  }
0xbe: {  	(erf) = vrcp.f32 v11  }
0xbf: {  	(erf) = vrcp.f32 v14;
	_ =	sdelay $0x4  }
0xc0: {  	v61 =	vld [tilespmem:$0xAB0];
	_ =	sdelay $0x2  }
0xc1: {  	v47 =	vpop (erf)  }
0xc2: {  	v14 =	vpop (erf)  }
0xc3: {  	v11 =	vmul.f32 v14, v61;
	_ =	sdelay $0x1  }
0xc4: {  	v29 =	vadd.f32 $9.999999970e-07, v11;
	_ =	sdelay $0x1  }
0xc5: {  	v11 =	vand.u32 $0x7FFFFF, v29  }
0xc6: {  	v62 =	vld [tilespmem:$0x8C0];
	v11 =	vor.u32 $0x3F800000, v11  }
0xc7: {  	v63 =	vmul.f32 $5.000000000e-01, v11  }
0xc8: {  	vm12 =	vgt.f32 v11, $1.414213540e+00  }
0xc9: {  	v45 =	vsel vm12, v63, v11  }
0xca: {  	v11 =	vadd.f32 $1.000000000e+00, v45  }
0xcb: {  	v14 =	vmul.f32 $5.000000000e+03, v62  }
0xcc: {  	(erf) = vrcp.f32 v11  }
0xcd: {  	(erf) = vrcp.f32 v14;
	_ =	sdelay $0x4  }
0xce: {  	v17 =	vld [tilespmem:$0xAC0];
	_ =	sdelay $0x2  }
0xcf: {  	v38 =	vpop (erf)  }
0xd0: {  	v14 =	vpop (erf)  }
0xd1: {  	v11 =	vmul.f32 v14, v17;
	_ =	sdelay $0x1  }
0xd2: {  	v22 =	vadd.f32 $9.999999970e-07, v11;
	_ =	sdelay $0x1  }
0xd3: {  	v11 =	vand.u32 $0x7FFFFF, v22  }
0xd4: {  	v19 =	vld [tilespmem:$0x8D0];
	v11 =	vor.u32 $0x3F800000, v11  }
0xd5: {  	v25 =	vmul.f32 $5.000000000e-01, v11  }
0xd6: {  	vm7 =	vgt.f32 v11, $1.414213540e+00  }
0xd7: {  	v42 =	vsel vm7, v25, v11  }
0xd8: {  	v11 =	vadd.f32 $1.000000000e+00, v42  }
0xd9: {  	v14 =	vmul.f32 $5.000000000e+03, v19  }
0xda: {  	(erf) = vrcp.f32 v11  }
0xdb: {  	(erf) = vrcp.f32 v14;
	_ =	sdelay $0x4  }
0xdc: {  	v26 =	vld [tilespmem:$0xAD0];
	_ =	sdelay $0x2  }
0xdd: {  	v43 =	vpop (erf)  }
0xde: {  	v14 =	vpop (erf)  }
0xdf: {  	v11 =	vmul.f32 v14, v26;
	_ =	sdelay $0x1  }
0xe0: {  	v19 =	vadd.f32 $9.999999970e-07, v11;
	_ =	sdelay $0x1  }
0xe1: {  	v11 =	vand.u32 $0x7FFFFF, v19  }
0xe2: {  	v30 =	vld [tilespmem:$0x8E0];
	v11 =	vor.u32 $0x3F800000, v11  }
0xe3: {  	v31 =	vmul.f32 $5.000000000e-01, v11  }
0xe4: {  	vm9 =	vgt.f32 v11, $1.414213540e+00  }
0xe5: {  	v40 =	vsel vm9, v31, v11  }
0xe6: {  	v11 =	vadd.f32 $1.000000000e+00, v40  }
0xe7: {  	v14 =	vmul.f32 $5.000000000e+03, v30  }
0xe8: {  	(erf) = vrcp.f32 v11  }
0xe9: {  	(erf) = vrcp.f32 v14;
	_ =	sdelay $0x4  }
0xea: {  	v32 =	vld [tilespmem:$0xAE0];
	_ =	sdelay $0x2  }
0xeb: {  	v39 =	vpop (erf)  }
0xec: {  	v14 =	vpop (erf)  }
0xed: {  	v11 =	vmul.f32 v14, v32;
	_ =	sdelay $0x1  }
0xee: {  	v17 =	vadd.f32 $9.999999970e-07, v11;
	_ =	sdelay $0x1  }
0xef: {  	v11 =	vand.u32 $0x7FFFFF, v17  }
0xf0: {  	v33 =	vld [tilespmem:$0x8F0];
	v11 =	vor.u32 $0x3F800000, v11  }
0xf1: {  	v37 =	vmul.f32 $5.000000000e-01, v11  }
0xf2: {  	vm6 =	vgt.f32 v11, $1.414213540e+00  }
0xf3: {  	v37 =	vsel vm6, v37, v11  }
0xf4: {  	v11 =	vadd.f32 $1.000000000e+00, v37  }
0xf5: {  	v14 =	vmul.f32 $5.000000000e+03, v33  }
0xf6: {  	(erf) = vrcp.f32 v11  }
0xf7: {  	(erf) = vrcp.f32 v14;
	_ =	sdelay $0x4  }
0xf8: {  	v55 =	vld [tilespmem:$0xAF0];
	_ =	sdelay $0x2  }
0xf9: {  	v36 =	vpop (erf)  }
0xfa: {  	v14 =	vpop (erf)  }
0xfb: {  	v11 =	vmul.f32 v14, v55;
	_ =	sdelay $0x1  }
0xfc: {  	v15 =	vadd.f32 $9.999999970e-07, v11;
	_ =	sdelay $0x1  }
0xfd: {  	v11 =	vand.u32 $0x7FFFFF, v15  }
0xfe: {  	v56 =	vld [tilespmem:$0x900];
	v11 =	vor.u32 $0x3F800000, v11  }
0xff: {  	v25 =	vmul.f32 $5.000000000e-01, v11  }
0x100: {  	vm4 =	vgt.f32 v11, $1.414213540e+00  }
0x101: {  	v33 =	vsel vm4, v25, v11  }
0x102: {  	v11 =	vadd.f32 $1.000000000e+00, v33  }
0x103: {  	v14 =	vmul.f32 $5.000000000e+03, v56  }
0x104: {  	(erf) = vrcp.f32 v11  }
0x105: {  	(erf) = vrcp.f32 v14;
	_ =	sdelay $0x4  }
0x106: {  	v57 =	vld [tilespmem:$0xB00];
	_ =	sdelay $0x2  }
0x107: {  	v32 =	vpop (erf)  }
0x108: {  	v14 =	vpop (erf)  }
0x109: {  	v11 =	vmul.f32 v14, v57;
	_ =	sdelay $0x1  }
0x10a: {  	v14 =	vadd.f32 $9.999999970e-07, v11;
	_ =	sdelay $0x1  }
0x10b: {  	v11 =	vand.u32 $0x7FFFFF, v14  }
0x10c: {  	v58 =	vld [tilespmem:$0x910];
	v11 =	vor.u32 $0x3F800000, v11  }
0x10d: {  	v26 =	vimm.s32 $0x0;
	v59 =	vmul.f32 $5.000000000e-01, v11  }
0x10e: {  	v26 =	vsel vm4, $0xFFFFFFFF, v26;
	vm4 =	vgt.f32 v11, $1.414213540e+00  }
0x10f: {  	v31 =	vsel vm4, v59, v11  }
0x110: {  	v11 =	vadd.f32 $1.000000000e+00, v31  }
0x111: {  	v25 =	vmul.f32 $5.000000000e+03, v58  }
0x112: {  	(erf) = vrcp.f32 v11  }
0x113: {  	(erf) = vrcp.f32 v25;
	_ =	sdelay $0x3  }
0x114: {  	v30 =	vimm.s32 $0x0  }
0x115: {  	v60 =	vld [tilespmem:$0xB10];
	v30 =	vsel vm4, $0xFFFFFFFF, v30;
	_ =	sdelay $0x2  }
0x116: {  	[tilespmem:$0x1FFD0] =	vst v30;
	v30 =	vpop (erf)  }
0x117: {  	v25 =	vpop (erf)  }
0x118: {  	v11 =	vmul.f32 v25, v60;
	_ =	sdelay $0x1  }
0x119: {  	v11 =	vadd.f32 $9.999999970e-07, v11;
	_ =	sdelay $0x1  }
0x11a: {  	v61 =	vand.u32 $0x7FFFFF, v11  }
0x11b: {  	v62 =	vld [tilespmem:$0x920];
	v25 =	vor.u32 $0x3F800000, v61  }
0x11c: {  	v55 =	vmul.f32 $5.000000000e-01, v25  }
0x11d: {  	vm4 =	vgt.f32 v25, $1.414213540e+00  }
0x11e: {  	v25 =	vsel vm4, v55, v25  }
0x11f: {  	v55 =	vadd.f32 $1.000000000e+00, v25  }
0x120: {  	[tilespmem:$0x1FFC0] =	vst v26;
	v26 =	vmul.f32 $5.000000000e+03, v62  }
0x121: {  	(erf) = vrcp.f32 v55  }
0x122: {  	(erf) = vrcp.f32 v26;
	_ =	sdelay $0x4  }
0x123: {  	v63 =	vld [tilespmem:$0xB20]  }
0x124: {  	v10 =	vadd.f32 $-1.000000000e+00, v10;
	v56 =	vimm.s32 $0x0  }
0x125: {  	v56 =	vsel vm4, $0xFFFFFFFF, v56  }
0x126: {  	[tilespmem:$0x1FFE0] =	vst v56;
	v56 =	vmul.f32 v24, v10;
	v26 =	vpop (erf)  }
0x127: {  	v60 =	vpop (erf)  }
0x128: {  	v57 =	vmul.f32 v56, v56;
	v10 =	vmul.f32 v60, v63;
	_ =	sdelay $0x1  }
0x129: {  	v61 =	vmul.f32 $1.111111120e-01, v57;
	v10 =	vadd.f32 $9.999999970e-07, v10;
	_ =	sdelay $0x1  }
0x12a: {  	v24 =	vadd.f32 $1.428571490e-01, v61;
	v62 =	vand.u32 $0x7FFFFF, v10  }
0x12b: {  	v53 =	vadd.f32 $-1.000000000e+00, v53;
	v55 =	vor.u32 $0x3F800000, v62  }
0x12c: {  	v58 =	vld [tilespmem:$0x930];
	v24 =	vmul.f32 v24, v57;
	v60 =	vimm.s32 $0x0;
	vm4 =	vgt.f32 v55, $1.414213540e+00  }
0x12d: {  	v59 =	vmul.f32 $5.000000000e-01, v55;
	v60 =	vsel vm4, $0xFFFFFFFF, v60  }
0x12e: {  	v53 =	vmul.f32 v54, v53;
	v27 =	vadd.f32 $-1.000000000e+00, v27;
	[tilespmem:$0x1FFF0] =	vst v60;
	v60 =	vadd.f32 $2.000000030e-01, v24  }
0x12f: {  	v9 =	vadd.f32 $-1.000000000e+00, v9;
	v51 =	vadd.f32 $-1.000000000e+00, v51;
	v24 =	vsel vm4, v59, v55  }
0x130: {  	v35 =	vmul.f32 v35, v27;
	v55 =	vadd.f32 $1.000000000e+00, v24;
	v59 =	vmul.f32 v60, v57  }
0x131: {  	v51 =	vmul.f32 v52, v51;
	v41 =	vadd.f32 $-1.000000000e+00, v41;
	v58 =	vmul.f32 $5.000000000e+03, v58  }
0x132: {  	v6 =	vadd.f32 $-1.000000000e+00, v6;
	(erf) = vrcp.f32 v55;
	v63 =	vadd.f32 $3.333333430e-01, v59  }
0x133: {  	v49 =	vadd.f32 $-1.000000000e+00, v49;
	v48 =	vadd.f32 $-1.000000000e+00, v48;
	(erf) = vrcp.f32 v58  }
0x134: {  	v60 =	vshrl.u32 v1, $0x17;
	v55 =	vmul.f32 v63, v57;
	v57 =	vmul.f32 v53, v53  }
0x135: {  	v46 =	vadd.f32 $-1.000000000e+00, v46;
	v61 =	vsel vm0, $0x1, v0;
	v62 =	vand.u32 $0xFF, v60  }
0x136: {  	v50 =	vmul.f32 v50, v48;
	v54 =	vadd.s32 v61, v62;
	v63 =	vmul.f32 $1.111111120e-01, v57  }
0x137: {  	v47 =	vmul.f32 v47, v46;
	v42 =	vadd.f32 $-1.000000000e+00, v42;
	v54 =	vadd.s32 $0xFFFFFF81, v54  }
0x138: {  	v37 =	vadd.f32 $-1.000000000e+00, v37;
	v59 =	vld [tilespmem:$0xB30];
	v54 =	vcvt.s32.f32 v54;
	v60 =	vadd.f32 $1.428571490e-01, v63  }
0x139: {  	v42 =	vmul.f32 v43, v42;
	v56 =	vadd.f32 v56, v56;
	v55 =	vadd.f32 $1.000000000e+00, v55  }
0x13a: {  	vm0 =	vlt.f32 v1, $+Inf;
	v58 =	vmul.f32 v28, v9;
	v54 =	vmul.f32 $6.931471820e-01, v54  }
0x13b: {  	vm4 =	vgt.f32 v1, $+Inf;
	v55 =	vmul.f32 v55, v56;
	v9 =	vmul.f32 v60, v57;
	v28 =	vpop (erf)  }
0x13c: {  	v37 =	vmul.f32 v36, v37;
	vm0 =	vmor vm4, vm0;
	v56 =	vmul.f32 v58, v58;
	v60 =	vpop (erf)  }
0x13d: {  	v54 =	vadd.f32 v55, v54;
	v9 =	vadd.f32 $2.000000030e-01, v9;
	v61 =	vmul.f32 v60, v59  }
0x13e: {  	v33 =	vadd.f32 $-1.000000000e+00, v33;
	vm0 =	vmneg vm0;
	v59 =	vmul.f32 $1.111111120e-01, v56  }
0x13f: {  	v1 =	vsel vm0, v1, v54;
	v54 =	vmul.f32 v9, v57;
	v9 =	vadd.f32 $9.999999970e-07, v61  }
0x140: {  	v25 =	vadd.f32 $-1.000000000e+00, v25;
	v60 =	vshrl.u32 v2, $0x17;
	v59 =	vadd.f32 $1.428571490e-01, v59  }
0x141: {  	v55 =	vsel vm2, $0x1, v0;
	v60 =	vand.u32 $0xFF, v60;
	v61 =	vand.u32 $0x7FFFFF, v9  }
0x142: {  	v55 =	vadd.s32 v55, v60;
	v59 =	vmul.f32 v59, v56;
	v60 =	vor.u32 $0x3F800000, v61;
	v61 =	vld [tilespmem:$0x940]  }
0x143: {  	v26 =	vmul.f32 v26, v25;
	v24 =	vadd.f32 $-1.000000000e+00, v24;
	v62 =	vmul.f32 $5.000000000e-01, v60  }
0x144: {  	v54 =	vadd.f32 $3.333333430e-01, v54;
	v59 =	vadd.f32 $2.000000030e-01, v59;
	vm2 =	vgt.f32 v60, $1.414213540e+00  }
0x145: {  	v24 =	vmul.f32 v28, v24;
	v55 =	vadd.s32 $0xFFFFFF81, v55;
	v27 =	vsel vm2, v62, v60  }
0x146: {  	v54 =	vmul.f32 v54, v57;
	v57 =	vmul.f32 v59, v56;
	v59 =	vadd.f32 $1.000000000e+00, v27  }
0x147: {  	v53 =	vadd.f32 v53, v53;
	v55 =	vcvt.s32.f32 v55;
	v61 =	vmul.f32 $5.000000000e+03, v61  }
0x148: {  	v54 =	vadd.f32 $1.000000000e+00, v54;
	v60 =	vmul.f32 v35, v35;
	(erf) = vrcp.f32 v59  }
0x149: {  	vm4 =	vgt.f32 v2, $+Inf;
	v63 =	vmul.f32 $6.931471820e-01, v55;
	(erf) = vrcp.f32 v61  }
0x14a: {  	vm0 =	vlt.f32 v2, $+Inf;
	v53 =	vmul.f32 v54, v53;
	v59 =	vmul.f32 $1.111111120e-01, v60  }
0x14b: {  	vm0 =	vmor vm4, vm0;
	vm4 =	vgt.f32 v3, $+Inf;
	v57 =	vadd.f32 $3.333333430e-01, v57  }
0x14c: {  	v62 =	vshrl.u32 v3, $0x17;
	v53 =	vadd.f32 v53, v63;
	v59 =	vadd.f32 $1.428571490e-01, v59  }
0x14d: {  	v63 =	vand.u32 $0xFF, v62;
	v61 =	vsel vm1, $0x1, v0;
	v55 =	vmul.f32 v57, v56  }
0x14e: {  	v57 =	vld [tilespmem:$0xB40];
	v54 =	vadd.s32 v61, v63;
	v61 =	vadd.f32 v58, v58;
	v62 =	vmul.f32 v59, v60  }
0x14f: {  	vm0 =	vmneg vm0;
	v35 =	vadd.f32 v35, v35;
	v27 =	vadd.f32 $-1.000000000e+00, v27  }
0x150: {  	v63 =	vadd.s32 $0xFFFFFF81, v54;
	v55 =	vadd.f32 $1.000000000e+00, v55;
	v56 =	vadd.f32 $2.000000030e-01, v62  }
0x151: {  	v2 =	vsel vm0, v2, v53;
	v53 =	vcvt.s32.f32 v63;
	v62 =	vadd.f32 $-1.000000000e+00, v34;
	v34 =	vpop (erf)  }
0x152: {  	vm0 =	vlt.f32 v3, $+Inf;
	v54 =	vmul.f32 v55, v61;
	v63 =	vmul.f32 v56, v60;
	v61 =	vpop (erf)  }
0x153: {  	vm0 =	vmor vm4, vm0;
	v58 =	vmul.f32 v16, v62;
	v16 =	vmul.f32 v61, v57  }
0x154: {  	vm1 =	vlt.f32 v13, $+Inf;
	vm4 =	vgt.f32 v4, $+Inf;
	vm0 =	vmneg vm0  }
0x155: {  	v53 =	vmul.f32 $6.931471820e-01, v53;
	v55 =	vadd.f32 $3.333333430e-01, v63;
	v16 =	vadd.f32 $9.999999970e-07, v16  }
0x156: {  	v56 =	vsel vm5, $0x1, v0;
	v62 =	vshrl.u32 v4, $0x17;
	v57 =	vmul.f32 v58, v58  }
0x157: {  	v63 =	vand.u32 $0xFF, v62;
	v55 =	vmul.f32 v55, v60;
	v62 =	vand.u32 $0x7FFFFF, v16  }
0x158: {  	v53 =	vadd.f32 v54, v53;
	v60 =	vld [tilespmem:$0x950];
	v61 =	vmul.f32 $1.111111120e-01, v57;
	v59 =	vor.u32 $0x3F800000, v62  }
0x159: {  	v54 =	vadd.s32 v56, v63;
	v55 =	vadd.f32 $1.000000000e+00, v55;
	v63 =	vmul.f32 $5.000000000e-01, v59  }
0x15a: {  	v3 =	vsel vm0, v3, v53;
	v56 =	vadd.f32 $1.428571490e-01, v61;
	vm5 =	vgt.f32 v59, $1.414213540e+00  }
0x15b: {  	vm0 =	vlt.f32 v4, $+Inf;
	v53 =	vmul.f32 v55, v35;
	v35 =	vsel vm5, v63, v59  }
0x15c: {  	v54 =	vadd.s32 $0xFFFFFF81, v54;
	v61 =	vmul.f32 v56, v57;
	v62 =	vadd.f32 $1.000000000e+00, v35  }
0x15d: {  	vm0 =	vmor vm4, vm0;
	v54 =	vcvt.s32.f32 v54;
	v59 =	vmul.f32 $5.000000000e+03, v60  }
0x15e: {  	vm4 =	vgt.f32 v5, $+Inf;
	v63 =	vadd.f32 $2.000000030e-01, v61;
	(erf) = vrcp.f32 v62  }
0x15f: {  	vm0 =	vmneg vm0;
	v54 =	vmul.f32 $6.931471820e-01, v54;
	(erf) = vrcp.f32 v59  }
0x160: {  	v55 =	vmul.f32 v51, v51;
	v51 =	vadd.f32 v51, v51;
	v60 =	vmul.f32 v63, v57  }
0x161: {  	v53 =	vadd.f32 v53, v54;
	v61 =	vsel vm15, $0x1, v0;
	vm15 =	vlt.f32 v5, $+Inf  }
0x162: {  	v63 =	vmul.f32 $1.111111120e-01, v55;
	v62 =	vshrl.u32 v5, $0x17;
	v52 =	vadd.f32 $3.333333430e-01, v60  }
0x163: {  	v4 =	vsel vm0, v4, v53;
	v54 =	vand.u32 $0xFF, v62;
	v60 =	vadd.f32 v58, v58  }
0x164: {  	v56 =	vadd.f32 $1.428571490e-01, v63;
	v58 =	vmul.f32 v21, v41;
	v52 =	vmul.f32 v52, v57;
	v57 =	vld [tilespmem:$0xB50]  }
0x165: {  	vm0 =	vmor vm4, vm15;
	vm15 =	vgt.f32 v13, $+Inf;
	v53 =	vadd.s32 v61, v54  }
0x166: {  	v53 =	vadd.s32 $0xFFFFFF81, v53;
	v61 =	vmul.f32 v56, v55;
	v59 =	vmul.f32 v58, v58  }
0x167: {  	vm1 =	vmor vm15, vm1;
	vm0 =	vmneg vm0;
	v53 =	vcvt.s32.f32 v53;
	v41 =	vpop (erf)  }
0x168: {  	v52 =	vadd.f32 $1.000000000e+00, v52;
	v21 =	vadd.f32 $2.000000030e-01, v61;
	v61 =	vmul.f32 $1.111111120e-01, v59;
	v54 =	vpop (erf)  }
0x169: {  	vm15 =	vlt.f32 v7, $+Inf;
	v53 =	vmul.f32 $6.931471820e-01, v53;
	v54 =	vmul.f32 v54, v57  }
0x16a: {  	v62 =	vshrl.u32 v13, $0x17;
	v52 =	vmul.f32 v52, v60;
	v57 =	vmul.f32 v21, v55  }
0x16b: {  	v56 =	vsel vm8, $0x1, v0;
	v61 =	vadd.f32 $1.428571490e-01, v61;
	v21 =	vadd.f32 $9.999999970e-07, v54  }
0x16c: {  	v52 =	vadd.f32 v52, v53;
	v53 =	vand.u32 $0xFF, v62;
	v63 =	vadd.f32 $3.333333430e-01, v57  }
0x16d: {  	v61 =	vmul.f32 v61, v59;
	v53 =	vadd.s32 v56, v53;
	v62 =	vand.u32 $0x7FFFFF, v21  }
0x16e: {  	v57 =	vld [tilespmem:$0x960];
	v54 =	vmul.f32 v63, v55;
	v55 =	vmul.f32 v44, v6;
	v6 =	vor.u32 $0x3F800000, v62  }
0x16f: {  	v53 =	vadd.s32 $0xFFFFFF81, v53;
	v44 =	vadd.f32 $2.000000030e-01, v61;
	v56 =	vmul.f32 $5.000000000e-01, v6  }
0x170: {  	v54 =	vadd.f32 $1.000000000e+00, v54;
	v61 =	vmul.f32 v55, v55;
	vm8 =	vgt.f32 v6, $1.414213540e+00  }
0x171: {  	v53 =	vcvt.s32.f32 v53;
	v62 =	vmul.f32 v44, v59;
	v44 =	vsel vm8, v56, v6  }
0x172: {  	v6 =	vmul.f32 v54, v51;
	v51 =	vmul.f32 $1.111111120e-01, v61;
	v63 =	vadd.f32 $1.000000000e+00, v44  }
0x173: {  	vm4 =	vmneg vm1;
	v60 =	vsel vm3, $0x1, v0;
	v57 =	vmul.f32 $5.000000000e+03, v57  }
0x174: {  	v53 =	vmul.f32 $6.931471820e-01, v53;
	v51 =	vadd.f32 $1.428571490e-01, v51;
	(erf) = vrcp.f32 v63  }
0x175: {  	v62 =	vadd.f32 $3.333333430e-01, v62;
	v63 =	vshrl.u32 v7, $0x17;
	(erf) = vrcp.f32 v57  }
0x176: {  	v55 =	vadd.f32 v55, v55;
	v54 =	vand.u32 $0xFF, v63;
	v51 =	vmul.f32 v51, v61  }
0x177: {  	v56 =	vmul.f32 v62, v59;
	v53 =	vadd.f32 v6, v53;
	v60 =	vadd.s32 v60, v54  }
0x178: {  	v62 =	vadd.f32 v58, v58;
	v6 =	vadd.s32 $0xFFFFFF81, v60;
	v51 =	vadd.f32 $2.000000030e-01, v51  }
0x179: {  	v56 =	vadd.f32 $1.000000000e+00, v56;
	v54 =	vmul.f32 v23, v49;
	v63 =	vcvt.s32.f32 v6  }
0x17a: {  	v6 =	vsel vm0, v5, v52;
	v5 =	vsel vm4, v13, v53;
	v53 =	vld [tilespmem:$0xB60];
	v51 =	vmul.f32 v51, v61  }
0x17b: {  	v59 =	vmul.f32 v56, v62;
	v62 =	vshrl.u32 v8, $0x17;
	v56 =	vmul.f32 v50, v50  }
0x17c: {  	v50 =	vadd.f32 v50, v50;
	v60 =	vmul.f32 $6.931471820e-01, v63;
	v51 =	vadd.f32 $3.333333430e-01, v51  }
0x17d: {  	vm4 =	vgt.f32 v7, $+Inf;
	v52 =	vmul.f32 v54, v54;
	v63 =	vand.u32 $0xFF, v62;
	v49 =	vpop (erf)  }
0x17e: {  	v13 =	vadd.f32 v59, v60;
	v60 =	vsel vm11, $0x1, v0;
	v51 =	vmul.f32 v51, v61;
	v61 =	vpop (erf)  }
0x17f: {  	vm0 =	vmor vm4, vm15;
	v23 =	vadd.s32 v60, v63;
	v53 =	vmul.f32 v61, v53  }
0x180: {  	vm15 =	vgt.f32 v8, $+Inf;
	vm4 =	vlt.f32 v12, $+Inf;
	v23 =	vadd.s32 $0xFFFFFF81, v23  }
0x181: {  	v63 =	vmul.f32 $1.111111120e-01, v52;
	v62 =	vcvt.s32.f32 v23;
	v23 =	vadd.f32 $9.999999970e-07, v53  }
0x182: {  	vm0 =	vmneg vm0;
	v59 =	vmul.f32 $1.111111120e-01, v56;
	v51 =	vadd.f32 $1.000000000e+00, v51  }
0x183: {  	v7 =	vsel vm0, v7, v13;
	v60 =	vadd.f32 $1.428571490e-01, v63;
	v61 =	vand.u32 $0x7FFFFF, v23  }
0x184: {  	v63 =	vld [tilespmem:$0x970];
	v13 =	vmul.f32 v51, v55;
	v51 =	vmul.f32 $6.931471820e-01, v62;
	v62 =	vor.u32 $0x3F800000, v61  }
0x185: {  	vm11 =	vlt.f32 v8, $+Inf;
	v53 =	vmul.f32 v60, v52;
	v55 =	vmul.f32 $5.000000000e-01, v62  }
0x186: {  	vm0 =	vmor vm15, vm11;
	vm15 =	vgt.f32 v20, $+Inf;
	vm11 =	vgt.f32 v62, $1.414213540e+00  }
0x187: {  	vm0 =	vmneg vm0;
	v58 =	vadd.f32 $2.000000030e-01, v53;
	v48 =	vsel vm11, v55, v62  }
0x188: {  	v60 =	vshrl.u32 v12, $0x17;
	v53 =	vadd.f32 $1.428571490e-01, v59;
	v55 =	vadd.f32 $1.000000000e+00, v48  }
0x189: {  	v13 =	vadd.f32 v13, v51;
	v57 =	vmul.f32 $5.000000000e+03, v63;
	v51 =	vmul.f32 v58, v52  }
0x18a: {  	v59 =	vshrl.u32 v20, $0x17;
	v53 =	vmul.f32 v53, v56;
	(erf) = vrcp.f32 v55  }
0x18b: {  	v61 =	vsel vm13, $0x1, v0;
	v8 =	vsel vm0, v8, v13;
	(erf) = vrcp.f32 v57  }
0x18c: {  	v13 =	vand.u32 $0xFF, v60;
	v51 =	vadd.f32 $3.333333430e-01, v51;
	v53 =	vadd.f32 $2.000000030e-01, v53  }
0x18d: {  	vm13 =	vgt.f32 v12, $+Inf;
	v58 =	vadd.f32 v54, v54;
	v13 =	vadd.s32 v61, v13  }
0x18e: {  	v13 =	vadd.s32 $0xFFFFFF81, v13;
	v51 =	vmul.f32 v51, v52;
	v63 =	vmul.f32 v53, v56  }
0x18f: {  	v54 =	vmul.f32 v47, v47;
	v61 =	vand.u32 $0xFF, v59;
	v13 =	vcvt.s32.f32 v13  }
0x190: {  	v60 =	vld [tilespmem:$0xB70];
	v62 =	vsel vm14, $0x1, v0;
	v51 =	vadd.f32 $1.000000000e+00, v51;
	v52 =	vadd.f32 $3.333333430e-01, v63  }
0x191: {  	v53 =	vadd.s32 v62, v61;
	v62 =	vadd.f32 $-1.000000000e+00, v45;
	v13 =	vmul.f32 $6.931471820e-01, v13  }
0x192: {  	v53 =	vadd.s32 $0xFFFFFF81, v53;
	v51 =	vmul.f32 v51, v58;
	v52 =	vmul.f32 v52, v56  }
0x193: {  	vm1 =	vmor vm13, vm4;
	v53 =	vcvt.s32.f32 v53;
	v56 =	vmul.f32 $1.111111120e-01, v54;
	v45 =	vpop (erf)  }
0x194: {  	v52 =	vadd.f32 $1.000000000e+00, v52;
	v13 =	vadd.f32 v51, v13;
	v51 =	vmul.f32 v38, v62;
	v63 =	vpop (erf)  }
0x195: {  	vm1 =	vmneg vm1;
	v62 =	vmul.f32 $6.931471820e-01, v53;
	v60 =	vmul.f32 v63, v60  }
0x196: {  	vm14 =	vlt.f32 v20, $+Inf;
	v61 =	vmul.f32 v52, v50;
	v53 =	vmul.f32 v51, v51  }
0x197: {  	vm0 =	vmor vm15, vm14;
	v63 =	vadd.f32 $1.428571490e-01, v56;
	v38 =	vadd.f32 $9.999999970e-07, v60  }
0x198: {  	vm0 =	vmneg vm0;
	v58 =	vmul.f32 $1.111111120e-01, v53;
	v56 =	vadd.f32 v61, v62  }
0x199: {  	v13 =	vsel vm1, v12, v13;
	v57 =	vmul.f32 v63, v54;
	v59 =	vand.u32 $0x7FFFFF, v38  }
0x19a: {  	v50 =	vadd.f32 $1.428571490e-01, v58;
	v62 =	vld [tilespmem:$0x980];
	v12 =	vsel vm0, v20, v56;
	v52 =	vor.u32 $0x3F800000, v59  }
0x19b: {  	v60 =	vshrl.u32 v18, $0x17;
	v46 =	vadd.f32 $2.000000030e-01, v57;
	v61 =	vmul.f32 $5.000000000e-01, v52  }
0x19c: {  	v63 =	vsel vm10, $0x1, v0;
	v50 =	vmul.f32 v50, v53;
	vm10 =	vgt.f32 v52, $1.414213540e+00  }
0x19d: {  	v20 =	vand.u32 $0xFF, v60;
	v60 =	vmul.f32 v46, v54;
	v46 =	vsel vm10, v61, v52  }
0x19e: {  	v27 =	vmul.f32 v34, v27;
	v35 =	vadd.f32 $-1.000000000e+00, v35;
	v52 =	vadd.f32 $1.000000000e+00, v46  }
0x19f: {  	vm13 =	vlt.f32 v18, $+Inf;
	v50 =	vadd.f32 $2.000000030e-01, v50;
	v62 =	vmul.f32 $5.000000000e+03, v62  }
0x1a0: {  	v47 =	vadd.f32 v47, v47;
	vm14 =	vgt.f32 v18, $+Inf;
	(erf) = vrcp.f32 v52  }
0x1a1: {  	v50 =	vmul.f32 v50, v53;
	v61 =	vadd.f32 $3.333333430e-01, v60;
	(erf) = vrcp.f32 v62  }
0x1a2: {  	vm15 =	vlt.f32 v29, $+Inf;
	v51 =	vadd.f32 v51, v51;
	v20 =	vadd.s32 v63, v20  }
0x1a3: {  	v50 =	vadd.f32 $3.333333430e-01, v50;
	v60 =	vmul.f32 v61, v54;
	v61 =	vshrl.u32 v29, $0x17  }
0x1a4: {  	v63 =	vsel vm12, $0x1, v0;
	v20 =	vadd.s32 $0xFFFFFF81, v20;
	v52 =	vand.u32 $0xFF, v61  }
0x1a5: {  	v20 =	vcvt.s32.f32 v20;
	v50 =	vmul.f32 v50, v53;
	v52 =	vadd.s32 v63, v52  }
0x1a6: {  	v58 =	vadd.f32 $-1.000000000e+00, v40;
	v43 =	vadd.f32 $1.000000000e+00, v60;
	v63 =	vld [tilespmem:$0xB80];
	v52 =	vadd.s32 $0xFFFFFF81, v52  }
0x1a7: {  	v20 =	vmul.f32 $6.931471820e-01, v20;
	v50 =	vadd.f32 $1.000000000e+00, v50;
	v52 =	vcvt.s32.f32 v52  }
0x1a8: {  	vm0 =	vmor vm14, vm13;
	v54 =	vmul.f32 v42, v42;
	v43 =	vmul.f32 v43, v47  }
0x1a9: {  	vm12 =	vgt.f32 v29, $+Inf;
	v50 =	vmul.f32 v50, v51;
	v57 =	vmul.f32 $6.931471820e-01, v52;
	v40 =	vpop (erf)  }
0x1aa: {  	v39 =	vmul.f32 v39, v58;
	vm1 =	vmor vm12, vm15;
	v62 =	vmul.f32 $1.111111120e-01, v54;
	v60 =	vpop (erf)  }
0x1ab: {  	v20 =	vadd.f32 v43, v20;
	v50 =	vadd.f32 v50, v57;
	v47 =	vmul.f32 v60, v63  }
0x1ac: {  	vm0 =	vmneg vm0;
	vm13 =	vmneg vm1;
	v56 =	vadd.f32 $1.428571490e-01, v62  }
0x1ad: {  	v20 =	vsel vm0, v18, v20;
	v18 =	vsel vm13, v29, v50;
	v29 =	vadd.f32 $9.999999970e-07, v47  }
0x1ae: {  	v31 =	vadd.f32 $-1.000000000e+00, v31;
	v41 =	vmul.f32 v41, v35;
	v50 =	vmul.f32 v39, v39  }
0x1af: {  	vm4 =	vlt.f32 v19, $+Inf;
	v59 =	vmul.f32 v56, v54;
	v62 =	vand.u32 $0x7FFFFF, v29  }
0x1b0: {  	vm14 =	vlt.f32 v22, $+Inf;
	v53 =	vld [tilespmem:$0x990];
	v61 =	vmul.f32 $1.111111120e-01, v50;
	v52 =	vor.u32 $0x3F800000, v62  }
0x1b1: {  	v58 =	vshrl.u32 v19, $0x17;
	v43 =	vadd.f32 $2.000000030e-01, v59;
	v63 =	vmul.f32 $5.000000000e-01, v52  }
0x1b2: {  	v47 =	vsel vm7, $0x1, v0;
	v51 =	vadd.f32 $1.428571490e-01, v61;
	vm7 =	vgt.f32 v52, $1.414213540e+00  }
0x1b3: {  	vm15 =	vgt.f32 v22, $+Inf;
	v46 =	vadd.f32 $-1.000000000e+00, v46;
	v36 =	vsel vm7, v63, v52  }
0x1b4: {  	v43 =	vmul.f32 v43, v54;
	v51 =	vmul.f32 v51, v50;
	v61 =	vadd.f32 $1.000000000e+00, v36  }
0x1b5: {  	v53 =	vmul.f32 $5.000000000e+03, v53;
	v56 =	vsel vm9, $0x1, v0;
	vm9 =	vgt.f32 v19, $+Inf  }
0x1b6: {  	v43 =	vadd.f32 $3.333333430e-01, v43;
	v51 =	vadd.f32 $2.000000030e-01, v51;
	(erf) = vrcp.f32 v61  }
0x1b7: {  	v42 =	vadd.f32 v42, v42;
	vm1 =	vmor vm9, vm4;
	(erf) = vrcp.f32 v53  }
0x1b8: {  	vm0 =	vmor vm15, vm14;
	v43 =	vmul.f32 v43, v54;
	v51 =	vmul.f32 v51, v50  }
0x1b9: {  	v59 =	vand.u32 $0xFF, v58;
	v60 =	vshrl.u32 v22, $0x17;
	v52 =	vmul.f32 v37, v37  }
0x1ba: {  	v43 =	vadd.f32 $1.000000000e+00, v43;
	v62 =	vand.u32 $0xFF, v60;
	v51 =	vadd.f32 $3.333333430e-01, v51  }
0x1bb: {  	v39 =	vadd.f32 v39, v39;
	v47 =	vadd.s32 v47, v62;
	v63 =	vmul.f32 $1.111111120e-01, v52  }
0x1bc: {  	v42 =	vmul.f32 v43, v42;
	v43 =	vadd.s32 v56, v59;
	v61 =	vld [tilespmem:$0xB90];
	v50 =	vmul.f32 v51, v50  }
0x1bd: {  	v47 =	vadd.s32 $0xFFFFFF81, v47;
	v43 =	vadd.s32 $0xFFFFFF81, v43;
	v57 =	vadd.f32 $1.428571490e-01, v63  }
0x1be: {  	v47 =	vcvt.s32.f32 v47;
	v43 =	vcvt.s32.f32 v43;
	v50 =	vadd.f32 $1.000000000e+00, v50  }
0x1bf: {  	vm1 =	vmneg vm1;
	v51 =	vmul.f32 v32, v33;
	v53 =	vmul.f32 v57, v52;
	v33 =	vpop (erf)  }
0x1c0: {  	vm14 =	vgt.f32 v17, $+Inf;
	v63 =	vmul.f32 v50, v39;
	v50 =	vmul.f32 $6.931471820e-01, v43;
	v55 =	vpop (erf)  }
0x1c1: {  	vm15 =	vlt.f32 v15, $+Inf;
	v43 =	vmul.f32 v51, v51;
	v56 =	vmul.f32 v55, v61  }
0x1c2: {  	vm0 =	vmneg vm0;
	v47 =	vmul.f32 $6.931471820e-01, v47;
	v60 =	vadd.f32 $2.000000030e-01, v53  }
0x1c3: {  	v59 =	vsel vm6, $0x1, v0;
	v58 =	vmul.f32 $1.111111120e-01, v43;
	v32 =	vadd.f32 $9.999999970e-07, v56  }
0x1c4: {  	v37 =	vadd.f32 v37, v37;
	v42 =	vadd.f32 v42, v47;
	v62 =	vmul.f32 v60, v52  }
0x1c5: {  	v39 =	vadd.f32 v63, v50;
	v63 =	vld [tilespmem:$0x9A0];
	v50 =	vadd.f32 $1.428571490e-01, v58;
	v60 =	vand.u32 $0x7FFFFF, v32  }
0x1c6: {  	v57 =	vshrl.u32 v17, $0x17;
	v54 =	vadd.f32 $3.333333430e-01, v62;
	v62 =	vor.u32 $0x3F800000, v60  }
0x1c7: {  	v47 =	vand.u32 $0xFF, v57;
	v61 =	vmul.f32 v50, v43;
	v55 =	vmul.f32 $5.000000000e-01, v62  }
0x1c8: {  	v22 =	vsel vm0, v22, v42;
	v47 =	vadd.s32 v59, v47;
	vm0 =	vgt.f32 v62, $1.414213540e+00  }
0x1c9: {  	v53 =	vmul.f32 v30, v31;
	v56 =	vadd.f32 $2.000000030e-01, v61;
	v30 =	vsel vm0, v55, v62  }
0x1ca: {  	v42 =	vmul.f32 v54, v52;
	v59 =	vmul.f32 $5.000000000e+03, v63;
	v63 =	vld [tilespmem:$0x1FFC0];
	v58 =	vadd.f32 $1.000000000e+00, v30  }
0x1cb: {  	v19 =	vsel vm1, v19, v39;
	v39 =	vmul.f32 v53, v53;
	v31 =	vmul.f32 v56, v43  }
0x1cc: {  	v57 =	vadd.s32 $0xFFFFFF81, v47;
	v42 =	vadd.f32 $1.000000000e+00, v42;
	(erf) = vrcp.f32 v58  }
0x1cd: {  	v61 =	vmul.f32 $1.111111120e-01, v39;
	v31 =	vadd.f32 $3.333333430e-01, v31;
	(erf) = vrcp.f32 v59  }
0x1ce: {  	vm13 =	vlt.f32 v17, $+Inf;
	v37 =	vmul.f32 v42, v37;
	v42 =	vcvt.s32.f32 v57  }
0x1cf: {  	v50 =	vadd.f32 $1.428571490e-01, v61;
	vm12 =	vnez.u8 v63;
	v31 =	vmul.f32 v31, v43  }
0x1d0: {  	v60 =	vshrl.u32 v15, $0x17;
	v42 =	vmul.f32 $6.931471820e-01, v42;
	v47 =	vsel vm12, $0x1, v0  }
0x1d1: {  	v62 =	vand.u32 $0xFF, v60;
	v43 =	vmul.f32 v50, v39;
	v31 =	vadd.f32 $1.000000000e+00, v31  }
0x1d2: {  	v46 =	vmul.f32 v40, v46;
	v54 =	vld [tilespmem:$0xBA0];
	v37 =	vadd.f32 v37, v42;
	v42 =	vadd.s32 v47, v62  }
0x1d3: {  	v52 =	vadd.f32 v51, v51;
	v60 =	vld [tilespmem:$0x1FFD0];
	v42 =	vadd.s32 $0xFFFFFF81, v42;
	v55 =	vadd.f32 $2.000000030e-01, v43  }
0x1d4: {  	vm6 =	vgt.f32 v15, $+Inf;
	v36 =	vadd.f32 $-1.000000000e+00, v36;
	v42 =	vcvt.s32.f32 v42  }
0x1d5: {  	vm1 =	vmor vm14, vm13;
	v47 =	vmul.f32 v31, v52;
	v57 =	vmul.f32 v55, v39;
	v31 =	vpop (erf)  }
0x1d6: {  	vm13 =	vlt.f32 v14, $+Inf;
	vm1 =	vmneg vm1;
	v56 =	vmul.f32 $6.931471820e-01, v42;
	v58 =	vpop (erf)  }
0x1d7: {  	v42 =	vmul.f32 v26, v26;
	v25 =	vadd.f32 $3.333333430e-01, v57;
	v43 =	vmul.f32 v58, v54  }
0x1d8: {  	v63 =	vadd.f32 v53, v53;
	v17 =	vsel vm1, v17, v37;
	vm9 =	vnez.u8 v60  }
0x1d9: {  	v61 =	vmul.f32 $1.111111120e-01, v42;
	v39 =	vmul.f32 v25, v39;
	v25 =	vadd.f32 $9.999999970e-07, v43  }
0x1da: {  	v59 =	vshrl.u32 v14, $0x17;
	v50 =	vsel vm9, $0x1, v0;
	v37 =	vadd.f32 v47, v56  }
0x1db: {  	v57 =	vld [tilespmem:$0x9B0];
	v47 =	vand.u32 $0xFF, v59;
	v55 =	vadd.f32 $1.428571490e-01, v61;
	v56 =	vand.u32 $0x7FFFFF, v25  }
0x1dc: {  	vm1 =	vmor vm6, vm15;
	v47 =	vadd.s32 v50, v47;
	v51 =	vor.u32 $0x3F800000, v56  }
0x1dd: {  	v39 =	vadd.f32 $1.000000000e+00, v39;
	v50 =	vmul.f32 v55, v42;
	v58 =	vmul.f32 $5.000000000e-01, v51  }
0x1de: {  	vm12 =	vmneg vm1;
	v62 =	vadd.s32 $0xFFFFFF81, v47;
	vm1 =	vgt.f32 v51, $1.414213540e+00  }
0x1df: {  	v39 =	vmul.f32 v39, v63;
	v59 =	vadd.f32 $2.000000030e-01, v50;
	v28 =	vsel vm1, v58, v51  }
0x1e0: {  	v63 =	vmul.f32 $5.000000000e+03, v57;
	v50 =	vmul.f32 v24, v24;
	v61 =	vadd.f32 $1.000000000e+00, v28  }
0x1e1: {  	vm15 =	vgt.f32 v14, $+Inf;
	v60 =	vmul.f32 v59, v42;
	v43 =	vcvt.s32.f32 v62  }
0x1e2: {  	v15 =	vsel vm12, v15, v37;
	v62 =	vmul.f32 $1.111111120e-01, v50;
	(erf) = vrcp.f32 v61  }
0x1e3: {  	v55 =	vld [tilespmem:$0x1FFE0];
	v37 =	vadd.f32 $3.333333430e-01, v60;
	v43 =	vmul.f32 $6.931471820e-01, v43;
	(erf) = vrcp.f32 v63  }
0x1e4: {  	v36 =	vmul.f32 v33, v36;
	v53 =	vadd.f32 v24, v24;
	vm3 =	vmor vm15, vm13  }
0x1e5: {  	v37 =	vmul.f32 v37, v42;
	v39 =	vadd.f32 v39, v43;
	v43 =	vadd.f32 $1.428571490e-01, v62  }
0x1e6: {  	vm3 =	vmneg vm3;
	v26 =	vadd.f32 v26, v26;
	vm9 =	vlt.f32 v11, $+Inf  }
0x1e7: {  	v54 =	vshrl.u32 v11, $0x17;
	v62 =	vld [tilespmem:$0x1FFF0];
	v37 =	vadd.f32 $1.000000000e+00, v37;
	v43 =	vmul.f32 v43, v50  }
0x1e8: {  	vm12 =	vgt.f32 v11, $+Inf;
	v57 =	vld [tilespmem:$0xBB0];
	v47 =	vand.u32 $0xFF, v54;
	vm14 =	vnez.u8 v55  }
0x1e9: {  	v60 =	vshrl.u32 v10, $0x17;
	v51 =	vsel vm14, $0x1, v0;
	v43 =	vadd.f32 $2.000000030e-01, v43  }
0x1ea: {  	v34 =	vand.u32 $0xFF, v60;
	v14 =	vsel vm3, v14, v39;
	v56 =	vadd.s32 v51, v47  }
0x1eb: {  	v26 =	vmul.f32 v37, v26;
	v42 =	vadd.s32 $0xFFFFFF81, v56;
	v59 =	vmul.f32 v43, v50;
	v37 =	vpop (erf)  }
0x1ec: {  	v51 =	vmul.f32 v27, v27;
	v42 =	vcvt.s32.f32 v42;
	vm13 =	vnez.u8 v62;
	v63 =	vpop (erf)  }
0x1ed: {  	v43 =	vsel vm13, $0x1, v0;
	v61 =	vadd.f32 $3.333333430e-01, v59;
	v52 =	vmul.f32 v63, v57  }
0x1ee: {  	v54 =	vmul.f32 $1.111111120e-01, v51;
	v58 =	vmul.f32 $6.931471820e-01, v42;
	v34 =	vadd.s32 v43, v34  }
0x1ef: {  	v34 =	vadd.s32 $0xFFFFFF81, v34;
	v42 =	vmul.f32 v61, v50;
	v24 =	vadd.f32 $9.999999970e-07, v52  }
0x1f0: {  	vm3 =	vmor vm12, vm9;
	v55 =	vadd.f32 $1.428571490e-01, v54;
	v34 =	vcvt.s32.f32 v34  }
0x1f1: {  	v26 =	vadd.f32 v26, v58;
	v42 =	vadd.f32 $1.000000000e+00, v42;
	v43 =	vand.u32 $0x7FFFFF, v24  }
0x1f2: {  	v56 =	vld [tilespmem:$0x9C0];
	v39 =	vmul.f32 v55, v51;
	v34 =	vmul.f32 $6.931471820e-01, v34;
	v43 =	vor.u32 $0x3F800000, v43  }
0x1f3: {  	vm3 =	vmneg vm3;
	v42 =	vmul.f32 v42, v53;
	v58 =	vmul.f32 $5.000000000e-01, v43  }
0x1f4: {  	v30 =	vadd.f32 $-1.000000000e+00, v30;
	v11 =	vsel vm3, v11, v26;
	vm3 =	vgt.f32 v43, $1.414213540e+00  }
0x1f5: {  	v39 =	vadd.f32 $2.000000030e-01, v39;
	v57 =	vadd.f32 v42, v34;
	v34 =	vsel vm3, v58, v43  }
0x1f6: {  	vm15 =	vgt.f32 v10, $+Inf;
	vm14 =	vlt.f32 v10, $+Inf;
	v60 =	vadd.f32 $1.000000000e+00, v34  }
0x1f7: {  	vm9 =	vlt.f32 v9, $+Inf;
	v47 =	vmul.f32 $5.000000000e+03, v56;
	v59 =	vmul.f32 v39, v51  }
0x1f8: {  	vm12 =	vgt.f32 v9, $+Inf;
	vm4 =	vmor vm15, vm14;
	(erf) = vrcp.f32 v60  }
0x1f9: {  	v39 =	vmul.f32 v41, v41;
	v35 =	vadd.f32 $3.333333430e-01, v59;
	(erf) = vrcp.f32 v47  }
0x1fa: {  	v27 =	vadd.f32 v27, v27;
	vm14 =	vgt.f32 v16, $+Inf;
	v28 =	vadd.f32 $-1.000000000e+00, v28  }
0x1fb: {  	vm6 =	vmneg vm4;
	v62 =	vmul.f32 $1.111111120e-01, v39;
	v35 =	vmul.f32 v35, v51  }
0x1fc: {  	vm4 =	vmor vm12, vm9;
	v61 =	vshrl.u32 v9, $0x17;
	v53 =	vsel vm2, $0x1, v0  }
0x1fd: {  	v63 =	vand.u32 $0xFF, v61;
	v54 =	vadd.f32 $1.428571490e-01, v62;
	v35 =	vadd.f32 $1.000000000e+00, v35  }
0x1fe: {  	vm9 =	vlt.f32 v21, $+Inf;
	v42 =	vadd.s32 v53, v63;
	v52 =	vadd.f32 $-1.000000000e+00, v44;
	v58 =	vld [tilespmem:$0xBC0]  }
0x1ff: {  	vm12 =	vgt.f32 v21, $+Inf;
	v56 =	vadd.s32 $0xFFFFFF81, v42;
	v55 =	vmul.f32 v54, v39  }
0x200: {  	vm4 =	vmneg vm4;
	v26 =	vcvt.s32.f32 v56;
	v43 =	vmul.f32 v49, v52  }
0x201: {  	v10 =	vsel vm6, v10, v57;
	v27 =	vmul.f32 v35, v27;
	v57 =	vadd.f32 $2.000000030e-01, v55;
	v35 =	vpop (erf)  }
0x202: {  	vm13 =	vlt.f32 v16, $+Inf;
	v26 =	vmul.f32 $6.931471820e-01, v26;
	v42 =	vmul.f32 v43, v43;
	v62 =	vpop (erf)  }
0x203: {  	v41 =	vadd.f32 v41, v41;
	v60 =	vmul.f32 v57, v39;
	v44 =	vmul.f32 v62, v58  }
0x204: {  	v55 =	vadd.f32 $-1.000000000e+00, v48;
	v27 =	vadd.f32 v27, v26;
	v59 =	vmul.f32 $1.111111120e-01, v42  }
0x205: {  	vm15 =	vmor vm14, vm13;
	v49 =	vadd.f32 $3.333333430e-01, v60;
	v26 =	vadd.f32 $9.999999970e-07, v44  }
0x206: {  	v61 =	vsel vm5, $0x1, v0;
	v45 =	vmul.f32 v45, v55;
	v47 =	vadd.f32 $1.428571490e-01, v59  }
0x207: {  	v52 =	vshrl.u32 v16, $0x17;
	v39 =	vmul.f32 v49, v39;
	v57 =	vand.u32 $0x7FFFFF, v26  }
0x208: {  	v59 =	vld [tilespmem:$0x9D0];
	v63 =	vmul.f32 v47, v42;
	v47 =	vand.u32 $0xFF, v52;
	v58 =	vor.u32 $0x3F800000, v57  }
0x209: {  	v54 =	vadd.s32 v61, v47;
	v39 =	vadd.f32 $1.000000000e+00, v39;
	v61 =	vmul.f32 $5.000000000e-01, v58  }
0x20a: {  	vm13 =	vlt.f32 v23, $+Inf;
	v52 =	vmul.f32 v45, v45;
	vm2 =	vgt.f32 v58, $1.414213540e+00  }
0x20b: {  	vm14 =	vgt.f32 v23, $+Inf;
	v41 =	vmul.f32 v39, v41;
	v39 =	vsel vm2, v61, v58  }
0x20c: {  	v53 =	vadd.f32 $2.000000030e-01, v63;
	v63 =	vmul.f32 $1.111111120e-01, v52;
	v50 =	vadd.f32 $1.000000000e+00, v39  }
0x20d: {  	v37 =	vmul.f32 v37, v28;
	vm5 =	vmneg vm15;
	v47 =	vmul.f32 $5.000000000e+03, v59  }
0x20e: {  	v44 =	vadd.s32 $0xFFFFFF81, v54;
	(erf) = vrcp.f32 v50;
	v50 =	vadd.f32 $1.428571490e-01, v63  }
0x20f: {  	vm15 =	vlt.f32 v38, $+Inf;
	v56 =	vmul.f32 v53, v42;
	v44 =	vcvt.s32.f32 v44  }
0x210: {  	v60 =	vshrl.u32 v21, $0x17;
	(erf) = vrcp.f32 v47;
	v40 =	vmul.f32 v50, v52  }
0x211: {  	v27 =	vsel vm4, v9, v27;
	v49 =	vand.u32 $0xFF, v60;
	v48 =	vadd.f32 $3.333333430e-01, v56  }
0x212: {  	v62 =	vsel vm8, $0x1, v0;
	v44 =	vmul.f32 $6.931471820e-01, v44;
	v40 =	vadd.f32 $2.000000030e-01, v40  }
0x213: {  	vm4 =	vmor vm12, vm9;
	v49 =	vadd.s32 v62, v49;
	v42 =	vmul.f32 v48, v42  }
0x214: {  	v51 =	vadd.s32 $0xFFFFFF81, v49;
	v41 =	vadd.f32 v41, v44;
	v56 =	vmul.f32 v40, v52  }
0x215: {  	v43 =	vadd.f32 v43, v43;
	v59 =	vld [tilespmem:$0xBD0];
	v53 =	vcvt.s32.f32 v51;
	v42 =	vadd.f32 $1.000000000e+00, v42  }
0x216: {  	v9 =	vsel vm5, v16, v41;
	v47 =	vmul.f32 v46, v46;
	v16 =	vadd.f32 $3.333333430e-01, v56  }
0x217: {  	vm12 =	vgt.f32 v38, $+Inf;
	v54 =	vmul.f32 $6.931471820e-01, v53;
	v42 =	vmul.f32 v42, v43  }
0x218: {  	v34 =	vadd.f32 $-1.000000000e+00, v34;
	v55 =	vmul.f32 $1.111111120e-01, v47;
	v40 =	vpop (erf);
	v16 =	vmul.f32 v16, v52  }
0x219: {  	vm9 =	vlt.f32 v32, $+Inf;
	v45 =	vadd.f32 v45, v45;
	v57 =	vadd.f32 v42, v54;
	v52 =	vpop (erf)  }
0x21a: {  	v58 =	vadd.f32 $1.428571490e-01, v55;
	v42 =	vmul.f32 v52, v59;
	v16 =	vadd.f32 $1.000000000e+00, v16  }
0x21b: {  	vm4 =	vmneg vm4;
	vm6 =	vmor vm12, vm15;
	v60 =	vshrl.u32 v23, $0x17  }
0x21c: {  	v62 =	vmul.f32 v58, v47;
	v55 =	vmul.f32 v16, v45;
	v16 =	vadd.f32 $9.999999970e-07, v42  }
0x21d: {  	v49 =	vmul.f32 v31, v30;
	v43 =	vand.u32 $0xFF, v60;
	v61 =	vsel vm11, $0x1, v0  }
0x21e: {  	v21 =	vsel vm4, v21, v57;
	v63 =	vadd.f32 $2.000000030e-01, v62;
	v57 =	vand.u32 $0x7FFFFF, v16  }
0x21f: {  	v60 =	vmul.f32 v36, v36;
	v43 =	vadd.s32 v61, v43;
	v59 =	vld [tilespmem:$0x9E0];
	v33 =	vor.u32 $0x3F800000, v57  }
0x220: {  	v43 =	vadd.s32 $0xFFFFFF81, v43;
	v54 =	vmul.f32 v63, v47;
	v61 =	vmul.f32 $5.000000000e-01, v33  }
0x221: {  	v53 =	vcvt.s32.f32 v43;
	v58 =	vsel vm10, $0x1, v0;
	vm4 =	vgt.f32 v33, $1.414213540e+00  }
0x222: {  	v56 =	vshrl.u32 v38, $0x17;
	v43 =	vadd.f32 $3.333333430e-01, v54;
	v33 =	vsel vm4, v61, v33  }
0x223: {  	v62 =	vmul.f32 $1.111111120e-01, v60;
	v42 =	vand.u32 $0xFF, v56;
	v63 =	vadd.f32 $1.000000000e+00, v33  }
0x224: {  	v43 =	vmul.f32 v43, v47;
	v42 =	vadd.s32 v58, v42;
	v47 =	vmul.f32 $5.000000000e+03, v59  }
0x225: {  	v48 =	vadd.f32 $1.428571490e-01, v62;
	v42 =	vadd.s32 $0xFFFFFF81, v42;
	(erf) = vrcp.f32 v63  }
0x226: {  	vm15 =	vgt.f32 v29, $+Inf;
	v42 =	vcvt.s32.f32 v42;
	(erf) = vrcp.f32 v47  }
0x227: {  	vm12 =	vgt.f32 v25, $+Inf;
	v34 =	vmul.f32 v35, v34;
	v51 =	vmul.f32 v48, v60  }
0x228: {  	vm8 =	vgt.f32 v26, $+Inf;
	v52 =	vmul.f32 $6.931471820e-01, v42;
	v42 =	vmul.f32 v49, v49  }
0x229: {  	vm5 =	vmor vm14, vm13;
	v46 =	vadd.f32 v46, v46;
	v41 =	vmul.f32 $6.931471820e-01, v53  }
0x22a: {  	v30 =	vadd.f32 $2.000000030e-01, v51;
	v43 =	vadd.f32 $1.000000000e+00, v43;
	v53 =	vmul.f32 $1.111111120e-01, v42  }
0x22b: {  	v36 =	vadd.f32 v36, v36;
	vm5 =	vmneg vm5;
	v56 =	vld [tilespmem:$0xBE0];
	v41 =	vadd.f32 v55, v41  }
0x22c: {  	v54 =	vmul.f32 v30, v60;
	v43 =	vmul.f32 v43, v46;
	v55 =	vadd.f32 $1.428571490e-01, v53  }
0x22d: {  	vm11 =	vlt.f32 v25, $+Inf;
	vm13 =	vmneg vm6;
	v30 =	vsel vm5, v23, v41  }
0x22e: {  	v31 =	vadd.f32 v43, v52;
	v43 =	vadd.f32 $3.333333430e-01, v54;
	v23 =	vmul.f32 v55, v42;
	v46 =	vpop (erf)  }
0x22f: {  	vm14 =	vlt.f32 v29, $+Inf;
	vm10 =	vgt.f32 v32, $+Inf;
	v58 =	vshrl.u32 v29, $0x17;
	v59 =	vpop (erf)  }
0x230: {  	v43 =	vmul.f32 v43, v60;
	v23 =	vadd.f32 $2.000000030e-01, v23;
	v60 =	vmul.f32 v59, v56  }
0x231: {  	v48 =	vshrl.u32 v32, $0x17;
	v44 =	vand.u32 $0xFF, v58;
	v57 =	vsel vm7, $0x1, v0  }
0x232: {  	vm7 =	vlt.f32 v26, $+Inf;
	v62 =	vmul.f32 v23, v42;
	v23 =	vadd.f32 $9.999999970e-07, v60  }
0x233: {  	v31 =	vsel vm13, v38, v31;
	v38 =	vadd.s32 v57, v44;
	v44 =	vmul.f32 v37, v37  }
0x234: {  	vm5 =	vmor vm15, vm14;
	vm14 =	vlt.f32 v24, $+Inf;
	v52 =	vand.u32 $0x7FFFFF, v23  }
0x235: {  	vm15 =	vgt.f32 v24, $+Inf;
	v51 =	vmul.f32 $1.111111120e-01, v44;
	v55 =	vld [tilespmem:$0x9F0];
	v54 =	vor.u32 $0x3F800000, v52  }
0x236: {  	v53 =	vsel vm0, $0x1, v0;
	v50 =	vadd.f32 $3.333333430e-01, v62;
	v45 =	vmul.f32 $5.000000000e-01, v54  }
0x237: {  	v61 =	vadd.f32 $1.000000000e+00, v43;
	v43 =	vadd.f32 $1.428571490e-01, v51;
	vm0 =	vgt.f32 v54, $1.414213540e+00  }
0x238: {  	vm5 =	vmneg vm5;
	v41 =	vmul.f32 v50, v42;
	v42 =	vsel vm0, v45, v54  }
0x239: {  	v33 =	vadd.f32 $-1.000000000e+00, v33;
	v43 =	vmul.f32 v43, v44;
	v45 =	vadd.f32 $1.000000000e+00, v42  }
0x23a: {  	v37 =	vadd.f32 v37, v37;
	v38 =	vadd.s32 $0xFFFFFF81, v38;
	v57 =	vmul.f32 $5.000000000e+03, v55  }
0x23b: {  	v38 =	vcvt.s32.f32 v38;
	v43 =	vadd.f32 $2.000000030e-01, v43;
	(erf) = vrcp.f32 v45  }
0x23c: {  	v63 =	vmul.f32 v61, v36;
	v36 =	vand.u32 $0xFF, v48;
	(erf) = vrcp.f32 v57  }
0x23d: {  	v38 =	vmul.f32 $6.931471820e-01, v38;
	v61 =	vshrl.u32 v25, $0x17;
	v58 =	vmul.f32 v43, v44  }
0x23e: {  	v48 =	vadd.f32 $-1.000000000e+00, v39;
	v36 =	vadd.s32 v53, v36;
	v53 =	vshrl.u32 v24, $0x17  }
0x23f: {  	v36 =	vadd.s32 $0xFFFFFF81, v36;
	v28 =	vadd.f32 v63, v38;
	v60 =	vadd.f32 $3.333333430e-01, v58  }
0x240: {  	v63 =	vsel vm1, $0x1, v0;
	vm1 =	vmor vm10, vm9;
	vm9 =	vlt.f32 v16, $+Inf  }
0x241: {  	v47 =	vld [tilespmem:$0xBF0];
	vm10 =	vgt.f32 v16, $+Inf;
	v36 =	vcvt.s32.f32 v36;
	v35 =	vmul.f32 v60, v44  }
0x242: {  	vm1 =	vmneg vm1;
	v28 =	vsel vm5, v29, v28;
	v56 =	vadd.f32 v49, v49  }
0x243: {  	v62 =	vmul.f32 v34, v34;
	v41 =	vadd.f32 $1.000000000e+00, v41;
	v35 =	vadd.f32 $1.000000000e+00, v35  }
0x244: {  	v34 =	vadd.f32 v34, v34;
	v36 =	vmul.f32 $6.931471820e-01, v36;
	v33 =	vmul.f32 v46, v33;
	v39 =	vpop (erf)  }
0x245: {  	v41 =	vmul.f32 v41, v56;
	v56 =	vsel vm3, $0x1, v0;
	v35 =	vmul.f32 v35, v37;
	v51 =	vpop (erf)  }
0x246: {  	vm3 =	vmor vm15, vm14;
	v37 =	vmul.f32 v40, v48;
	v40 =	vmul.f32 v51, v47  }
0x247: {  	v44 =	vmul.f32 v33, v33;
	v60 =	vsel vm2, $0x1, v0;
	vm2 =	vmor vm8, vm7  }
0x248: {  	v59 =	vadd.f32 v41, v36;
	v36 =	vand.u32 $0xFF, v61;
	v29 =	vadd.f32 $9.999999970e-07, v40  }
0x249: {  	vm6 =	vmneg vm3;
	vm2 =	vmneg vm2;
	v36 =	vadd.s32 v63, v36  }
0x24a: {  	v61 =	vmul.f32 $1.111111120e-01, v44;
	v63 =	vshrl.u32 v26, $0x17;
	v57 =	vand.u32 $0x7FFFFF, v29  }
0x24b: {  	v36 =	vadd.s32 $0xFFFFFF81, v36;
	v32 =	vsel vm1, v32, v59;
	v58 =	vor.u32 $0x3F800000, v57  }
0x24c: {  	vm1 =	vmor vm12, vm11;
	vm11 =	vlt.f32 v23, $+Inf;
	v59 =	vmul.f32 $5.000000000e-01, v58  }
0x24d: {  	vm12 =	vgt.f32 v23, $+Inf;
	v36 =	vcvt.s32.f32 v36;
	vm13 =	vgt.f32 v58, $1.414213540e+00  }
0x24e: {  	vm1 =	vmneg vm1;
	v45 =	vmul.f32 $1.111111120e-01, v62;
	v38 =	vsel vm13, v59, v58  }
0x24f: {  	v54 =	vand.u32 $0xFF, v53;
	v48 =	vand.u32 $0xFF, v63;
	v43 =	vadd.f32 $1.000000000e+00, v38  }
0x250: {  	v63 =	vadd.f32 v33, v33;
	v33 =	vsel vm0, $0x1, v0;
	v41 =	vadd.f32 $1.428571490e-01, v45  }
0x251: {  	vm0 =	vmor vm10, vm9;
	v52 =	vmul.f32 v37, v37;
	(erf) = vrcp.f32 v43  }
0x252: {  	v42 =	vadd.f32 $-1.000000000e+00, v42;
	v49 =	vmul.f32 $6.931471820e-01, v36;
	v50 =	vmul.f32 v41, v62  }
0x253: {  	[tilespmem:$0x820] =	vst v3;
	v3 =	vadd.s32 v60, v48;
	vm0 =	vmneg vm0;
	v55 =	vmul.f32 $1.111111120e-01, v52  }
0x254: {  	v3 =	vadd.s32 $0xFFFFFF81, v3;
	v35 =	vadd.f32 v35, v49;
	v36 =	vadd.f32 $2.000000030e-01, v50  }
0x255: {  	v3 =	vcvt.s32.f32 v3;
	v45 =	vadd.f32 $1.428571490e-01, v61;
	v40 =	vadd.f32 $1.428571490e-01, v55  }
0x256: {  	[tilespmem:$0x800] =	vst v1;
	v25 =	vsel vm1, v25, v35;
	v35 =	vadd.s32 v56, v54;
	v36 =	vmul.f32 v36, v62  }
0x257: {  	[tilespmem:$0x810] =	vst v2;
	v3 =	vmul.f32 $6.931471820e-01, v3;
	v35 =	vadd.s32 $0xFFFFFF81, v35;
	v40 =	vmul.f32 v40, v52  }
0x258: {  	[tilespmem:$0x830] =	vst v4;
	v35 =	vcvt.s32.f32 v35;
	v36 =	vadd.f32 $3.333333430e-01, v36;
	v49 =	vmul.f32 v39, v42  }
0x259: {  	[tilespmem:$0x840] =	vst v6;
	v50 =	vmul.f32 v45, v44;
	v40 =	vadd.f32 $2.000000030e-01, v40;
	v54 =	vadd.f32 $-1.000000000e+00, v38  }
0x25a: {  	[tilespmem:$0x860] =	vst v7;
	v56 =	vshrl.u32 v16, $0x17;
	v36 =	vmul.f32 v36, v62;
	v53 =	vmul.f32 v49, v49;
	v55 =	vpop (erf)  }
0x25b: {  	[tilespmem:$0x870] =	vst v8;
	v8 =	vand.u32 $0xFF, v56;
	v40 =	vmul.f32 v40, v52;
	v7 =	vmul.f32 v55, v54  }
0x25c: {  	[tilespmem:$0x850] =	vst v5;
	v35 =	vmul.f32 $6.931471820e-01, v35;
	v36 =	vadd.f32 $1.000000000e+00, v36;
	v57 =	vmul.f32 $1.111111120e-01, v53  }
0x25d: {  	[tilespmem:$0x880] =	vst v13;
	v51 =	vadd.f32 v37, v37;
	v62 =	vadd.f32 $3.333333430e-01, v40;
	v60 =	vmul.f32 v7, v7  }
0x25e: {  	[tilespmem:$0x890] =	vst v12;
	vm14 =	vgt.f32 v29, $+Inf;
	v34 =	vmul.f32 v36, v34;
	v59 =	vadd.f32 $1.428571490e-01, v57  }
0x25f: {  	[tilespmem:$0x8A0] =	vst v20;
	v47 =	vmul.f32 v62, v52;
	v52 =	vadd.f32 $2.000000030e-01, v50;
	v62 =	vmul.f32 $1.111111120e-01, v60  }
0x260: {  	[tilespmem:$0x8B0] =	vst v18;
	v2 =	vadd.f32 v34, v35;
	v58 =	vsel vm4, $0x1, v0;
	v61 =	vmul.f32 v59, v53  }
0x261: {  	[tilespmem:$0x8C0] =	vst v22;
	v8 =	vadd.s32 v58, v8;
	v6 =	vmul.f32 v52, v44;
	v13 =	vadd.f32 $1.428571490e-01, v62  }
0x262: {  	[tilespmem:$0x8D0] =	vst v19;
	v8 =	vadd.s32 $0xFFFFFF81, v8;
	v12 =	vadd.f32 $2.000000030e-01, v61;
	v34 =	vadd.f32 $1.000000000e+00, v47  }
0x263: {  	[tilespmem:$0x8E0] =	vst v17;
	v8 =	vcvt.s32.f32 v8;
	v6 =	vadd.f32 $3.333333430e-01, v6;
	v22 =	vmul.f32 v13, v60  }
0x264: {  	[tilespmem:$0x8F0] =	vst v15;
	v36 =	vshrl.u32 v29, $0x17;
	v20 =	vmul.f32 v12, v53;
	v4 =	vmul.f32 v34, v51  }
0x265: {  	[tilespmem:$0x940] =	vst v9;
	v9 =	vand.u32 $0xFF, v36;
	v6 =	vmul.f32 v6, v44;
	v12 =	vadd.f32 $2.000000030e-01, v22  }
0x266: {  	[tilespmem:$0x900] =	vst v14;
	v19 =	vmul.f32 $6.931471820e-01, v8;
	v8 =	vadd.f32 $3.333333430e-01, v20;
	v3 =	vadd.f32 v4, v3  }
0x267: {  	[tilespmem:$0x910] =	vst v11;
	v37 =	vsel vm13, $0x1, v0;
	v6 =	vadd.f32 $1.000000000e+00, v6;
	v34 =	vmul.f32 v12, v60  }
0x268: {  	[tilespmem:$0x920] =	vst v10;
	v5 =	vmul.f32 v8, v53;
	v3 =	vsel vm2, v26, v3;
	v26 =	vshrl.u32 v23, $0x17  }
0x269: {  	[tilespmem:$0x930] =	vst v27;
	v18 =	vmul.f32 v6, v63;
	v6 =	vand.u32 $0xFF, v26;
	v8 =	vadd.f32 $3.333333430e-01, v34  }
0x26a: {  	[tilespmem:$0x950] =	vst v21;
	v35 =	vadd.f32 v49, v49;
	v9 =	vadd.s32 v37, v9;
	v6 =	vadd.s32 v33, v6  }
0x26b: {  	[tilespmem:$0x960] =	vst v30;
	vm13 =	vlt.f32 v29, $+Inf;
	v6 =	vadd.s32 $0xFFFFFF81, v6;
	v8 =	vmul.f32 v8, v60  }
0x26c: {  	[tilespmem:$0x970] =	vst v31;
	v9 =	vadd.s32 $0xFFFFFF81, v9;
	v5 =	vadd.f32 $1.000000000e+00, v5;
	v6 =	vcvt.s32.f32 v6  }
0x26d: {  	[tilespmem:$0x980] =	vst v28;
	v9 =	vcvt.s32.f32 v9;
	v7 =	vadd.f32 v7, v7;
	v8 =	vadd.f32 $1.000000000e+00, v8  }
0x26e: {  	[tilespmem:$0x990] =	vst v32;
	v5 =	vmul.f32 v5, v35;
	v4 =	vadd.f32 v18, v19;
	v6 =	vmul.f32 $6.931471820e-01, v6  }
0x26f: {  	[tilespmem:$0x9A0] =	vst v25;
	v2 =	vsel vm6, v24, v2;
	v39 =	vmul.f32 $6.931471820e-01, v9;
	v38 =	vmul.f32 v8, v7  }
0x270: {  	[tilespmem:$0x9B0] =	vst v2;
	v4 =	vsel vm0, v16, v4;
	vm0 =	vmor vm12, vm11;
	v5 =	vadd.f32 v5, v6  }
0x271: {  	vm1 =	vmor vm14, vm13;
	[tilespmem:$0x9C0] =	vst v3;
	vm0 =	vmneg vm0;
	v2 =	vadd.f32 v38, v39  }
0x272: {  	vm15 =	vmneg vm1;
	[tilespmem:$0x9D0] =	vst v4;
	v3 =	vsel vm0, v23, v5  }
0x273: {  	[tilespmem:$0x9E0] =	vst v3;
	v2 =	vsel vm15, v29, v2  }
0x274: {  	[tilespmem:$0x9F0] =	vst v2  }
0x275: {  	_ =	swait.ge [sflag:s18], $0x200  }
0x276: {  	[sflag:s18] =	ssyncset.done $0x0  }
0x277: {  	[sflag:s18] =	ssyncadd.s32 $0xFFFFFE00  }
0x278: {  	v2 =	vld [tilespmem:$0x200]  }
0x279: {  	v3 =	vld [tilespmem:$0x210]  }
0x27a: {  	v4 =	vld [tilespmem:$0x810]  }
0x27b: {  	v5 =	vld [tilespmem:$0x220]  }
0x27c: {  	v40 =	vld [tilespmem:$0x820]  }
0x27d: {  	v7 =	vld [tilespmem:$0x230]  }
0x27e: {  	v41 =	vld [tilespmem:$0x830]  }
0x27f: {  	v9 =	vld [tilespmem:$0x240]  }
0x280: {  	v42 =	vld [tilespmem:$0x840]  }
0x281: {  	v11 =	vld [tilespmem:$0x250]  }
0x282: {  	v43 =	vld [tilespmem:$0x850]  }
0x283: {  	v13 =	vld [tilespmem:$0x260]  }
0x284: {  	v44 =	vld [tilespmem:$0x860]  }
0x285: {  	v15 =	vld [tilespmem:$0x270]  }
0x286: {  	v45 =	vld [tilespmem:$0x870]  }
0x287: {  	v17 =	vld [tilespmem:$0x280]  }
0x288: {  	v46 =	vld [tilespmem:$0x880]  }
0x289: {  	v19 =	vld [tilespmem:$0x290]  }
0x28a: {  	v47 =	vld [tilespmem:$0x890]  }
0x28b: {  	v21 =	vld [tilespmem:$0x2A0]  }
0x28c: {  	v48 =	vld [tilespmem:$0x8A0]  }
0x28d: {  	v49 =	vld [tilespmem:$0x2B0]  }
0x28e: {  	v50 =	vld [tilespmem:$0x8B0]  }
0x28f: {  	v51 =	vld [tilespmem:$0x2C0]  }
0x290: {  	v52 =	vld [tilespmem:$0x8C0]  }
0x291: {  	v53 =	vld [tilespmem:$0x2D0]  }
0x292: {  	v54 =	vld [tilespmem:$0x8D0]  }
0x293: {  	v55 =	vld [tilespmem:$0x2E0]  }
0x294: {  	v56 =	vld [tilespmem:$0x8E0]  }
0x295: {  	v57 =	vld [tilespmem:$0x2F0]  }
0x296: {  	v58 =	vld [tilespmem:$0x8F0]  }
0x297: {  	v59 =	vld [tilespmem:$0x300]  }
0x298: {  	v60 =	vld [tilespmem:$0x900]  }
0x299: {  	v61 =	vld [tilespmem:$0x310]  }
0x29a: {  	v62 =	vld [tilespmem:$0x910]  }
0x29b: {  	v63 =	vld [tilespmem:$0x320]  }
0x29c: {  	v39 =	vld [tilespmem:$0x330];
	v1 =	vadd.f32 v2, v1  }
0x29d: {  	v2 =	vld [tilespmem:$0x920];
	v3 =	vadd.f32 v4, v3  }
0x29e: {  	[tilespmem:$0x200] =	vst v1;
	v1 =	vadd.f32 v40, v5;
	v40 =	vld [tilespmem:$0x930]  }
0x29f: {  	[tilespmem:$0x210] =	vst v3;
	v3 =	vadd.f32 v41, v7;
	v41 =	vld [tilespmem:$0x340]  }
0x2a0: {  	[tilespmem:$0x220] =	vst v1;
	v1 =	vadd.f32 v42, v9;
	v42 =	vld [tilespmem:$0x940]  }
0x2a1: {  	[tilespmem:$0x230] =	vst v3;
	v3 =	vadd.f32 v43, v11;
	v43 =	vld [tilespmem:$0x350]  }
0x2a2: {  	[tilespmem:$0x240] =	vst v1;
	v1 =	vadd.f32 v44, v13;
	v44 =	vld [tilespmem:$0x950]  }
0x2a3: {  	[tilespmem:$0x250] =	vst v3;
	v3 =	vadd.f32 v45, v15;
	v45 =	vld [tilespmem:$0x360]  }
0x2a4: {  	[tilespmem:$0x260] =	vst v1;
	v1 =	vadd.f32 v46, v17;
	v46 =	vld [tilespmem:$0x960]  }
0x2a5: {  	[tilespmem:$0x270] =	vst v3;
	v3 =	vadd.f32 v47, v19;
	v47 =	vld [tilespmem:$0x370]  }
0x2a6: {  	[tilespmem:$0x280] =	vst v1;
	v1 =	vadd.f32 v48, v21;
	v48 =	vld [tilespmem:$0x970]  }
0x2a7: {  	[tilespmem:$0x290] =	vst v3;
	v3 =	vadd.f32 v50, v49;
	v49 =	vld [tilespmem:$0x380]  }
0x2a8: {  	v50 =	vld [tilespmem:$0x980];
	[tilespmem:$0x2A0] =	vst v1;
	v1 =	vadd.f32 v52, v51  }
0x2a9: {  	[tilespmem:$0x2B0] =	vst v3;
	v3 =	vadd.f32 v54, v53;
	v51 =	vld [tilespmem:$0x390]  }
0x2aa: {  	v52 =	vld [tilespmem:$0x990];
	[tilespmem:$0x2C0] =	vst v1;
	v1 =	vadd.f32 v56, v55  }
0x2ab: {  	v53 =	vld [tilespmem:$0x3A0];
	[tilespmem:$0x2D0] =	vst v3;
	v3 =	vadd.f32 v58, v57  }
0x2ac: {  	v54 =	vld [tilespmem:$0x9A0];
	[tilespmem:$0x2E0] =	vst v1;
	v1 =	vadd.f32 v60, v59  }
0x2ad: {  	v55 =	vld [tilespmem:$0x3B0];
	[tilespmem:$0x2F0] =	vst v3;
	v3 =	vadd.f32 v62, v61  }
0x2ae: {  	v56 =	vld [tilespmem:$0x3C0];
	[tilespmem:$0x300] =	vst v1;
	v1 =	vadd.f32 v2, v63  }
0x2af: {  	v2 =	vld [tilespmem:$0x9B0];
	[tilespmem:$0x310] =	vst v3;
	v3 =	vadd.f32 v40, v39  }
0x2b0: {  	v57 =	vld [tilespmem:$0x9C0];
	[tilespmem:$0x320] =	vst v1;
	v1 =	vadd.f32 v42, v41  }
0x2b1: {  	v58 =	vld [tilespmem:$0x3D0];
	[tilespmem:$0x330] =	vst v3;
	v3 =	vadd.f32 v44, v43  }
0x2b2: {  	v59 =	vld [tilespmem:$0x9D0];
	[tilespmem:$0x340] =	vst v1;
	v1 =	vadd.f32 v46, v45  }
0x2b3: {  	v60 =	vld [tilespmem:$0x3E0];
	[tilespmem:$0x350] =	vst v3;
	v3 =	vadd.f32 v48, v47  }
0x2b4: {  	v62 =	vld [tilespmem:$0x3F0];
	v2 =	vadd.f32 v2, v55;
	[tilespmem:$0x360] =	vst v1  }
0x2b5: {  	v63 =	vld [tilespmem:$0x9F0];
	v1 =	vadd.f32 v50, v49;
	[tilespmem:$0x370] =	vst v3  }
0x2b6: {  	v61 =	vld [tilespmem:$0x9E0];
	v3 =	vadd.f32 v52, v51;
	[tilespmem:$0x3B0] =	vst v2  }
0x2b7: {  	[tilespmem:$0x380] =	vst v1;
	v1 =	vadd.f32 v54, v53  }
0x2b8: {  	v2 =	vadd.f32 v59, v58;
	[tilespmem:$0x390] =	vst v3  }
0x2b9: {  	[tilespmem:$0x3A0] =	vst v1;
	v1 =	vadd.f32 v57, v56  }
0x2ba: {  	[tilespmem:$0x3D0] =	vst v2;
	v2 =	vadd.f32 v63, v62  }
0x2bb: {  	[tilespmem:$0x3C0] =	vst v1;
	v1 =	vadd.f32 v61, v60  }
0x2bc: {  	[tilespmem:$0x3F0] =	vst v2  }
0x2bd: {  	[tilespmem:$0x3E0] =	vst v1  }
0x2be: {  	[hbm4b:s9+s2] =	stream.linear.scatter [tilespmem:s14], [sflag:$0x4], $0x200, $0x38;
	[tilespmem:$0xC00] =	vst v63  }
0x2bf: {  	_ =	swait.ge [sflag:s19], $0x200  }
0x2c0: {  	[sflag:s19] =	ssyncset.done $0x0  }
0x2c1: {  	[sflag:s19] =	ssyncadd.s32 $0xFFFFFE00  }
0x2c2: {  	_ =	swait.ge [sflag:s19], $0x200  }
0x2c3: {  	[sflag:s19] =	ssyncset.done $0x0  }
0x2c4: {  	[sflag:s19] =	ssyncadd.s32 $0xFFFFFE00  }
0x2c5: {  	[hbm4b:s20+s2] =	stream.linear.scatter [tilespmem:s15], [sflag:$0x4], $0x200, $0x38;
	[tilespmem:$0xC00] =	vst v63  }
0x2c6: {  	_ = 	snop  }
0x2c7: {  	[hbm4b:s21+s2] =	stream.linear.scatter [tilespmem:s16], [sflag:$0x4], $0x200, $0x38;
	[tilespmem:$0xC00] =	vst v63  }
0x2c8: {  	_ =	swait.ge [sflag:s22], $0x200  }
0x2c9: {  	[sflag:s22] =	ssyncset.done $0x0  }
0x2ca: {  	[sflag:s22] =	ssyncadd.s32 $0xFFFFFE00  }
0x2cb: {  	p0 =	sne.s32 s10, $0x1;
	_ =	swait.ge [sflag:s22], $0x200  }
.Ltmp0:
0x2cc: {  	[sflag:s22] =	ssyncset.done $0x0;
	(pc) =	sbr.rel @p0 .LBB2_1-.Ltmp0, $4  }
0x2cd: {  	[sflag:s22] =	ssyncadd.s32 $0xFFFFFE00  }
0x2ce: {  	_ =	swait.ge [sflag:s22], $0x200  }
0x2cf: {  	[sflag:s22] =	ssyncset.done $0x0  }
0x2d0: {  	s10 =	sadd.s32 $0xFFFFFFFF, s10;
	[sflag:s22] =	ssyncadd.s32 $0xFFFFFE00  }
0x2d1: {  	_ =	sfence.sel $0x180000  }
0x2d2: {  	[bflag:$0x0] =	sbarrier.arrive $0xFFFF  }
0x2d3: {  	p0 =	sne.s32 s1, $0x0;
	_ =	strace $0x90000047  }
0x2d4: {  	s0 =	sadd.s32 @!p0 $0x100000, s0;
	[bflag:$0x2] =	sbarrier.arrive $0xFFFF  }
0x2d5: {  	[sflag:s0] =	ssyncadd.tile.s32 @!p0 $0x1;
	_ =	shalt  }
.Lfunc_end2:
_tile_overlayer_lowered:
.L_overlay_start_2:
0x2d6: {  	(tag) =	ssettag $0x2  }
0x2d7: {  	s0 =	rddreg [dreg:$0x0];
	s2 =	stileid.u32  }
0x2d8: {  	s1 =	rddreg [dreg:$0x1];
	p0 =	sne.s32 s2, $0x0  }
0x2d9: {  	s3 =	rddreg [dreg:$0x2];
	[bflag:$0x3] =	sbarrier.arrive $0xFFFF;
	s2 =	simm.s32 @!p0 $0x1C05  }
0x2da: {  	[timem:s3], [sflag:s2] =	dma.local @!p0 [hbm:s0], s1  }
0x2db: {  	s0 =	simm.s32 @!p0 $0x5  }
0x2dc: {  	_ =	swait.ge @!p0 [sflag:s0], s1  }
0x2dd: {  	s1 =	ssub.s32 @!p0 $0x0, s1;
	[sflag:s0] =	ssyncset.done @!p0 $0x0  }
0x2de: {  	[sflag:s0] =	ssyncadd.s32 @!p0 s1  }
0x2df: {  	[bflag:$0x3] =	sbarrier.arrive $0xFFFF  }
0x2e0: {  	_ =	shalt  }

</sc_bundles>
